<compile_context>
chip_gen: v7x
topology: tpu7x:2x2x1
jax: 0.10.2.dev20260603
libtpu: 0.0.44.dev20260713+nightly
codegen_flags: <defaults>
</compile_context>

<pallas_src>
import functools

import jax
import jax.numpy as jnp
from jax import lax
from jax.experimental import pallas as pl
from jax.experimental.pallas import tpu as pltpu
from jax.experimental.pallas import tpu_sc as plsc


def _grouping_body(points_hbm, idx_hbm, out_hbm, idx_v, row_v, out_v):
    B, C, N = points_hbm.shape
    _, S, Q = idx_hbm.shape
    info = plsc.get_sparse_core_info()
    NC, NS, L = info.num_cores, info.num_subcores, info.num_lanes
    NW = NC * NS
    tiles_per_b = NW // B
    c_per_tile = C // tiles_per_b

    wid = lax.axis_index("s") * NC + lax.axis_index("c")
    b = wid // tiles_per_b
    c0 = (wid % tiles_per_b) * c_per_tile

    QS = S * Q
    blocks_per_s = Q // L
    pltpu.sync_copy(idx_hbm.at[b], idx_v)

    for j in range(c_per_tile):
        cc = c0 + j
        pltpu.sync_copy(points_hbm.at[b, cc], row_v)

        @plsc.parallel_loop(0, QS // L, unroll=8)
        def _gather(i):
            s = i // blocks_per_s
            qo = (i % blocks_per_s) * L
            iv = idx_v[s, pl.ds(qo, L)]
            out_v[s, pl.ds(qo, L)] = plsc.load_gather(row_v, [iv])

        pltpu.sync_copy(out_v, out_hbm.at[b, cc])


def _make_grouping(B, C, N, S, Q):
    return functools.partial(
        pl.kernel,
        out_type=jax.ShapeDtypeStruct((B, C, S, Q), jnp.float32),
        mesh=plsc.VectorSubcoreMesh(core_axis_name="c", subcore_axis_name="s"),
        compiler_params=pltpu.CompilerParams(needs_layout_passes=False),
        scratch_types=[
            pltpu.VMEM((S, Q), jnp.int32),
            pltpu.VMEM((N,), jnp.float32),
            pltpu.VMEM((S, Q), jnp.float32),
        ],
    )(_grouping_body)


@jax.jit
def kernel(points, idx):
    B, C, N = points.shape
    _, npoint, nsample = idx.shape
    idx_t = jnp.transpose(idx.astype(jnp.int32), (0, 2, 1))
    out_t = _make_grouping(B, C, N, nsample, npoint)(points, idx_t)
    return jnp.transpose(out_t, (0, 1, 3, 2))

# --- scband reference (transcript-rebuilt; emitter-appended) ---
"""Pipeline reference for scband-grouping-operation-16346645529139 (READ-ONLY COPY).

The authoritative reference and input builder live on the scoring server;
editing this copy changes nothing except your own understanding.
"""

import jax, jax.numpy as jnp
import numpy as np


def setup_inputs(seed: int = 0) -> dict:
    key = jax.random.key(seed)
    k1, k2 = jax.random.split(key)
    points = jax.random.normal(k1, (8, 64, 16384), dtype=jnp.float32)
    idx = jax.random.randint(k2, (8, 1024, 32), 0, 16384, dtype=jnp.int32)
    return {"points": points, "idx": idx}


def reference(points, idx):
    B, C, N = points.shape
    _, npoint, nsample = idx.shape
    idx = idx.astype(jnp.int32)
    points_flat = points.reshape(B * C, N)
    idx_flat = idx.reshape(B, npoint * nsample)
    idx_expand = jnp.broadcast_to(idx_flat[:, None, :], (B, C, npoint * nsample)).reshape(B * C, npoint * nsample)
    out_flat = jnp.take_along_axis(points_flat, idx_expand, axis=1)
    output = out_flat.reshape(B, C, npoint, nsample)
    return output

if __name__ == "__main__":
    import jax
    _d = setup_inputs()
    print(jax.jit(kernel)(*tuple(_d.values())))

</pallas_src>

<mosaic_0001>
#map = affine_map<(d0, d1) -> (0, 0, 0)>
#map1 = affine_map<(d0, d1) -> (0, 0, 0, 0)>
module attributes {stable_mosaic.version = 14 : i64} {
  func.func @_grouping_body(%arg0: i32, %arg1: i32, %arg2: memref<8x64x16384xf32, #tpu.memory_space<hbm>>, %arg3: memref<8x32x1024xi32, #tpu.memory_space<hbm>>, %arg4: memref<8x64x32x1024xf32, #tpu.memory_space<hbm>>, %arg5: memref<32x1024xi32, #tpu.memory_space<vmem>>, %arg6: memref<16384xf32, #tpu.memory_space<vmem>>, %arg7: memref<32x1024xf32, #tpu.memory_space<vmem>>) attributes {dimension_semantics = [#tpu.dimension_semantics<core_parallel>, #tpu.dimension_semantics<subcore_parallel>], iteration_bounds = array<i64: 2, 16>, scalar_prefetch = 0 : i64, scratch_operands = 3 : i64, tpu.core_type = #tpu.core_type<sc_vector_subcore>, window_params = [{transform_indices = #map}, {transform_indices = #map}, {transform_indices = #map1}]} {
    %mul3A = arith.constant 2 : i32
    %mul3A_0 = arith.muli %arg1, %mul3A : i32
    %add3A = arith.addi %mul3A_0, %arg0 : i32
    %jit3A = arith.constant 4 : i32
    %div3A = arith.divsi %add3A, %jit3A : i32
    %sign3A = arith.constant 0 : i32
    %sign3A_1 = arith.cmpi sgt, %add3A, %sign3A : i32
    %sign3A_2 = arith.extui %sign3A_1 : i1 to i32
    %sign3A_3 = arith.constant 0 : i32
    %sign3A_4 = arith.cmpi slt, %add3A, %sign3A_3 : i32
    %sign3A_5 = arith.extui %sign3A_4 : i1 to i32
    %sign3A_6 = arith.subi %sign3A_2, %sign3A_5 : i32
    %sign3A_7 = arith.constant 0 : i32
    %sign3A_8 = arith.cmpi sgt, %jit3A, %sign3A_7 : i32
    %sign3A_9 = arith.extui %sign3A_8 : i1 to i32
    %sign3A_10 = arith.constant 0 : i32
    %sign3A_11 = arith.cmpi slt, %jit3A, %sign3A_10 : i32
    %sign3A_12 = arith.extui %sign3A_11 : i1 to i32
    %sign3A_13 = arith.subi %sign3A_9, %sign3A_12 : i32
    %ne3A = arith.cmpi ne, %sign3A_6, %sign3A_13 : i32
    %rem3A = arith.remsi %add3A, %jit3A : i32
    %ne3A_14 = arith.constant 0 : i32
    %ne3A_15 = arith.cmpi ne, %rem3A, %ne3A_14 : i32
    %and3A = arith.andi %ne3A, %ne3A_15 : i1
    %sub3A = arith.constant 1 : i32
    %sub3A_16 = arith.subi %div3A, %sub3A : i32
    %select_n3A = arith.select %and3A, %sub3A_16, %div3A : i32
    %jit3A_17 = arith.constant 4 : i32
    %eq3A = arith.constant 0 : i32
    %eq3A_18 = arith.cmpi eq, %jit3A_17, %eq3A : i32
    %jit3A_19 = arith.constant 1 : i32
    %select_n3A_20 = arith.select %eq3A_18, %jit3A_19, %jit3A_17 : i32
    %rem3A_21 = arith.remsi %add3A, %select_n3A_20 : i32
    %ne3A_22 = arith.constant 0 : i32
    %ne3A_23 = arith.cmpi ne, %rem3A_21, %ne3A_22 : i32
    %lt3A = arith.constant 0 : i32
    %lt3A_24 = arith.cmpi slt, %rem3A_21, %lt3A : i32
    %lt3A_25 = arith.constant 0 : i32
    %lt3A_26 = arith.cmpi slt, %select_n3A_20, %lt3A_25 : i32
    %ne3A_27 = arith.xori %lt3A_24, %lt3A_26 : i1
    %and3A_28 = arith.andi %ne3A_27, %ne3A_23 : i1
    %add3A_29 = arith.addi %rem3A_21, %select_n3A_20 : i32
    %select_n3A_30 = arith.select %and3A_28, %add3A_29, %rem3A_21 : i32
    %mul3A_31 = arith.constant 16 : i32
    %mul3A_32 = arith.muli %select_n3A_30, %mul3A_31 : i32
    "tpu.region"() ({
      %run_scoped3A = tpu.sem_alloc : memref<!tpu.dma_semaphore, #tpu.memory_space<semaphore_mem>>
      %dma_start3A = arith.constant 0 : i32
      %dma_start3A_112 = arith.constant 0 : i32
      %dma_start3A_113 = tpu.memref_slice %arg3[%select_n3A, %dma_start3A, %dma_start3A_112] : memref<8x32x1024xi32, #tpu.memory_space<hbm>> -> memref<1x32x1024xi32, #tpu.memory_space<hbm>>
      %dma_start3A_114 = tpu.memref_squeeze %dma_start3A_113 : memref<1x32x1024xi32, #tpu.memory_space<hbm>> -> memref<32x1024xi32, #tpu.memory_space<hbm>>
      %dma_start3A_115 = arith.constant 0 : i32
      %dma_start3A_116 = arith.constant 0 : i32
      %dma_start3A_117 = tpu.memref_slice %arg3[%select_n3A, %dma_start3A_115, %dma_start3A_116] : memref<8x32x1024xi32, #tpu.memory_space<hbm>> -> memref<1x32x1024xi32, #tpu.memory_space<hbm>>
      %dma_start3A_118 = tpu.memref_squeeze %dma_start3A_117 : memref<1x32x1024xi32, #tpu.memory_space<hbm>> -> memref<32x1024xi32, #tpu.memory_space<hbm>>
      tpu.enqueue_dma source(%dma_start3A_118 : memref<32x1024xi32, #tpu.memory_space<hbm>>) target(%arg5 : memref<32x1024xi32, #tpu.memory_space<vmem>>) target_semaphore(%run_scoped3A : memref<!tpu.dma_semaphore, #tpu.memory_space<semaphore_mem>>)
      %dma_wait3A = arith.constant 0 : i32
      %dma_wait3A_119 = arith.constant 0 : i32
      %dma_wait3A_120 = tpu.memref_slice %arg3[%select_n3A, %dma_wait3A, %dma_wait3A_119] : memref<8x32x1024xi32, #tpu.memory_space<hbm>> -> memref<1x32x1024xi32, #tpu.memory_space<hbm>>
      %dma_wait3A_121 = tpu.memref_squeeze %dma_wait3A_120 : memref<1x32x1024xi32, #tpu.memory_space<hbm>> -> memref<32x1024xi32, #tpu.memory_space<hbm>>
      %dma_wait3A_122 = arith.constant 0 : i32
      %dma_wait3A_123 = arith.constant 0 : i32
      %dma_wait3A_124 = tpu.memref_slice %arg3[%select_n3A, %dma_wait3A_122, %dma_wait3A_123] : memref<8x32x1024xi32, #tpu.memory_space<hbm>> -> memref<1x32x1024xi32, #tpu.memory_space<hbm>>
      %dma_wait3A_125 = tpu.memref_squeeze %dma_wait3A_124 : memref<1x32x1024xi32, #tpu.memory_space<hbm>> -> memref<32x1024xi32, #tpu.memory_space<hbm>>
      tpu.wait_dma2 semaphore(%run_scoped3A : memref<!tpu.dma_semaphore, #tpu.memory_space<semaphore_mem>>) src(%dma_wait3A_125 : memref<32x1024xi32, #tpu.memory_space<hbm>>) dst(%arg5 : memref<32x1024xi32, #tpu.memory_space<vmem>>)
      tpu.yield
    }) : () -> ()
    %add3A_33 = arith.constant 0 : i32
    %add3A_34 = arith.addi %mul3A_32, %add3A_33 : i32
    "tpu.region"() ({
      %run_scoped3A = tpu.sem_alloc : memref<!tpu.dma_semaphore, #tpu.memory_space<semaphore_mem>>
      %dma_start3A = arith.constant 0 : i32
      %dma_start3A_112 = tpu.memref_slice %arg2[%select_n3A, %add3A_34, %dma_start3A] : memref<8x64x16384xf32, #tpu.memory_space<hbm>> -> memref<1x1x16384xf32, #tpu.memory_space<hbm>>
      %dma_start3A_113 = tpu.memref_squeeze %dma_start3A_112 : memref<1x1x16384xf32, #tpu.memory_space<hbm>> -> memref<16384xf32, #tpu.memory_space<hbm>>
      %dma_start3A_114 = arith.constant 0 : i32
      %dma_start3A_115 = tpu.memref_slice %arg2[%select_n3A, %add3A_34, %dma_start3A_114] : memref<8x64x16384xf32, #tpu.memory_space<hbm>> -> memref<1x1x16384xf32, #tpu.memory_space<hbm>>
      %dma_start3A_116 = tpu.memref_squeeze %dma_start3A_115 : memref<1x1x16384xf32, #tpu.memory_space<hbm>> -> memref<16384xf32, #tpu.memory_space<hbm>>
      tpu.enqueue_dma source(%dma_start3A_116 : memref<16384xf32, #tpu.memory_space<hbm>>) target(%arg6 : memref<16384xf32, #tpu.memory_space<vmem>>) target_semaphore(%run_scoped3A : memref<!tpu.dma_semaphore, #tpu.memory_space<semaphore_mem>>)
      %dma_wait3A = arith.constant 0 : i32
      %dma_wait3A_117 = tpu.memref_slice %arg2[%select_n3A, %add3A_34, %dma_wait3A] : memref<8x64x16384xf32, #tpu.memory_space<hbm>> -> memref<1x1x16384xf32, #tpu.memory_space<hbm>>
      %dma_wait3A_118 = tpu.memref_squeeze %dma_wait3A_117 : memref<1x1x16384xf32, #tpu.memory_space<hbm>> -> memref<16384xf32, #tpu.memory_space<hbm>>
      %dma_wait3A_119 = arith.constant 0 : i32
      %dma_wait3A_120 = tpu.memref_slice %arg2[%select_n3A, %add3A_34, %dma_wait3A_119] : memref<8x64x16384xf32, #tpu.memory_space<hbm>> -> memref<1x1x16384xf32, #tpu.memory_space<hbm>>
      %dma_wait3A_121 = tpu.memref_squeeze %dma_wait3A_120 : memref<1x1x16384xf32, #tpu.memory_space<hbm>> -> memref<16384xf32, #tpu.memory_space<hbm>>
      tpu.wait_dma2 semaphore(%run_scoped3A : memref<!tpu.dma_semaphore, #tpu.memory_space<semaphore_mem>>) src(%dma_wait3A_121 : memref<16384xf32, #tpu.memory_space<hbm>>) dst(%arg6 : memref<16384xf32, #tpu.memory_space<vmem>>)
      tpu.yield
    }) : () -> ()
    %parallel_loop3A = arith.constant 0 : i32
    %parallel_loop3A_35 = arith.constant 2048 : i32
    %parallel_loop3A_36 = arith.constant 1 : i32
    scf.for %parallel_loop3A_112 = %parallel_loop3A to %parallel_loop3A_35 step %parallel_loop3A_36  : i32 {
      %parallel_loop3A_113 = arith.constant 64 : i32
      %parallel_loop3A_114 = arith.divsi %parallel_loop3A_112, %parallel_loop3A_113 : i32
      %parallel_loop3A_115 = arith.constant 0 : i32
      %parallel_loop3A_116 = arith.cmpi sgt, %parallel_loop3A_112, %parallel_loop3A_115 : i32
      %parallel_loop3A_117 = arith.extui %parallel_loop3A_116 : i1 to i32
      %parallel_loop3A_118 = arith.constant 0 : i32
      %parallel_loop3A_119 = arith.cmpi slt, %parallel_loop3A_112, %parallel_loop3A_118 : i32
      %parallel_loop3A_120 = arith.extui %parallel_loop3A_119 : i1 to i32
      %parallel_loop3A_121 = arith.subi %parallel_loop3A_117, %parallel_loop3A_120 : i32
      %parallel_loop3A_122 = arith.constant 0 : i32
      %parallel_loop3A_123 = arith.cmpi sgt, %parallel_loop3A_113, %parallel_loop3A_122 : i32
      %parallel_loop3A_124 = arith.extui %parallel_loop3A_123 : i1 to i32
      %parallel_loop3A_125 = arith.constant 0 : i32
      %parallel_loop3A_126 = arith.cmpi slt, %parallel_loop3A_113, %parallel_loop3A_125 : i32
      %parallel_loop3A_127 = arith.extui %parallel_loop3A_126 : i1 to i32
      %parallel_loop3A_128 = arith.subi %parallel_loop3A_124, %parallel_loop3A_127 : i32
      %parallel_loop3A_129 = arith.cmpi ne, %parallel_loop3A_121, %parallel_loop3A_128 : i32
      %parallel_loop3A_130 = arith.remsi %parallel_loop3A_112, %parallel_loop3A_113 : i32
      %parallel_loop3A_131 = arith.constant 0 : i32
      %parallel_loop3A_132 = arith.cmpi ne, %parallel_loop3A_130, %parallel_loop3A_131 : i32
      %parallel_loop3A_133 = arith.andi %parallel_loop3A_129, %parallel_loop3A_132 : i1
      %parallel_loop3A_134 = arith.constant 1 : i32
      %parallel_loop3A_135 = arith.subi %parallel_loop3A_114, %parallel_loop3A_134 : i32
      %parallel_loop3A_136 = arith.select %parallel_loop3A_133, %parallel_loop3A_135, %parallel_loop3A_114 : i32
      %parallel_loop3A_137 = arith.constant 64 : i32
      %parallel_loop3A_138 = arith.constant 0 : i32
      %parallel_loop3A_139 = arith.cmpi eq, %parallel_loop3A_137, %parallel_loop3A_138 : i32
      %parallel_loop3A_140 = arith.constant 1 : i32
      %parallel_loop3A_141 = arith.select %parallel_loop3A_139, %parallel_loop3A_140, %parallel_loop3A_137 : i32
      %parallel_loop3A_142 = arith.remsi %parallel_loop3A_112, %parallel_loop3A_141 : i32
      %parallel_loop3A_143 = arith.constant 0 : i32
      %parallel_loop3A_144 = arith.cmpi ne, %parallel_loop3A_142, %parallel_loop3A_143 : i32
      %parallel_loop3A_145 = arith.constant 0 : i32
      %parallel_loop3A_146 = arith.cmpi slt, %parallel_loop3A_142, %parallel_loop3A_145 : i32
      %parallel_loop3A_147 = arith.constant 0 : i32
      %parallel_loop3A_148 = arith.cmpi slt, %parallel_loop3A_141, %parallel_loop3A_147 : i32
      %parallel_loop3A_149 = arith.xori %parallel_loop3A_146, %parallel_loop3A_148 : i1
      %parallel_loop3A_150 = arith.andi %parallel_loop3A_149, %parallel_loop3A_144 : i1
      %parallel_loop3A_151 = arith.addi %parallel_loop3A_142, %parallel_loop3A_141 : i32
      %parallel_loop3A_152 = arith.select %parallel_loop3A_150, %parallel_loop3A_151, %parallel_loop3A_142 : i32
      %parallel_loop3A_153 = arith.constant 16 : i32
      %parallel_loop3A_154 = arith.muli %parallel_loop3A_152, %parallel_loop3A_153 : i32
      %parallel_loop3A_155 = arith.index_cast %parallel_loop3A_136 : i32 to index
      %parallel_loop3A_156 = arith.index_cast %parallel_loop3A_154 : i32 to index
      %parallel_loop3A_157 = tpu.vector_load %arg5[%parallel_loop3A_155, %parallel_loop3A_156] {strides = array<i32>} : memref<32x1024xi32, #tpu.memory_space<vmem>>, vector<16xi32>,
      %parallel_loop3A_158 = tpu.vector_load_idx %arg6[%parallel_loop3A_157] : memref<16384xf32, #tpu.memory_space<vmem>>[vector<16xi32>], vector<16xf32>,
      %parallel_loop3A_159 = arith.index_cast %parallel_loop3A_136 : i32 to index
      %parallel_loop3A_160 = arith.index_cast %parallel_loop3A_154 : i32 to index
      %parallel_loop3A_161 = tpu.vector_load %arg7[%parallel_loop3A_159, %parallel_loop3A_160] {strides = array<i32>} : memref<32x1024xf32, #tpu.memory_space<vmem>>, vector<16xf32>,
      tpu.vector_store %arg7[%parallel_loop3A_159, %parallel_loop3A_160], %parallel_loop3A_158 {strides = array<i32>} : memref<32x1024xf32, #tpu.memory_space<vmem>>, vector<16xf32>,
    } {sc.loop_unroll_factor = 8 : i64, sc.parallel_access}
    "tpu.region"() ({
      %run_scoped3A = tpu.sem_alloc : memref<!tpu.dma_semaphore, #tpu.memory_space<semaphore_mem>>
      %dma_start3A = arith.constant 0 : i32
      %dma_start3A_112 = arith.constant 0 : i32
      %dma_start3A_113 = tpu.memref_slice %arg4[%select_n3A, %add3A_34, %dma_start3A, %dma_start3A_112] : memref<8x64x32x1024xf32, #tpu.memory_space<hbm>> -> memref<1x1x32x1024xf32, #tpu.memory_space<hbm>>
      %dma_start3A_114 = tpu.memref_squeeze %dma_start3A_113 : memref<1x1x32x1024xf32, #tpu.memory_space<hbm>> -> memref<32x1024xf32, #tpu.memory_space<hbm>>
      %dma_start3A_115 = arith.constant 0 : i32
      %dma_start3A_116 = arith.constant 0 : i32
      %dma_start3A_117 = tpu.memref_slice %arg4[%select_n3A, %add3A_34, %dma_start3A_115, %dma_start3A_116] : memref<8x64x32x1024xf32, #tpu.memory_space<hbm>> -> memref<1x1x32x1024xf32, #tpu.memory_space<hbm>>
      %dma_start3A_118 = tpu.memref_squeeze %dma_start3A_117 : memref<1x1x32x1024xf32, #tpu.memory_space<hbm>> -> memref<32x1024xf32, #tpu.memory_space<hbm>>
      tpu.enqueue_dma source(%arg7 : memref<32x1024xf32, #tpu.memory_space<vmem>>) target(%dma_start3A_118 : memref<32x1024xf32, #tpu.memory_space<hbm>>) target_semaphore(%run_scoped3A : memref<!tpu.dma_semaphore, #tpu.memory_space<semaphore_mem>>)
      %dma_wait3A = arith.constant 0 : i32
      %dma_wait3A_119 = arith.constant 0 : i32
      %dma_wait3A_120 = tpu.memref_slice %arg4[%select_n3A, %add3A_34, %dma_wait3A, %dma_wait3A_119] : memref<8x64x32x1024xf32, #tpu.memory_space<hbm>> -> memref<1x1x32x1024xf32, #tpu.memory_space<hbm>>
      %dma_wait3A_121 = tpu.memref_squeeze %dma_wait3A_120 : memref<1x1x32x1024xf32, #tpu.memory_space<hbm>> -> memref<32x1024xf32, #tpu.memory_space<hbm>>
      %dma_wait3A_122 = arith.constant 0 : i32
      %dma_wait3A_123 = arith.constant 0 : i32
      %dma_wait3A_124 = tpu.memref_slice %arg4[%select_n3A, %add3A_34, %dma_wait3A_122, %dma_wait3A_123] : memref<8x64x32x1024xf32, #tpu.memory_space<hbm>> -> memref<1x1x32x1024xf32, #tpu.memory_space<hbm>>
      %dma_wait3A_125 = tpu.memref_squeeze %dma_wait3A_124 : memref<1x1x32x1024xf32, #tpu.memory_space<hbm>> -> memref<32x1024xf32, #tpu.memory_space<hbm>>
      tpu.wait_dma2 semaphore(%run_scoped3A : memref<!tpu.dma_semaphore, #tpu.memory_space<semaphore_mem>>) src(%arg7 : memref<32x1024xf32, #tpu.memory_space<vmem>>) dst(%dma_wait3A_125 : memref<32x1024xf32, #tpu.memory_space<hbm>>)
      tpu.yield
    }) : () -> ()
    %add3A_37 = arith.constant 1 : i32
    %add3A_38 = arith.addi %mul3A_32, %add3A_37 : i32
    "tpu.region"() ({
      %run_scoped3A = tpu.sem_alloc : memref<!tpu.dma_semaphore, #tpu.memory_space<semaphore_mem>>
      %dma_start3A = arith.constant 0 : i32
      %dma_start3A_112 = tpu.memref_slice %arg2[%select_n3A, %add3A_38, %dma_start3A] : memref<8x64x16384xf32, #tpu.memory_space<hbm>> -> memref<1x1x16384xf32, #tpu.memory_space<hbm>>
      %dma_start3A_113 = tpu.memref_squeeze %dma_start3A_112 : memref<1x1x16384xf32, #tpu.memory_space<hbm>> -> memref<16384xf32, #tpu.memory_space<hbm>>
      %dma_start3A_114 = arith.constant 0 : i32
      %dma_start3A_115 = tpu.memref_slice %arg2[%select_n3A, %add3A_38, %dma_start3A_114] : memref<8x64x16384xf32, #tpu.memory_space<hbm>> -> memref<1x1x16384xf32, #tpu.memory_space<hbm>>
      %dma_start3A_116 = tpu.memref_squeeze %dma_start3A_115 : memref<1x1x16384xf32, #tpu.memory_space<hbm>> -> memref<16384xf32, #tpu.memory_space<hbm>>
      tpu.enqueue_dma source(%dma_start3A_116 : memref<16384xf32, #tpu.memory_space<hbm>>) target(%arg6 : memref<16384xf32, #tpu.memory_space<vmem>>) target_semaphore(%run_scoped3A : memref<!tpu.dma_semaphore, #tpu.memory_space<semaphore_mem>>)
      %dma_wait3A = arith.constant 0 : i32
      %dma_wait3A_117 = tpu.memref_slice %arg2[%select_n3A, %add3A_38, %dma_wait3A] : memref<8x64x16384xf32, #tpu.memory_space<hbm>> -> memref<1x1x16384xf32, #tpu.memory_space<hbm>>
      %dma_wait3A_118 = tpu.memref_squeeze %dma_wait3A_117 : memref<1x1x16384xf32, #tpu.memory_space<hbm>> -> memref<16384xf32, #tpu.memory_space<hbm>>
      %dma_wait3A_119 = arith.constant 0 : i32
      %dma_wait3A_120 = tpu.memref_slice %arg2[%select_n3A, %add3A_38, %dma_wait3A_119] : memref<8x64x16384xf32, #tpu.memory_space<hbm>> -> memref<1x1x16384xf32, #tpu.memory_space<hbm>>
      %dma_wait3A_121 = tpu.memref_squeeze %dma_wait3A_120 : memref<1x1x16384xf32, #tpu.memory_space<hbm>> -> memref<16384xf32, #tpu.memory_space<hbm>>
      tpu.wait_dma2 semaphore(%run_scoped3A : memref<!tpu.dma_semaphore, #tpu.memory_space<semaphore_mem>>) src(%dma_wait3A_121 : memref<16384xf32, #tpu.memory_space<hbm>>) dst(%arg6 : memref<16384xf32, #tpu.memory_space<vmem>>)
      tpu.yield
    }) : () -> ()
    %parallel_loop3A_39 = arith.constant 0 : i32
    %parallel_loop3A_40 = arith.constant 2048 : i32
    %parallel_loop3A_41 = arith.constant 1 : i32
    scf.for %parallel_loop3A_112 = %parallel_loop3A_39 to %parallel_loop3A_40 step %parallel_loop3A_41  : i32 {
      %parallel_loop3A_113 = arith.constant 64 : i32
      %parallel_loop3A_114 = arith.divsi %parallel_loop3A_112, %parallel_loop3A_113 : i32
      %parallel_loop3A_115 = arith.constant 0 : i32
      %parallel_loop3A_116 = arith.cmpi sgt, %parallel_loop3A_112, %parallel_loop3A_115 : i32
      %parallel_loop3A_117 = arith.extui %parallel_loop3A_116 : i1 to i32
      %parallel_loop3A_118 = arith.constant 0 : i32
      %parallel_loop3A_119 = arith.cmpi slt, %parallel_loop3A_112, %parallel_loop3A_118 : i32
      %parallel_loop3A_120 = arith.extui %parallel_loop3A_119 : i1 to i32
      %parallel_loop3A_121 = arith.subi %parallel_loop3A_117, %parallel_loop3A_120 : i32
      %parallel_loop3A_122 = arith.constant 0 : i32
      %parallel_loop3A_123 = arith.cmpi sgt, %parallel_loop3A_113, %parallel_loop3A_122 : i32
      %parallel_loop3A_124 = arith.extui %parallel_loop3A_123 : i1 to i32
      %parallel_loop3A_125 = arith.constant 0 : i32
      %parallel_loop3A_126 = arith.cmpi slt, %parallel_loop3A_113, %parallel_loop3A_125 : i32
      %parallel_loop3A_127 = arith.extui %parallel_loop3A_126 : i1 to i32
      %parallel_loop3A_128 = arith.subi %parallel_loop3A_124, %parallel_loop3A_127 : i32
      %parallel_loop3A_129 = arith.cmpi ne, %parallel_loop3A_121, %parallel_loop3A_128 : i32
      %parallel_loop3A_130 = arith.remsi %parallel_loop3A_112, %parallel_loop3A_113 : i32
      %parallel_loop3A_131 = arith.constant 0 : i32
      %parallel_loop3A_132 = arith.cmpi ne, %parallel_loop3A_130, %parallel_loop3A_131 : i32
      %parallel_loop3A_133 = arith.andi %parallel_loop3A_129, %parallel_loop3A_132 : i1
      %parallel_loop3A_134 = arith.constant 1 : i32
      %parallel_loop3A_135 = arith.subi %parallel_loop3A_114, %parallel_loop3A_134 : i32
      %parallel_loop3A_136 = arith.select %parallel_loop3A_133, %parallel_loop3A_135, %parallel_loop3A_114 : i32
      %parallel_loop3A_137 = arith.constant 64 : i32
      %parallel_loop3A_138 = arith.constant 0 : i32
      %parallel_loop3A_139 = arith.cmpi eq, %parallel_loop3A_137, %parallel_loop3A_138 : i32
      %parallel_loop3A_140 = arith.constant 1 : i32
      %parallel_loop3A_141 = arith.select %parallel_loop3A_139, %parallel_loop3A_140, %parallel_loop3A_137 : i32
      %parallel_loop3A_142 = arith.remsi %parallel_loop3A_112, %parallel_loop3A_141 : i32
      %parallel_loop3A_143 = arith.constant 0 : i32
      %parallel_loop3A_144 = arith.cmpi ne, %parallel_loop3A_142, %parallel_loop3A_143 : i32
      %parallel_loop3A_145 = arith.constant 0 : i32
      %parallel_loop3A_146 = arith.cmpi slt, %parallel_loop3A_142, %parallel_loop3A_145 : i32
      %parallel_loop3A_147 = arith.constant 0 : i32
      %parallel_loop3A_148 = arith.cmpi slt, %parallel_loop3A_141, %parallel_loop3A_147 : i32
      %parallel_loop3A_149 = arith.xori %parallel_loop3A_146, %parallel_loop3A_148 : i1
      %parallel_loop3A_150 = arith.andi %parallel_loop3A_149, %parallel_loop3A_144 : i1
      %parallel_loop3A_151 = arith.addi %parallel_loop3A_142, %parallel_loop3A_141 : i32
      %parallel_loop3A_152 = arith.select %parallel_loop3A_150, %parallel_loop3A_151, %parallel_loop3A_142 : i32
      %parallel_loop3A_153 = arith.constant 16 : i32
      %parallel_loop3A_154 = arith.muli %parallel_loop3A_152, %parallel_loop3A_153 : i32
      %parallel_loop3A_155 = arith.index_cast %parallel_loop3A_136 : i32 to index
      %parallel_loop3A_156 = arith.index_cast %parallel_loop3A_154 : i32 to index
      %parallel_loop3A_157 = tpu.vector_load %arg5[%parallel_loop3A_155, %parallel_loop3A_156] {strides = array<i32>} : memref<32x1024xi32, #tpu.memory_space<vmem>>, vector<16xi32>,
      %parallel_loop3A_158 = tpu.vector_load_idx %arg6[%parallel_loop3A_157] : memref<16384xf32, #tpu.memory_space<vmem>>[vector<16xi32>], vector<16xf32>,
      %parallel_loop3A_159 = arith.index_cast %parallel_loop3A_136 : i32 to index
      %parallel_loop3A_160 = arith.index_cast %parallel_loop3A_154 : i32 to index
      %parallel_loop3A_161 = tpu.vector_load %arg7[%parallel_loop3A_159, %parallel_loop3A_160] {strides = array<i32>} : memref<32x1024xf32, #tpu.memory_space<vmem>>, vector<16xf32>,
      tpu.vector_store %arg7[%parallel_loop3A_159, %parallel_loop3A_160], %parallel_loop3A_158 {strides = array<i32>} : memref<32x1024xf32, #tpu.memory_space<vmem>>, vector<16xf32>,
    } {sc.loop_unroll_factor = 8 : i64, sc.parallel_access}
    "tpu.region"() ({
      %run_scoped3A = tpu.sem_alloc : memref<!tpu.dma_semaphore, #tpu.memory_space<semaphore_mem>>
      %dma_start3A = arith.constant 0 : i32
      %dma_start3A_112 = arith.constant 0 : i32
      %dma_start3A_113 = tpu.memref_slice %arg4[%select_n3A, %add3A_38, %dma_start3A, %dma_start3A_112] : memref<8x64x32x1024xf32, #tpu.memory_space<hbm>> -> memref<1x1x32x1024xf32, #tpu.memory_space<hbm>>
      %dma_start3A_114 = tpu.memref_squeeze %dma_start3A_113 : memref<1x1x32x1024xf32, #tpu.memory_space<hbm>> -> memref<32x1024xf32, #tpu.memory_space<hbm>>
      %dma_start3A_115 = arith.constant 0 : i32
      %dma_start3A_116 = arith.constant 0 : i32
      %dma_start3A_117 = tpu.memref_slice %arg4[%select_n3A, %add3A_38, %dma_start3A_115, %dma_start3A_116] : memref<8x64x32x1024xf32, #tpu.memory_space<hbm>> -> memref<1x1x32x1024xf32, #tpu.memory_space<hbm>>
      %dma_start3A_118 = tpu.memref_squeeze %dma_start3A_117 : memref<1x1x32x1024xf32, #tpu.memory_space<hbm>> -> memref<32x1024xf32, #tpu.memory_space<hbm>>
      tpu.enqueue_dma source(%arg7 : memref<32x1024xf32, #tpu.memory_space<vmem>>) target(%dma_start3A_118 : memref<32x1024xf32, #tpu.memory_space<hbm>>) target_semaphore(%run_scoped3A : memref<!tpu.dma_semaphore, #tpu.memory_space<semaphore_mem>>)
      %dma_wait3A = arith.constant 0 : i32
      %dma_wait3A_119 = arith.constant 0 : i32
      %dma_wait3A_120 = tpu.memref_slice %arg4[%select_n3A, %add3A_38, %dma_wait3A, %dma_wait3A_119] : memref<8x64x32x1024xf32, #tpu.memory_space<hbm>> -> memref<1x1x32x1024xf32, #tpu.memory_space<hbm>>
      %dma_wait3A_121 = tpu.memref_squeeze %dma_wait3A_120 : memref<1x1x32x1024xf32, #tpu.memory_space<hbm>> -> memref<32x1024xf32, #tpu.memory_space<hbm>>
      %dma_wait3A_122 = arith.constant 0 : i32
      %dma_wait3A_123 = arith.constant 0 : i32
      %dma_wait3A_124 = tpu.memref_slice %arg4[%select_n3A, %add3A_38, %dma_wait3A_122, %dma_wait3A_123] : memref<8x64x32x1024xf32, #tpu.memory_space<hbm>> -> memref<1x1x32x1024xf32, #tpu.memory_space<hbm>>
      %dma_wait3A_125 = tpu.memref_squeeze %dma_wait3A_124 : memref<1x1x32x1024xf32, #tpu.memory_space<hbm>> -> memref<32x1024xf32, #tpu.memory_space<hbm>>
      tpu.wait_dma2 semaphore(%run_scoped3A : memref<!tpu.dma_semaphore, #tpu.memory_space<semaphore_mem>>) src(%arg7 : memref<32x1024xf32, #tpu.memory_space<vmem>>) dst(%dma_wait3A_125 : memref<32x1024xf32, #tpu.memory_space<hbm>>)
      tpu.yield
    }) : () -> ()
    %add3A_42 = arith.constant 2 : i32
    %add3A_43 = arith.addi %mul3A_32, %add3A_42 : i32
    "tpu.region"() ({
      %run_scoped3A = tpu.sem_alloc : memref<!tpu.dma_semaphore, #tpu.memory_space<semaphore_mem>>
      %dma_start3A = arith.constant 0 : i32
      %dma_start3A_112 = tpu.memref_slice %arg2[%select_n3A, %add3A_43, %dma_start3A] : memref<8x64x16384xf32, #tpu.memory_space<hbm>> -> memref<1x1x16384xf32, #tpu.memory_space<hbm>>
      %dma_start3A_113 = tpu.memref_squeeze %dma_start3A_112 : memref<1x1x16384xf32, #tpu.memory_space<hbm>> -> memref<16384xf32, #tpu.memory_space<hbm>>
      %dma_start3A_114 = arith.constant 0 : i32
      %dma_start3A_115 = tpu.memref_slice %arg2[%select_n3A, %add3A_43, %dma_start3A_114] : memref<8x64x16384xf32, #tpu.memory_space<hbm>> -> memref<1x1x16384xf32, #tpu.memory_space<hbm>>
      %dma_start3A_116 = tpu.memref_squeeze %dma_start3A_115 : memref<1x1x16384xf32, #tpu.memory_space<hbm>> -> memref<16384xf32, #tpu.memory_space<hbm>>
      tpu.enqueue_dma source(%dma_start3A_116 : memref<16384xf32, #tpu.memory_space<hbm>>) target(%arg6 : memref<16384xf32, #tpu.memory_space<vmem>>) target_semaphore(%run_scoped3A : memref<!tpu.dma_semaphore, #tpu.memory_space<semaphore_mem>>)
      %dma_wait3A = arith.constant 0 : i32
      %dma_wait3A_117 = tpu.memref_slice %arg2[%select_n3A, %add3A_43, %dma_wait3A] : memref<8x64x16384xf32, #tpu.memory_space<hbm>> -> memref<1x1x16384xf32, #tpu.memory_space<hbm>>
      %dma_wait3A_118 = tpu.memref_squeeze %dma_wait3A_117 : memref<1x1x16384xf32, #tpu.memory_space<hbm>> -> memref<16384xf32, #tpu.memory_space<hbm>>
      %dma_wait3A_119 = arith.constant 0 : i32
      %dma_wait3A_120 = tpu.memref_slice %arg2[%select_n3A, %add3A_43, %dma_wait3A_119] : memref<8x64x16384xf32, #tpu.memory_space<hbm>> -> memref<1x1x16384xf32, #tpu.memory_space<hbm>>
      %dma_wait3A_121 = tpu.memref_squeeze %dma_wait3A_120 : memref<1x1x16384xf32, #tpu.memory_space<hbm>> -> memref<16384xf32, #tpu.memory_space<hbm>>
      tpu.wait_dma2 semaphore(%run_scoped3A : memref<!tpu.dma_semaphore, #tpu.memory_space<semaphore_mem>>) src(%dma_wait3A_121 : memref<16384xf32, #tpu.memory_space<hbm>>) dst(%arg6 : memref<16384xf32, #tpu.memory_space<vmem>>)
      tpu.yield
    }) : () -> ()
    %parallel_loop3A_44 = arith.constant 0 : i32
    %parallel_loop3A_45 = arith.constant 2048 : i32
    %parallel_loop3A_46 = arith.constant 1 : i32
    scf.for %parallel_loop3A_112 = %parallel_loop3A_44 to %parallel_loop3A_45 step %parallel_loop3A_46  : i32 {
      %parallel_loop3A_113 = arith.constant 64 : i32
      %parallel_loop3A_114 = arith.divsi %parallel_loop3A_112, %parallel_loop3A_113 : i32
      %parallel_loop3A_115 = arith.constant 0 : i32
      %parallel_loop3A_116 = arith.cmpi sgt, %parallel_loop3A_112, %parallel_loop3A_115 : i32
      %parallel_loop3A_117 = arith.extui %parallel_loop3A_116 : i1 to i32
      %parallel_loop3A_118 = arith.constant 0 : i32
      %parallel_loop3A_119 = arith.cmpi slt, %parallel_loop3A_112, %parallel_loop3A_118 : i32
      %parallel_loop3A_120 = arith.extui %parallel_loop3A_119 : i1 to i32
      %parallel_loop3A_121 = arith.subi %parallel_loop3A_117, %parallel_loop3A_120 : i32
      %parallel_loop3A_122 = arith.constant 0 : i32
      %parallel_loop3A_123 = arith.cmpi sgt, %parallel_loop3A_113, %parallel_loop3A_122 : i32
      %parallel_loop3A_124 = arith.extui %parallel_loop3A_123 : i1 to i32
      %parallel_loop3A_125 = arith.constant 0 : i32
      %parallel_loop3A_126 = arith.cmpi slt, %parallel_loop3A_113, %parallel_loop3A_125 : i32
      %parallel_loop3A_127 = arith.extui %parallel_loop3A_126 : i1 to i32
      %parallel_loop3A_128 = arith.subi %parallel_loop3A_124, %parallel_loop3A_127 : i32
      %parallel_loop3A_129 = arith.cmpi ne, %parallel_loop3A_121, %parallel_loop3A_128 : i32
      %parallel_loop3A_130 = arith.remsi %parallel_loop3A_112, %parallel_loop3A_113 : i32
      %parallel_loop3A_131 = arith.constant 0 : i32
      %parallel_loop3A_132 = arith.cmpi ne, %parallel_loop3A_130, %parallel_loop3A_131 : i32
      %parallel_loop3A_133 = arith.andi %parallel_loop3A_129, %parallel_loop3A_132 : i1
      %parallel_loop3A_134 = arith.constant 1 : i32
      %parallel_loop3A_135 = arith.subi %parallel_loop3A_114, %parallel_loop3A_134 : i32
      %parallel_loop3A_136 = arith.select %parallel_loop3A_133, %parallel_loop3A_135, %parallel_loop3A_114 : i32
      %parallel_loop3A_137 = arith.constant 64 : i32
      %parallel_loop3A_138 = arith.constant 0 : i32
      %parallel_loop3A_139 = arith.cmpi eq, %parallel_loop3A_137, %parallel_loop3A_138 : i32
      %parallel_loop3A_140 = arith.constant 1 : i32
      %parallel_loop3A_141 = arith.select %parallel_loop3A_139, %parallel_loop3A_140, %parallel_loop3A_137 : i32
      %parallel_loop3A_142 = arith.remsi %parallel_loop3A_112, %parallel_loop3A_141 : i32
      %parallel_loop3A_143 = arith.constant 0 : i32
      %parallel_loop3A_144 = arith.cmpi ne, %parallel_loop3A_142, %parallel_loop3A_143 : i32
      %parallel_loop3A_145 = arith.constant 0 : i32
      %parallel_loop3A_146 = arith.cmpi slt, %parallel_loop3A_142, %parallel_loop3A_145 : i32
      %parallel_loop3A_147 = arith.constant 0 : i32
      %parallel_loop3A_148 = arith.cmpi slt, %parallel_loop3A_141, %parallel_loop3A_147 : i32
      %parallel_loop3A_149 = arith.xori %parallel_loop3A_146, %parallel_loop3A_148 : i1
      %parallel_loop3A_150 = arith.andi %parallel_loop3A_149, %parallel_loop3A_144 : i1
      %parallel_loop3A_151 = arith.addi %parallel_loop3A_142, %parallel_loop3A_141 : i32
      %parallel_loop3A_152 = arith.select %parallel_loop3A_150, %parallel_loop3A_151, %parallel_loop3A_142 : i32
      %parallel_loop3A_153 = arith.constant 16 : i32
      %parallel_loop3A_154 = arith.muli %parallel_loop3A_152, %parallel_loop3A_153 : i32
      %parallel_loop3A_155 = arith.index_cast %parallel_loop3A_136 : i32 to index
      %parallel_loop3A_156 = arith.index_cast %parallel_loop3A_154 : i32 to index
      %parallel_loop3A_157 = tpu.vector_load %arg5[%parallel_loop3A_155, %parallel_loop3A_156] {strides = array<i32>} : memref<32x1024xi32, #tpu.memory_space<vmem>>, vector<16xi32>,
      %parallel_loop3A_158 = tpu.vector_load_idx %arg6[%parallel_loop3A_157] : memref<16384xf32, #tpu.memory_space<vmem>>[vector<16xi32>], vector<16xf32>,
      %parallel_loop3A_159 = arith.index_cast %parallel_loop3A_136 : i32 to index
      %parallel_loop3A_160 = arith.index_cast %parallel_loop3A_154 : i32 to index
      %parallel_loop3A_161 = tpu.vector_load %arg7[%parallel_loop3A_159, %parallel_loop3A_160] {strides = array<i32>} : memref<32x1024xf32, #tpu.memory_space<vmem>>, vector<16xf32>,
      tpu.vector_store %arg7[%parallel_loop3A_159, %parallel_loop3A_160], %parallel_loop3A_158 {strides = array<i32>} : memref<32x1024xf32, #tpu.memory_space<vmem>>, vector<16xf32>,
    } {sc.loop_unroll_factor = 8 : i64, sc.parallel_access}
    "tpu.region"() ({
      %run_scoped3A = tpu.sem_alloc : memref<!tpu.dma_semaphore, #tpu.memory_space<semaphore_mem>>
      %dma_start3A = arith.constant 0 : i32
      %dma_start3A_112 = arith.constant 0 : i32
      %dma_start3A_113 = tpu.memref_slice %arg4[%select_n3A, %add3A_43, %dma_start3A, %dma_start3A_112] : memref<8x64x32x1024xf32, #tpu.memory_space<hbm>> -> memref<1x1x32x1024xf32, #tpu.memory_space<hbm>>
      %dma_start3A_114 = tpu.memref_squeeze %dma_start3A_113 : memref<1x1x32x1024xf32, #tpu.memory_space<hbm>> -> memref<32x1024xf32, #tpu.memory_space<hbm>>
      %dma_start3A_115 = arith.constant 0 : i32
      %dma_start3A_116 = arith.constant 0 : i32
      %dma_start3A_117 = tpu.memref_slice %arg4[%select_n3A, %add3A_43, %dma_start3A_115, %dma_start3A_116] : memref<8x64x32x1024xf32, #tpu.memory_space<hbm>> -> memref<1x1x32x1024xf32, #tpu.memory_space<hbm>>
      %dma_start3A_118 = tpu.memref_squeeze %dma_start3A_117 : memref<1x1x32x1024xf32, #tpu.memory_space<hbm>> -> memref<32x1024xf32, #tpu.memory_space<hbm>>
      tpu.enqueue_dma source(%arg7 : memref<32x1024xf32, #tpu.memory_space<vmem>>) target(%dma_start3A_118 : memref<32x1024xf32, #tpu.memory_space<hbm>>) target_semaphore(%run_scoped3A : memref<!tpu.dma_semaphore, #tpu.memory_space<semaphore_mem>>)
      %dma_wait3A = arith.constant 0 : i32
      %dma_wait3A_119 = arith.constant 0 : i32
      %dma_wait3A_120 = tpu.memref_slice %arg4[%select_n3A, %add3A_43, %dma_wait3A, %dma_wait3A_119] : memref<8x64x32x1024xf32, #tpu.memory_space<hbm>> -> memref<1x1x32x1024xf32, #tpu.memory_space<hbm>>
      %dma_wait3A_121 = tpu.memref_squeeze %dma_wait3A_120 : memref<1x1x32x1024xf32, #tpu.memory_space<hbm>> -> memref<32x1024xf32, #tpu.memory_space<hbm>>
      %dma_wait3A_122 = arith.constant 0 : i32
      %dma_wait3A_123 = arith.constant 0 : i32
      %dma_wait3A_124 = tpu.memref_slice %arg4[%select_n3A, %add3A_43, %dma_wait3A_122, %dma_wait3A_123] : memref<8x64x32x1024xf32, #tpu.memory_space<hbm>> -> memref<1x1x32x1024xf32, #tpu.memory_space<hbm>>
      %dma_wait3A_125 = tpu.memref_squeeze %dma_wait3A_124 : memref<1x1x32x1024xf32, #tpu.memory_space<hbm>> -> memref<32x1024xf32, #tpu.memory_space<hbm>>
      tpu.wait_dma2 semaphore(%run_scoped3A : memref<!tpu.dma_semaphore, #tpu.memory_space<semaphore_mem>>) src(%arg7 : memref<32x1024xf32, #tpu.memory_space<vmem>>) dst(%dma_wait3A_125 : memref<32x1024xf32, #tpu.memory_space<hbm>>)
      tpu.yield
    }) : () -> ()
    %add3A_47 = arith.constant 3 : i32
    %add3A_48 = arith.addi %mul3A_32, %add3A_47 : i32
    "tpu.region"() ({
      %run_scoped3A = tpu.sem_alloc : memref<!tpu.dma_semaphore, #tpu.memory_space<semaphore_mem>>
      %dma_start3A = arith.constant 0 : i32
      %dma_start3A_112 = tpu.memref_slice %arg2[%select_n3A, %add3A_48, %dma_start3A] : memref<8x64x16384xf32, #tpu.memory_space<hbm>> -> memref<1x1x16384xf32, #tpu.memory_space<hbm>>
      %dma_start3A_113 = tpu.memref_squeeze %dma_start3A_112 : memref<1x1x16384xf32, #tpu.memory_space<hbm>> -> memref<16384xf32, #tpu.memory_space<hbm>>
      %dma_start3A_114 = arith.constant 0 : i32
      %dma_start3A_115 = tpu.memref_slice %arg2[%select_n3A, %add3A_48, %dma_start3A_114] : memref<8x64x16384xf32, #tpu.memory_space<hbm>> -> memref<1x1x16384xf32, #tpu.memory_space<hbm>>
      %dma_start3A_116 = tpu.memref_squeeze %dma_start3A_115 : memref<1x1x16384xf32, #tpu.memory_space<hbm>> -> memref<16384xf32, #tpu.memory_space<hbm>>
      tpu.enqueue_dma source(%dma_start3A_116 : memref<16384xf32, #tpu.memory_space<hbm>>) target(%arg6 : memref<16384xf32, #tpu.memory_space<vmem>>) target_semaphore(%run_scoped3A : memref<!tpu.dma_semaphore, #tpu.memory_space<semaphore_mem>>)
      %dma_wait3A = arith.constant 0 : i32
      %dma_wait3A_117 = tpu.memref_slice %arg2[%select_n3A, %add3A_48, %dma_wait3A] : memref<8x64x16384xf32, #tpu.memory_space<hbm>> -> memref<1x1x16384xf32, #tpu.memory_space<hbm>>
      %dma_wait3A_118 = tpu.memref_squeeze %dma_wait3A_117 : memref<1x1x16384xf32, #tpu.memory_space<hbm>> -> memref<16384xf32, #tpu.memory_space<hbm>>
      %dma_wait3A_119 = arith.constant 0 : i32
      %dma_wait3A_120 = tpu.memref_slice %arg2[%select_n3A, %add3A_48, %dma_wait3A_119] : memref<8x64x16384xf32, #tpu.memory_space<hbm>> -> memref<1x1x16384xf32, #tpu.memory_space<hbm>>
      %dma_wait3A_121 = tpu.memref_squeeze %dma_wait3A_120 : memref<1x1x16384xf32, #tpu.memory_space<hbm>> -> memref<16384xf32, #tpu.memory_space<hbm>>
      tpu.wait_dma2 semaphore(%run_scoped3A : memref<!tpu.dma_semaphore, #tpu.memory_space<semaphore_mem>>) src(%dma_wait3A_121 : memref<16384xf32, #tpu.memory_space<hbm>>) dst(%arg6 : memref<16384xf32, #tpu.memory_space<vmem>>)
      tpu.yield
    }) : () -> ()
    %parallel_loop3A_49 = arith.constant 0 : i32
    %parallel_loop3A_50 = arith.constant 2048 : i32
    %parallel_loop3A_51 = arith.constant 1 : i32
    scf.for %parallel_loop3A_112 = %parallel_loop3A_49 to %parallel_loop3A_50 step %parallel_loop3A_51  : i32 {
      %parallel_loop3A_113 = arith.constant 64 : i32
      %parallel_loop3A_114 = arith.divsi %parallel_loop3A_112, %parallel_loop3A_113 : i32
      %parallel_loop3A_115 = arith.constant 0 : i32
      %parallel_loop3A_116 = arith.cmpi sgt, %parallel_loop3A_112, %parallel_loop3A_115 : i32
      %parallel_loop3A_117 = arith.extui %parallel_loop3A_116 : i1 to i32
      %parallel_loop3A_118 = arith.constant 0 : i32
      %parallel_loop3A_119 = arith.cmpi slt, %parallel_loop3A_112, %parallel_loop3A_118 : i32
      %parallel_loop3A_120 = arith.extui %parallel_loop3A_119 : i1 to i32
      %parallel_loop3A_121 = arith.subi %parallel_loop3A_117, %parallel_loop3A_120 : i32
      %parallel_loop3A_122 = arith.constant 0 : i32
      %parallel_loop3A_123 = arith.cmpi sgt, %parallel_loop3A_113, %parallel_loop3A_122 : i32
      %parallel_loop3A_124 = arith.extui %parallel_loop3A_123 : i1 to i32
      %parallel_loop3A_125 = arith.constant 0 : i32
      %parallel_loop3A_126 = arith.cmpi slt, %parallel_loop3A_113, %parallel_loop3A_125 : i32
      %parallel_loop3A_127 = arith.extui %parallel_loop3A_126 : i1 to i32
      %parallel_loop3A_128 = arith.subi %parallel_loop3A_124, %parallel_loop3A_127 : i32
      %parallel_loop3A_129 = arith.cmpi ne, %parallel_loop3A_121, %parallel_loop3A_128 : i32
      %parallel_loop3A_130 = arith.remsi %parallel_loop3A_112, %parallel_loop3A_113 : i32
      %parallel_loop3A_131 = arith.constant 0 : i32
      %parallel_loop3A_132 = arith.cmpi ne, %parallel_loop3A_130, %parallel_loop3A_131 : i32
      %parallel_loop3A_133 = arith.andi %parallel_loop3A_129, %parallel_loop3A_132 : i1
      %parallel_loop3A_134 = arith.constant 1 : i32
      %parallel_loop3A_135 = arith.subi %parallel_loop3A_114, %parallel_loop3A_134 : i32
      %parallel_loop3A_136 = arith.select %parallel_loop3A_133, %parallel_loop3A_135, %parallel_loop3A_114 : i32
      %parallel_loop3A_137 = arith.constant 64 : i32
      %parallel_loop3A_138 = arith.constant 0 : i32
      %parallel_loop3A_139 = arith.cmpi eq, %parallel_loop3A_137, %parallel_loop3A_138 : i32
      %parallel_loop3A_140 = arith.constant 1 : i32
      %parallel_loop3A_141 = arith.select %parallel_loop3A_139, %parallel_loop3A_140, %parallel_loop3A_137 : i32
      %parallel_loop3A_142 = arith.remsi %parallel_loop3A_112, %parallel_loop3A_141 : i32
      %parallel_loop3A_143 = arith.constant 0 : i32
      %parallel_loop3A_144 = arith.cmpi ne, %parallel_loop3A_142, %parallel_loop3A_143 : i32
      %parallel_loop3A_145 = arith.constant 0 : i32
      %parallel_loop3A_146 = arith.cmpi slt, %parallel_loop3A_142, %parallel_loop3A_145 : i32
      %parallel_loop3A_147 = arith.constant 0 : i32
      %parallel_loop3A_148 = arith.cmpi slt, %parallel_loop3A_141, %parallel_loop3A_147 : i32
      %parallel_loop3A_149 = arith.xori %parallel_loop3A_146, %parallel_loop3A_148 : i1
      %parallel_loop3A_150 = arith.andi %parallel_loop3A_149, %parallel_loop3A_144 : i1
      %parallel_loop3A_151 = arith.addi %parallel_loop3A_142, %parallel_loop3A_141 : i32
      %parallel_loop3A_152 = arith.select %parallel_loop3A_150, %parallel_loop3A_151, %parallel_loop3A_142 : i32
      %parallel_loop3A_153 = arith.constant 16 : i32
      %parallel_loop3A_154 = arith.muli %parallel_loop3A_152, %parallel_loop3A_153 : i32
      %parallel_loop3A_155 = arith.index_cast %parallel_loop3A_136 : i32 to index
      %parallel_loop3A_156 = arith.index_cast %parallel_loop3A_154 : i32 to index
      %parallel_loop3A_157 = tpu.vector_load %arg5[%parallel_loop3A_155, %parallel_loop3A_156] {strides = array<i32>} : memref<32x1024xi32, #tpu.memory_space<vmem>>, vector<16xi32>,
      %parallel_loop3A_158 = tpu.vector_load_idx %arg6[%parallel_loop3A_157] : memref<16384xf32, #tpu.memory_space<vmem>>[vector<16xi32>], vector<16xf32>,
      %parallel_loop3A_159 = arith.index_cast %parallel_loop3A_136 : i32 to index
      %parallel_loop3A_160 = arith.index_cast %parallel_loop3A_154 : i32 to index
      %parallel_loop3A_161 = tpu.vector_load %arg7[%parallel_loop3A_159, %parallel_loop3A_160] {strides = array<i32>} : memref<32x1024xf32, #tpu.memory_space<vmem>>, vector<16xf32>,
      tpu.vector_store %arg7[%parallel_loop3A_159, %parallel_loop3A_160], %parallel_loop3A_158 {strides = array<i32>} : memref<32x1024xf32, #tpu.memory_space<vmem>>, vector<16xf32>,
    } {sc.loop_unroll_factor = 8 : i64, sc.parallel_access}
    "tpu.region"() ({
      %run_scoped3A = tpu.sem_alloc : memref<!tpu.dma_semaphore, #tpu.memory_space<semaphore_mem>>
      %dma_start3A = arith.constant 0 : i32
      %dma_start3A_112 = arith.constant 0 : i32
      %dma_start3A_113 = tpu.memref_slice %arg4[%select_n3A, %add3A_48, %dma_start3A, %dma_start3A_112] : memref<8x64x32x1024xf32, #tpu.memory_space<hbm>> -> memref<1x1x32x1024xf32, #tpu.memory_space<hbm>>
      %dma_start3A_114 = tpu.memref_squeeze %dma_start3A_113 : memref<1x1x32x1024xf32, #tpu.memory_space<hbm>> -> memref<32x1024xf32, #tpu.memory_space<hbm>>
      %dma_start3A_115 = arith.constant 0 : i32
      %dma_start3A_116 = arith.constant 0 : i32
      %dma_start3A_117 = tpu.memref_slice %arg4[%select_n3A, %add3A_48, %dma_start3A_115, %dma_start3A_116] : memref<8x64x32x1024xf32, #tpu.memory_space<hbm>> -> memref<1x1x32x1024xf32, #tpu.memory_space<hbm>>
      %dma_start3A_118 = tpu.memref_squeeze %dma_start3A_117 : memref<1x1x32x1024xf32, #tpu.memory_space<hbm>> -> memref<32x1024xf32, #tpu.memory_space<hbm>>
      tpu.enqueue_dma source(%arg7 : memref<32x1024xf32, #tpu.memory_space<vmem>>) target(%dma_start3A_118 : memref<32x1024xf32, #tpu.memory_space<hbm>>) target_semaphore(%run_scoped3A : memref<!tpu.dma_semaphore, #tpu.memory_space<semaphore_mem>>)
      %dma_wait3A = arith.constant 0 : i32
      %dma_wait3A_119 = arith.constant 0 : i32
      %dma_wait3A_120 = tpu.memref_slice %arg4[%select_n3A, %add3A_48, %dma_wait3A, %dma_wait3A_119] : memref<8x64x32x1024xf32, #tpu.memory_space<hbm>> -> memref<1x1x32x1024xf32, #tpu.memory_space<hbm>>
      %dma_wait3A_121 = tpu.memref_squeeze %dma_wait3A_120 : memref<1x1x32x1024xf32, #tpu.memory_space<hbm>> -> memref<32x1024xf32, #tpu.memory_space<hbm>>
      %dma_wait3A_122 = arith.constant 0 : i32
      %dma_wait3A_123 = arith.constant 0 : i32
      %dma_wait3A_124 = tpu.memref_slice %arg4[%select_n3A, %add3A_48, %dma_wait3A_122, %dma_wait3A_123] : memref<8x64x32x1024xf32, #tpu.memory_space<hbm>> -> memref<1x1x32x1024xf32, #tpu.memory_space<hbm>>
      %dma_wait3A_125 = tpu.memref_squeeze %dma_wait3A_124 : memref<1x1x32x1024xf32, #tpu.memory_space<hbm>> -> memref<32x1024xf32, #tpu.memory_space<hbm>>
      tpu.wait_dma2 semaphore(%run_scoped3A : memref<!tpu.dma_semaphore, #tpu.memory_space<semaphore_mem>>) src(%arg7 : memref<32x1024xf32, #tpu.memory_space<vmem>>) dst(%dma_wait3A_125 : memref<32x1024xf32, #tpu.memory_space<hbm>>)
      tpu.yield
    }) : () -> ()
    %add3A_52 = arith.constant 4 : i32
    %add3A_53 = arith.addi %mul3A_32, %add3A_52 : i32
    "tpu.region"() ({
      %run_scoped3A = tpu.sem_alloc : memref<!tpu.dma_semaphore, #tpu.memory_space<semaphore_mem>>
      %dma_start3A = arith.constant 0 : i32
      %dma_start3A_112 = tpu.memref_slice %arg2[%select_n3A, %add3A_53, %dma_start3A] : memref<8x64x16384xf32, #tpu.memory_space<hbm>> -> memref<1x1x16384xf32, #tpu.memory_space<hbm>>
      %dma_start3A_113 = tpu.memref_squeeze %dma_start3A_112 : memref<1x1x16384xf32, #tpu.memory_space<hbm>> -> memref<16384xf32, #tpu.memory_space<hbm>>
      %dma_start3A_114 = arith.constant 0 : i32
      %dma_start3A_115 = tpu.memref_slice %arg2[%select_n3A, %add3A_53, %dma_start3A_114] : memref<8x64x16384xf32, #tpu.memory_space<hbm>> -> memref<1x1x16384xf32, #tpu.memory_space<hbm>>
      %dma_start3A_116 = tpu.memref_squeeze %dma_start3A_115 : memref<1x1x16384xf32, #tpu.memory_space<hbm>> -> memref<16384xf32, #tpu.memory_space<hbm>>
      tpu.enqueue_dma source(%dma_start3A_116 : memref<16384xf32, #tpu.memory_space<hbm>>) target(%arg6 : memref<16384xf32, #tpu.memory_space<vmem>>) target_semaphore(%run_scoped3A : memref<!tpu.dma_semaphore, #tpu.memory_space<semaphore_mem>>)
      %dma_wait3A = arith.constant 0 : i32
      %dma_wait3A_117 = tpu.memref_slice %arg2[%select_n3A, %add3A_53, %dma_wait3A] : memref<8x64x16384xf32, #tpu.memory_space<hbm>> -> memref<1x1x16384xf32, #tpu.memory_space<hbm>>
      %dma_wait3A_118 = tpu.memref_squeeze %dma_wait3A_117 : memref<1x1x16384xf32, #tpu.memory_space<hbm>> -> memref<16384xf32, #tpu.memory_space<hbm>>
      %dma_wait3A_119 = arith.constant 0 : i32
      %dma_wait3A_120 = tpu.memref_slice %arg2[%select_n3A, %add3A_53, %dma_wait3A_119] : memref<8x64x16384xf32, #tpu.memory_space<hbm>> -> memref<1x1x16384xf32, #tpu.memory_space<hbm>>
      %dma_wait3A_121 = tpu.memref_squeeze %dma_wait3A_120 : memref<1x1x16384xf32, #tpu.memory_space<hbm>> -> memref<16384xf32, #tpu.memory_space<hbm>>
      tpu.wait_dma2 semaphore(%run_scoped3A : memref<!tpu.dma_semaphore, #tpu.memory_space<semaphore_mem>>) src(%dma_wait3A_121 : memref<16384xf32, #tpu.memory_space<hbm>>) dst(%arg6 : memref<16384xf32, #tpu.memory_space<vmem>>)
      tpu.yield
    }) : () -> ()
    %parallel_loop3A_54 = arith.constant 0 : i32
    %parallel_loop3A_55 = arith.constant 2048 : i32
    %parallel_loop3A_56 = arith.constant 1 : i32
    scf.for %parallel_loop3A_112 = %parallel_loop3A_54 to %parallel_loop3A_55 step %parallel_loop3A_56  : i32 {
      %parallel_loop3A_113 = arith.constant 64 : i32
      %parallel_loop3A_114 = arith.divsi %parallel_loop3A_112, %parallel_loop3A_113 : i32
      %parallel_loop3A_115 = arith.constant 0 : i32
      %parallel_loop3A_116 = arith.cmpi sgt, %parallel_loop3A_112, %parallel_loop3A_115 : i32
      %parallel_loop3A_117 = arith.extui %parallel_loop3A_116 : i1 to i32
      %parallel_loop3A_118 = arith.constant 0 : i32
      %parallel_loop3A_119 = arith.cmpi slt, %parallel_loop3A_112, %parallel_loop3A_118 : i32
      %parallel_loop3A_120 = arith.extui %parallel_loop3A_119 : i1 to i32
      %parallel_loop3A_121 = arith.subi %parallel_loop3A_117, %parallel_loop3A_120 : i32
      %parallel_loop3A_122 = arith.constant 0 : i32
      %parallel_loop3A_123 = arith.cmpi sgt, %parallel_loop3A_113, %parallel_loop3A_122 : i32
      %parallel_loop3A_124 = arith.extui %parallel_loop3A_123 : i1 to i32
      %parallel_loop3A_125 = arith.constant 0 : i32
      %parallel_loop3A_126 = arith.cmpi slt, %parallel_loop3A_113, %parallel_loop3A_125 : i32
      %parallel_loop3A_127 = arith.extui %parallel_loop3A_126 : i1 to i32
      %parallel_loop3A_128 = arith.subi %parallel_loop3A_124, %parallel_loop3A_127 : i32
      %parallel_loop3A_129 = arith.cmpi ne, %parallel_loop3A_121, %parallel_loop3A_128 : i32
      %parallel_loop3A_130 = arith.remsi %parallel_loop3A_112, %parallel_loop3A_113 : i32
      %parallel_loop3A_131 = arith.constant 0 : i32
      %parallel_loop3A_132 = arith.cmpi ne, %parallel_loop3A_130, %parallel_loop3A_131 : i32
      %parallel_loop3A_133 = arith.andi %parallel_loop3A_129, %parallel_loop3A_132 : i1
      %parallel_loop3A_134 = arith.constant 1 : i32
      %parallel_loop3A_135 = arith.subi %parallel_loop3A_114, %parallel_loop3A_134 : i32
      %parallel_loop3A_136 = arith.select %parallel_loop3A_133, %parallel_loop3A_135, %parallel_loop3A_114 : i32
      %parallel_loop3A_137 = arith.constant 64 : i32
      %parallel_loop3A_138 = arith.constant 0 : i32
      %parallel_loop3A_139 = arith.cmpi eq, %parallel_loop3A_137, %parallel_loop3A_138 : i32
      %parallel_loop3A_140 = arith.constant 1 : i32
      %parallel_loop3A_141 = arith.select %parallel_loop3A_139, %parallel_loop3A_140, %parallel_loop3A_137 : i32
      %parallel_loop3A_142 = arith.remsi %parallel_loop3A_112, %parallel_loop3A_141 : i32
      %parallel_loop3A_143 = arith.constant 0 : i32
      %parallel_loop3A_144 = arith.cmpi ne, %parallel_loop3A_142, %parallel_loop3A_143 : i32
      %parallel_loop3A_145 = arith.constant 0 : i32
      %parallel_loop3A_146 = arith.cmpi slt, %parallel_loop3A_142, %parallel_loop3A_145 : i32
      %parallel_loop3A_147 = arith.constant 0 : i32
      %parallel_loop3A_148 = arith.cmpi slt, %parallel_loop3A_141, %parallel_loop3A_147 : i32
      %parallel_loop3A_149 = arith.xori %parallel_loop3A_146, %parallel_loop3A_148 : i1
      %parallel_loop3A_150 = arith.andi %parallel_loop3A_149, %parallel_loop3A_144 : i1
      %parallel_loop3A_151 = arith.addi %parallel_loop3A_142, %parallel_loop3A_141 : i32
      %parallel_loop3A_152 = arith.select %parallel_loop3A_150, %parallel_loop3A_151, %parallel_loop3A_142 : i32
      %parallel_loop3A_153 = arith.constant 16 : i32
      %parallel_loop3A_154 = arith.muli %parallel_loop3A_152, %parallel_loop3A_153 : i32
      %parallel_loop3A_155 = arith.index_cast %parallel_loop3A_136 : i32 to index
      %parallel_loop3A_156 = arith.index_cast %parallel_loop3A_154 : i32 to index
      %parallel_loop3A_157 = tpu.vector_load %arg5[%parallel_loop3A_155, %parallel_loop3A_156] {strides = array<i32>} : memref<32x1024xi32, #tpu.memory_space<vmem>>, vector<16xi32>,
      %parallel_loop3A_158 = tpu.vector_load_idx %arg6[%parallel_loop3A_157] : memref<16384xf32, #tpu.memory_space<vmem>>[vector<16xi32>], vector<16xf32>,
      %parallel_loop3A_159 = arith.index_cast %parallel_loop3A_136 : i32 to index
      %parallel_loop3A_160 = arith.index_cast %parallel_loop3A_154 : i32 to index
      %parallel_loop3A_161 = tpu.vector_load %arg7[%parallel_loop3A_159, %parallel_loop3A_160] {strides = array<i32>} : memref<32x1024xf32, #tpu.memory_space<vmem>>, vector<16xf32>,
      tpu.vector_store %arg7[%parallel_loop3A_159, %parallel_loop3A_160], %parallel_loop3A_158 {strides = array<i32>} : memref<32x1024xf32, #tpu.memory_space<vmem>>, vector<16xf32>,
    } {sc.loop_unroll_factor = 8 : i64, sc.parallel_access}
    "tpu.region"() ({
      %run_scoped3A = tpu.sem_alloc : memref<!tpu.dma_semaphore, #tpu.memory_space<semaphore_mem>>
      %dma_start3A = arith.constant 0 : i32
      %dma_start3A_112 = arith.constant 0 : i32
      %dma_start3A_113 = tpu.memref_slice %arg4[%select_n3A, %add3A_53, %dma_start3A, %dma_start3A_112] : memref<8x64x32x1024xf32, #tpu.memory_space<hbm>> -> memref<1x1x32x1024xf32, #tpu.memory_space<hbm>>
      %dma_start3A_114 = tpu.memref_squeeze %dma_start3A_113 : memref<1x1x32x1024xf32, #tpu.memory_space<hbm>> -> memref<32x1024xf32, #tpu.memory_space<hbm>>
      %dma_start3A_115 = arith.constant 0 : i32
      %dma_start3A_116 = arith.constant 0 : i32
      %dma_start3A_117 = tpu.memref_slice %arg4[%select_n3A, %add3A_53, %dma_start3A_115, %dma_start3A_116] : memref<8x64x32x1024xf32, #tpu.memory_space<hbm>> -> memref<1x1x32x1024xf32, #tpu.memory_space<hbm>>
      %dma_start3A_118 = tpu.memref_squeeze %dma_start3A_117 : memref<1x1x32x1024xf32, #tpu.memory_space<hbm>> -> memref<32x1024xf32, #tpu.memory_space<hbm>>
      tpu.enqueue_dma source(%arg7 : memref<32x1024xf32, #tpu.memory_space<vmem>>) target(%dma_start3A_118 : memref<32x1024xf32, #tpu.memory_space<hbm>>) target_semaphore(%run_scoped3A : memref<!tpu.dma_semaphore, #tpu.memory_space<semaphore_mem>>)
      %dma_wait3A = arith.constant 0 : i32
      %dma_wait3A_119 = arith.constant 0 : i32
      %dma_wait3A_120 = tpu.memref_slice %arg4[%select_n3A, %add3A_53, %dma_wait3A, %dma_wait3A_119] : memref<8x64x32x1024xf32, #tpu.memory_space<hbm>> -> memref<1x1x32x1024xf32, #tpu.memory_space<hbm>>
      %dma_wait3A_121 = tpu.memref_squeeze %dma_wait3A_120 : memref<1x1x32x1024xf32, #tpu.memory_space<hbm>> -> memref<32x1024xf32, #tpu.memory_space<hbm>>
      %dma_wait3A_122 = arith.constant 0 : i32
      %dma_wait3A_123 = arith.constant 0 : i32
      %dma_wait3A_124 = tpu.memref_slice %arg4[%select_n3A, %add3A_53, %dma_wait3A_122, %dma_wait3A_123] : memref<8x64x32x1024xf32, #tpu.memory_space<hbm>> -> memref<1x1x32x1024xf32, #tpu.memory_space<hbm>>
      %dma_wait3A_125 = tpu.memref_squeeze %dma_wait3A_124 : memref<1x1x32x1024xf32, #tpu.memory_space<hbm>> -> memref<32x1024xf32, #tpu.memory_space<hbm>>
      tpu.wait_dma2 semaphore(%run_scoped3A : memref<!tpu.dma_semaphore, #tpu.memory_space<semaphore_mem>>) src(%arg7 : memref<32x1024xf32, #tpu.memory_space<vmem>>) dst(%dma_wait3A_125 : memref<32x1024xf32, #tpu.memory_space<hbm>>)
      tpu.yield
    }) : () -> ()
    %add3A_57 = arith.constant 5 : i32
    %add3A_58 = arith.addi %mul3A_32, %add3A_57 : i32
    "tpu.region"() ({
      %run_scoped3A = tpu.sem_alloc : memref<!tpu.dma_semaphore, #tpu.memory_space<semaphore_mem>>
      %dma_start3A = arith.constant 0 : i32
      %dma_start3A_112 = tpu.memref_slice %arg2[%select_n3A, %add3A_58, %dma_start3A] : memref<8x64x16384xf32, #tpu.memory_space<hbm>> -> memref<1x1x16384xf32, #tpu.memory_space<hbm>>
      %dma_start3A_113 = tpu.memref_squeeze %dma_start3A_112 : memref<1x1x16384xf32, #tpu.memory_space<hbm>> -> memref<16384xf32, #tpu.memory_space<hbm>>
      %dma_start3A_114 = arith.constant 0 : i32
      %dma_start3A_115 = tpu.memref_slice %arg2[%select_n3A, %add3A_58, %dma_start3A_114] : memref<8x64x16384xf32, #tpu.memory_space<hbm>> -> memref<1x1x16384xf32, #tpu.memory_space<hbm>>
      %dma_start3A_116 = tpu.memref_squeeze %dma_start3A_115 : memref<1x1x16384xf32, #tpu.memory_space<hbm>> -> memref<16384xf32, #tpu.memory_space<hbm>>
      tpu.enqueue_dma source(%dma_start3A_116 : memref<16384xf32, #tpu.memory_space<hbm>>) target(%arg6 : memref<16384xf32, #tpu.memory_space<vmem>>) target_semaphore(%run_scoped3A : memref<!tpu.dma_semaphore, #tpu.memory_space<semaphore_mem>>)
      %dma_wait3A = arith.constant 0 : i32
      %dma_wait3A_117 = tpu.memref_slice %arg2[%select_n3A, %add3A_58, %dma_wait3A] : memref<8x64x16384xf32, #tpu.memory_space<hbm>> -> memref<1x1x16384xf32, #tpu.memory_space<hbm>>
      %dma_wait3A_118 = tpu.memref_squeeze %dma_wait3A_117 : memref<1x1x16384xf32, #tpu.memory_space<hbm>> -> memref<16384xf32, #tpu.memory_space<hbm>>
      %dma_wait3A_119 = arith.constant 0 : i32
      %dma_wait3A_120 = tpu.memref_slice %arg2[%select_n3A, %add3A_58, %dma_wait3A_119] : memref<8x64x16384xf32, #tpu.memory_space<hbm>> -> memref<1x1x16384xf32, #tpu.memory_space<hbm>>
      %dma_wait3A_121 = tpu.memref_squeeze %dma_wait3A_120 : memref<1x1x16384xf32, #tpu.memory_space<hbm>> -> memref<16384xf32, #tpu.memory_space<hbm>>
      tpu.wait_dma2 semaphore(%run_scoped3A : memref<!tpu.dma_semaphore, #tpu.memory_space<semaphore_mem>>) src(%dma_wait3A_121 : memref<16384xf32, #tpu.memory_space<hbm>>) dst(%arg6 : memref<16384xf32, #tpu.memory_space<vmem>>)
      tpu.yield
    }) : () -> ()
    %parallel_loop3A_59 = arith.constant 0 : i32
    %parallel_loop3A_60 = arith.constant 2048 : i32
    %parallel_loop3A_61 = arith.constant 1 : i32
    scf.for %parallel_loop3A_112 = %parallel_loop3A_59 to %parallel_loop3A_60 step %parallel_loop3A_61  : i32 {
      %parallel_loop3A_113 = arith.constant 64 : i32
      %parallel_loop3A_114 = arith.divsi %parallel_loop3A_112, %parallel_loop3A_113 : i32
      %parallel_loop3A_115 = arith.constant 0 : i32
      %parallel_loop3A_116 = arith.cmpi sgt, %parallel_loop3A_112, %parallel_loop3A_115 : i32
      %parallel_loop3A_117 = arith.extui %parallel_loop3A_116 : i1 to i32
      %parallel_loop3A_118 = arith.constant 0 : i32
      %parallel_loop3A_119 = arith.cmpi slt, %parallel_loop3A_112, %parallel_loop3A_118 : i32
      %parallel_loop3A_120 = arith.extui %parallel_loop3A_119 : i1 to i32
      %parallel_loop3A_121 = arith.subi %parallel_loop3A_117, %parallel_loop3A_120 : i32
      %parallel_loop3A_122 = arith.constant 0 : i32
      %parallel_loop3A_123 = arith.cmpi sgt, %parallel_loop3A_113, %parallel_loop3A_122 : i32
      %parallel_loop3A_124 = arith.extui %parallel_loop3A_123 : i1 to i32
      %parallel_loop3A_125 = arith.constant 0 : i32
      %parallel_loop3A_126 = arith.cmpi slt, %parallel_loop3A_113, %parallel_loop3A_125 : i32
      %parallel_loop3A_127 = arith.extui %parallel_loop3A_126 : i1 to i32
      %parallel_loop3A_128 = arith.subi %parallel_loop3A_124, %parallel_loop3A_127 : i32
      %parallel_loop3A_129 = arith.cmpi ne, %parallel_loop3A_121, %parallel_loop3A_128 : i32
      %parallel_loop3A_130 = arith.remsi %parallel_loop3A_112, %parallel_loop3A_113 : i32
      %parallel_loop3A_131 = arith.constant 0 : i32
      %parallel_loop3A_132 = arith.cmpi ne, %parallel_loop3A_130, %parallel_loop3A_131 : i32
      %parallel_loop3A_133 = arith.andi %parallel_loop3A_129, %parallel_loop3A_132 : i1
      %parallel_loop3A_134 = arith.constant 1 : i32
      %parallel_loop3A_135 = arith.subi %parallel_loop3A_114, %parallel_loop3A_134 : i32
      %parallel_loop3A_136 = arith.select %parallel_loop3A_133, %parallel_loop3A_135, %parallel_loop3A_114 : i32
      %parallel_loop3A_137 = arith.constant 64 : i32
      %parallel_loop3A_138 = arith.constant 0 : i32
      %parallel_loop3A_139 = arith.cmpi eq, %parallel_loop3A_137, %parallel_loop3A_138 : i32
      %parallel_loop3A_140 = arith.constant 1 : i32
      %parallel_loop3A_141 = arith.select %parallel_loop3A_139, %parallel_loop3A_140, %parallel_loop3A_137 : i32
      %parallel_loop3A_142 = arith.remsi %parallel_loop3A_112, %parallel_loop3A_141 : i32
      %parallel_loop3A_143 = arith.constant 0 : i32
      %parallel_loop3A_144 = arith.cmpi ne, %parallel_loop3A_142, %parallel_loop3A_143 : i32
      %parallel_loop3A_145 = arith.constant 0 : i32
      %parallel_loop3A_146 = arith.cmpi slt, %parallel_loop3A_142, %parallel_loop3A_145 : i32
      %parallel_loop3A_147 = arith.constant 0 : i32
      %parallel_loop3A_148 = arith.cmpi slt, %parallel_loop3A_141, %parallel_loop3A_147 : i32
      %parallel_loop3A_149 = arith.xori %parallel_loop3A_146, %parallel_loop3A_148 : i1
      %parallel_loop3A_150 = arith.andi %parallel_loop3A_149, %parallel_loop3A_144 : i1
      %parallel_loop3A_151 = arith.addi %parallel_loop3A_142, %parallel_loop3A_141 : i32
      %parallel_loop3A_152 = arith.select %parallel_loop3A_150, %parallel_loop3A_151, %parallel_loop3A_142 : i32
      %parallel_loop3A_153 = arith.constant 16 : i32
      %parallel_loop3A_154 = arith.muli %parallel_loop3A_152, %parallel_loop3A_153 : i32
      %parallel_loop3A_155 = arith.index_cast %parallel_loop3A_136 : i32 to index
      %parallel_loop3A_156 = arith.index_cast %parallel_loop3A_154 : i32 to index
      %parallel_loop3A_157 = tpu.vector_load %arg5[%parallel_loop3A_155, %parallel_loop3A_156] {strides = array<i32>} : memref<32x1024xi32, #tpu.memory_space<vmem>>, vector<16xi32>,
      %parallel_loop3A_158 = tpu.vector_load_idx %arg6[%parallel_loop3A_157] : memref<16384xf32, #tpu.memory_space<vmem>>[vector<16xi32>], vector<16xf32>,
      %parallel_loop3A_159 = arith.index_cast %parallel_loop3A_136 : i32 to index
      %parallel_loop3A_160 = arith.index_cast %parallel_loop3A_154 : i32 to index
      %parallel_loop3A_161 = tpu.vector_load %arg7[%parallel_loop3A_159, %parallel_loop3A_160] {strides = array<i32>} : memref<32x1024xf32, #tpu.memory_space<vmem>>, vector<16xf32>,
      tpu.vector_store %arg7[%parallel_loop3A_159, %parallel_loop3A_160], %parallel_loop3A_158 {strides = array<i32>} : memref<32x1024xf32, #tpu.memory_space<vmem>>, vector<16xf32>,
    } {sc.loop_unroll_factor = 8 : i64, sc.parallel_access}
    "tpu.region"() ({
      %run_scoped3A = tpu.sem_alloc : memref<!tpu.dma_semaphore, #tpu.memory_space<semaphore_mem>>
      %dma_start3A = arith.constant 0 : i32
      %dma_start3A_112 = arith.constant 0 : i32
      %dma_start3A_113 = tpu.memref_slice %arg4[%select_n3A, %add3A_58, %dma_start3A, %dma_start3A_112] : memref<8x64x32x1024xf32, #tpu.memory_space<hbm>> -> memref<1x1x32x1024xf32, #tpu.memory_space<hbm>>
      %dma_start3A_114 = tpu.memref_squeeze %dma_start3A_113 : memref<1x1x32x1024xf32, #tpu.memory_space<hbm>> -> memref<32x1024xf32, #tpu.memory_space<hbm>>
      %dma_start3A_115 = arith.constant 0 : i32
      %dma_start3A_116 = arith.constant 0 : i32
      %dma_start3A_117 = tpu.memref_slice %arg4[%select_n3A, %add3A_58, %dma_start3A_115, %dma_start3A_116] : memref<8x64x32x1024xf32, #tpu.memory_space<hbm>> -> memref<1x1x32x1024xf32, #tpu.memory_space<hbm>>
      %dma_start3A_118 = tpu.memref_squeeze %dma_start3A_117 : memref<1x1x32x1024xf32, #tpu.memory_space<hbm>> -> memref<32x1024xf32, #tpu.memory_space<hbm>>
      tpu.enqueue_dma source(%arg7 : memref<32x1024xf32, #tpu.memory_space<vmem>>) target(%dma_start3A_118 : memref<32x1024xf32, #tpu.memory_space<hbm>>) target_semaphore(%run_scoped3A : memref<!tpu.dma_semaphore, #tpu.memory_space<semaphore_mem>>)
      %dma_wait3A = arith.constant 0 : i32
      %dma_wait3A_119 = arith.constant 0 : i32
      %dma_wait3A_120 = tpu.memref_slice %arg4[%select_n3A, %add3A_58, %dma_wait3A, %dma_wait3A_119] : memref<8x64x32x1024xf32, #tpu.memory_space<hbm>> -> memref<1x1x32x1024xf32, #tpu.memory_space<hbm>>
      %dma_wait3A_121 = tpu.memref_squeeze %dma_wait3A_120 : memref<1x1x32x1024xf32, #tpu.memory_space<hbm>> -> memref<32x1024xf32, #tpu.memory_space<hbm>>
      %dma_wait3A_122 = arith.constant 0 : i32
      %dma_wait3A_123 = arith.constant 0 : i32
      %dma_wait3A_124 = tpu.memref_slice %arg4[%select_n3A, %add3A_58, %dma_wait3A_122, %dma_wait3A_123] : memref<8x64x32x1024xf32, #tpu.memory_space<hbm>> -> memref<1x1x32x1024xf32, #tpu.memory_space<hbm>>
      %dma_wait3A_125 = tpu.memref_squeeze %dma_wait3A_124 : memref<1x1x32x1024xf32, #tpu.memory_space<hbm>> -> memref<32x1024xf32, #tpu.memory_space<hbm>>
      tpu.wait_dma2 semaphore(%run_scoped3A : memref<!tpu.dma_semaphore, #tpu.memory_space<semaphore_mem>>) src(%arg7 : memref<32x1024xf32, #tpu.memory_space<vmem>>) dst(%dma_wait3A_125 : memref<32x1024xf32, #tpu.memory_space<hbm>>)
      tpu.yield
    }) : () -> ()
    %add3A_62 = arith.constant 6 : i32
    %add3A_63 = arith.addi %mul3A_32, %add3A_62 : i32
    "tpu.region"() ({
      %run_scoped3A = tpu.sem_alloc : memref<!tpu.dma_semaphore, #tpu.memory_space<semaphore_mem>>
      %dma_start3A = arith.constant 0 : i32
      %dma_start3A_112 = tpu.memref_slice %arg2[%select_n3A, %add3A_63, %dma_start3A] : memref<8x64x16384xf32, #tpu.memory_space<hbm>> -> memref<1x1x16384xf32, #tpu.memory_space<hbm>>
      %dma_start3A_113 = tpu.memref_squeeze %dma_start3A_112 : memref<1x1x16384xf32, #tpu.memory_space<hbm>> -> memref<16384xf32, #tpu.memory_space<hbm>>
      %dma_start3A_114 = arith.constant 0 : i32
      %dma_start3A_115 = tpu.memref_slice %arg2[%select_n3A, %add3A_63, %dma_start3A_114] : memref<8x64x16384xf32, #tpu.memory_space<hbm>> -> memref<1x1x16384xf32, #tpu.memory_space<hbm>>
      %dma_start3A_116 = tpu.memref_squeeze %dma_start3A_115 : memref<1x1x16384xf32, #tpu.memory_space<hbm>> -> memref<16384xf32, #tpu.memory_space<hbm>>
      tpu.enqueue_dma source(%dma_start3A_116 : memref<16384xf32, #tpu.memory_space<hbm>>) target(%arg6 : memref<16384xf32, #tpu.memory_space<vmem>>) target_semaphore(%run_scoped3A : memref<!tpu.dma_semaphore, #tpu.memory_space<semaphore_mem>>)
      %dma_wait3A = arith.constant 0 : i32
      %dma_wait3A_117 = tpu.memref_slice %arg2[%select_n3A, %add3A_63, %dma_wait3A] : memref<8x64x16384xf32, #tpu.memory_space<hbm>> -> memref<1x1x16384xf32, #tpu.memory_space<hbm>>
      %dma_wait3A_118 = tpu.memref_squeeze %dma_wait3A_117 : memref<1x1x16384xf32, #tpu.memory_space<hbm>> -> memref<16384xf32, #tpu.memory_space<hbm>>
      %dma_wait3A_119 = arith.constant 0 : i32
      %dma_wait3A_120 = tpu.memref_slice %arg2[%select_n3A, %add3A_63, %dma_wait3A_119] : memref<8x64x16384xf32, #tpu.memory_space<hbm>> -> memref<1x1x16384xf32, #tpu.memory_space<hbm>>
      %dma_wait3A_121 = tpu.memref_squeeze %dma_wait3A_120 : memref<1x1x16384xf32, #tpu.memory_space<hbm>> -> memref<16384xf32, #tpu.memory_space<hbm>>
      tpu.wait_dma2 semaphore(%run_scoped3A : memref<!tpu.dma_semaphore, #tpu.memory_space<semaphore_mem>>) src(%dma_wait3A_121 : memref<16384xf32, #tpu.memory_space<hbm>>) dst(%arg6 : memref<16384xf32, #tpu.memory_space<vmem>>)
      tpu.yield
    }) : () -> ()
    %parallel_loop3A_64 = arith.constant 0 : i32
    %parallel_loop3A_65 = arith.constant 2048 : i32
    %parallel_loop3A_66 = arith.constant 1 : i32
    scf.for %parallel_loop3A_112 = %parallel_loop3A_64 to %parallel_loop3A_65 step %parallel_loop3A_66  : i32 {
      %parallel_loop3A_113 = arith.constant 64 : i32
      %parallel_loop3A_114 = arith.divsi %parallel_loop3A_112, %parallel_loop3A_113 : i32
      %parallel_loop3A_115 = arith.constant 0 : i32
      %parallel_loop3A_116 = arith.cmpi sgt, %parallel_loop3A_112, %parallel_loop3A_115 : i32
      %parallel_loop3A_117 = arith.extui %parallel_loop3A_116 : i1 to i32
      %parallel_loop3A_118 = arith.constant 0 : i32
      %parallel_loop3A_119 = arith.cmpi slt, %parallel_loop3A_112, %parallel_loop3A_118 : i32
      %parallel_loop3A_120 = arith.extui %parallel_loop3A_119 : i1 to i32
      %parallel_loop3A_121 = arith.subi %parallel_loop3A_117, %parallel_loop3A_120 : i32
      %parallel_loop3A_122 = arith.constant 0 : i32
      %parallel_loop3A_123 = arith.cmpi sgt, %parallel_loop3A_113, %parallel_loop3A_122 : i32
      %parallel_loop3A_124 = arith.extui %parallel_loop3A_123 : i1 to i32
      %parallel_loop3A_125 = arith.constant 0 : i32
      %parallel_loop3A_126 = arith.cmpi slt, %parallel_loop3A_113, %parallel_loop3A_125 : i32
      %parallel_loop3A_127 = arith.extui %parallel_loop3A_126 : i1 to i32
      %parallel_loop3A_128 = arith.subi %parallel_loop3A_124, %parallel_loop3A_127 : i32
      %parallel_loop3A_129 = arith.cmpi ne, %parallel_loop3A_121, %parallel_loop3A_128 : i32
      %parallel_loop3A_130 = arith.remsi %parallel_loop3A_112, %parallel_loop3A_113 : i32
      %parallel_loop3A_131 = arith.constant 0 : i32
      %parallel_loop3A_132 = arith.cmpi ne, %parallel_loop3A_130, %parallel_loop3A_131 : i32
      %parallel_loop3A_133 = arith.andi %parallel_loop3A_129, %parallel_loop3A_132 : i1
      %parallel_loop3A_134 = arith.constant 1 : i32
      %parallel_loop3A_135 = arith.subi %parallel_loop3A_114, %parallel_loop3A_134 : i32
      %parallel_loop3A_136 = arith.select %parallel_loop3A_133, %parallel_loop3A_135, %parallel_loop3A_114 : i32
      %parallel_loop3A_137 = arith.constant 64 : i32
      %parallel_loop3A_138 = arith.constant 0 : i32
      %parallel_loop3A_139 = arith.cmpi eq, %parallel_loop3A_137, %parallel_loop3A_138 : i32
      %parallel_loop3A_140 = arith.constant 1 : i32
      %parallel_loop3A_141 = arith.select %parallel_loop3A_139, %parallel_loop3A_140, %parallel_loop3A_137 : i32
      %parallel_loop3A_142 = arith.remsi %parallel_loop3A_112, %parallel_loop3A_141 : i32
      %parallel_loop3A_143 = arith.constant 0 : i32
      %parallel_loop3A_144 = arith.cmpi ne, %parallel_loop3A_142, %parallel_loop3A_143 : i32
      %parallel_loop3A_145 = arith.constant 0 : i32
      %parallel_loop3A_146 = arith.cmpi slt, %parallel_loop3A_142, %parallel_loop3A_145 : i32
      %parallel_loop3A_147 = arith.constant 0 : i32
      %parallel_loop3A_148 = arith.cmpi slt, %parallel_loop3A_141, %parallel_loop3A_147 : i32
      %parallel_loop3A_149 = arith.xori %parallel_loop3A_146, %parallel_loop3A_148 : i1
      %parallel_loop3A_150 = arith.andi %parallel_loop3A_149, %parallel_loop3A_144 : i1
      %parallel_loop3A_151 = arith.addi %parallel_loop3A_142, %parallel_loop3A_141 : i32
      %parallel_loop3A_152 = arith.select %parallel_loop3A_150, %parallel_loop3A_151, %parallel_loop3A_142 : i32
      %parallel_loop3A_153 = arith.constant 16 : i32
      %parallel_loop3A_154 = arith.muli %parallel_loop3A_152, %parallel_loop3A_153 : i32
      %parallel_loop3A_155 = arith.index_cast %parallel_loop3A_136 : i32 to index
      %parallel_loop3A_156 = arith.index_cast %parallel_loop3A_154 : i32 to index
      %parallel_loop3A_157 = tpu.vector_load %arg5[%parallel_loop3A_155, %parallel_loop3A_156] {strides = array<i32>} : memref<32x1024xi32, #tpu.memory_space<vmem>>, vector<16xi32>,
      %parallel_loop3A_158 = tpu.vector_load_idx %arg6[%parallel_loop3A_157] : memref<16384xf32, #tpu.memory_space<vmem>>[vector<16xi32>], vector<16xf32>,
      %parallel_loop3A_159 = arith.index_cast %parallel_loop3A_136 : i32 to index
      %parallel_loop3A_160 = arith.index_cast %parallel_loop3A_154 : i32 to index
      %parallel_loop3A_161 = tpu.vector_load %arg7[%parallel_loop3A_159, %parallel_loop3A_160] {strides = array<i32>} : memref<32x1024xf32, #tpu.memory_space<vmem>>, vector<16xf32>,
      tpu.vector_store %arg7[%parallel_loop3A_159, %parallel_loop3A_160], %parallel_loop3A_158 {strides = array<i32>} : memref<32x1024xf32, #tpu.memory_space<vmem>>, vector<16xf32>,
    } {sc.loop_unroll_factor = 8 : i64, sc.parallel_access}
    "tpu.region"() ({
      %run_scoped3A = tpu.sem_alloc : memref<!tpu.dma_semaphore, #tpu.memory_space<semaphore_mem>>
      %dma_start3A = arith.constant 0 : i32
      %dma_start3A_112 = arith.constant 0 : i32
      %dma_start3A_113 = tpu.memref_slice %arg4[%select_n3A, %add3A_63, %dma_start3A, %dma_start3A_112] : memref<8x64x32x1024xf32, #tpu.memory_space<hbm>> -> memref<1x1x32x1024xf32, #tpu.memory_space<hbm>>
      %dma_start3A_114 = tpu.memref_squeeze %dma_start3A_113 : memref<1x1x32x1024xf32, #tpu.memory_space<hbm>> -> memref<32x1024xf32, #tpu.memory_space<hbm>>
      %dma_start3A_115 = arith.constant 0 : i32
      %dma_start3A_116 = arith.constant 0 : i32
      %dma_start3A_117 = tpu.memref_slice %arg4[%select_n3A, %add3A_63, %dma_start3A_115, %dma_start3A_116] : memref<8x64x32x1024xf32, #tpu.memory_space<hbm>> -> memref<1x1x32x1024xf32, #tpu.memory_space<hbm>>
      %dma_start3A_118 = tpu.memref_squeeze %dma_start3A_117 : memref<1x1x32x1024xf32, #tpu.memory_space<hbm>> -> memref<32x1024xf32, #tpu.memory_space<hbm>>
      tpu.enqueue_dma source(%arg7 : memref<32x1024xf32, #tpu.memory_space<vmem>>) target(%dma_start3A_118 : memref<32x1024xf32, #tpu.memory_space<hbm>>) target_semaphore(%run_scoped3A : memref<!tpu.dma_semaphore, #tpu.memory_space<semaphore_mem>>)
      %dma_wait3A = arith.constant 0 : i32
      %dma_wait3A_119 = arith.constant 0 : i32
      %dma_wait3A_120 = tpu.memref_slice %arg4[%select_n3A, %add3A_63, %dma_wait3A, %dma_wait3A_119] : memref<8x64x32x1024xf32, #tpu.memory_space<hbm>> -> memref<1x1x32x1024xf32, #tpu.memory_space<hbm>>
      %dma_wait3A_121 = tpu.memref_squeeze %dma_wait3A_120 : memref<1x1x32x1024xf32, #tpu.memory_space<hbm>> -> memref<32x1024xf32, #tpu.memory_space<hbm>>
      %dma_wait3A_122 = arith.constant 0 : i32
      %dma_wait3A_123 = arith.constant 0 : i32
      %dma_wait3A_124 = tpu.memref_slice %arg4[%select_n3A, %add3A_63, %dma_wait3A_122, %dma_wait3A_123] : memref<8x64x32x1024xf32, #tpu.memory_space<hbm>> -> memref<1x1x32x1024xf32, #tpu.memory_space<hbm>>
      %dma_wait3A_125 = tpu.memref_squeeze %dma_wait3A_124 : memref<1x1x32x1024xf32, #tpu.memory_space<hbm>> -> memref<32x1024xf32, #tpu.memory_space<hbm>>
      tpu.wait_dma2 semaphore(%run_scoped3A : memref<!tpu.dma_semaphore, #tpu.memory_space<semaphore_mem>>) src(%arg7 : memref<32x1024xf32, #tpu.memory_space<vmem>>) dst(%dma_wait3A_125 : memref<32x1024xf32, #tpu.memory_space<hbm>>)
      tpu.yield
    }) : () -> ()
    %add3A_67 = arith.constant 7 : i32
    %add3A_68 = arith.addi %mul3A_32, %add3A_67 : i32
    "tpu.region"() ({
      %run_scoped3A = tpu.sem_alloc : memref<!tpu.dma_semaphore, #tpu.memory_space<semaphore_mem>>
      %dma_start3A = arith.constant 0 : i32
      %dma_start3A_112 = tpu.memref_slice %arg2[%select_n3A, %add3A_68, %dma_start3A] : memref<8x64x16384xf32, #tpu.memory_space<hbm>> -> memref<1x1x16384xf32, #tpu.memory_space<hbm>>
      %dma_start3A_113 = tpu.memref_squeeze %dma_start3A_112 : memref<1x1x16384xf32, #tpu.memory_space<hbm>> -> memref<16384xf32, #tpu.memory_space<hbm>>
      %dma_start3A_114 = arith.constant 0 : i32
      %dma_start3A_115 = tpu.memref_slice %arg2[%select_n3A, %add3A_68, %dma_start3A_114] : memref<8x64x16384xf32, #tpu.memory_space<hbm>> -> memref<1x1x16384xf32, #tpu.memory_space<hbm>>
      %dma_start3A_116 = tpu.memref_squeeze %dma_start3A_115 : memref<1x1x16384xf32, #tpu.memory_space<hbm>> -> memref<16384xf32, #tpu.memory_space<hbm>>
      tpu.enqueue_dma source(%dma_start3A_116 : memref<16384xf32, #tpu.memory_space<hbm>>) target(%arg6 : memref<16384xf32, #tpu.memory_space<vmem>>) target_semaphore(%run_scoped3A : memref<!tpu.dma_semaphore, #tpu.memory_space<semaphore_mem>>)
      %dma_wait3A = arith.constant 0 : i32
      %dma_wait3A_117 = tpu.memref_slice %arg2[%select_n3A, %add3A_68, %dma_wait3A] : memref<8x64x16384xf32, #tpu.memory_space<hbm>> -> memref<1x1x16384xf32, #tpu.memory_space<hbm>>
      %dma_wait3A_118 = tpu.memref_squeeze %dma_wait3A_117 : memref<1x1x16384xf32, #tpu.memory_space<hbm>> -> memref<16384xf32, #tpu.memory_space<hbm>>
      %dma_wait3A_119 = arith.constant 0 : i32
      %dma_wait3A_120 = tpu.memref_slice %arg2[%select_n3A, %add3A_68, %dma_wait3A_119] : memref<8x64x16384xf32, #tpu.memory_space<hbm>> -> memref<1x1x16384xf32, #tpu.memory_space<hbm>>
      %dma_wait3A_121 = tpu.memref_squeeze %dma_wait3A_120 : memref<1x1x16384xf32, #tpu.memory_space<hbm>> -> memref<16384xf32, #tpu.memory_space<hbm>>
      tpu.wait_dma2 semaphore(%run_scoped3A : memref<!tpu.dma_semaphore, #tpu.memory_space<semaphore_mem>>) src(%dma_wait3A_121 : memref<16384xf32, #tpu.memory_space<hbm>>) dst(%arg6 : memref<16384xf32, #tpu.memory_space<vmem>>)
      tpu.yield
    }) : () -> ()
    %parallel_loop3A_69 = arith.constant 0 : i32
    %parallel_loop3A_70 = arith.constant 2048 : i32
    %parallel_loop3A_71 = arith.constant 1 : i32
    scf.for %parallel_loop3A_112 = %parallel_loop3A_69 to %parallel_loop3A_70 step %parallel_loop3A_71  : i32 {
      %parallel_loop3A_113 = arith.constant 64 : i32
      %parallel_loop3A_114 = arith.divsi %parallel_loop3A_112, %parallel_loop3A_113 : i32
      %parallel_loop3A_115 = arith.constant 0 : i32
      %parallel_loop3A_116 = arith.cmpi sgt, %parallel_loop3A_112, %parallel_loop3A_115 : i32
      %parallel_loop3A_117 = arith.extui %parallel_loop3A_116 : i1 to i32
      %parallel_loop3A_118 = arith.constant 0 : i32
      %parallel_loop3A_119 = arith.cmpi slt, %parallel_loop3A_112, %parallel_loop3A_118 : i32
      %parallel_loop3A_120 = arith.extui %parallel_loop3A_119 : i1 to i32
      %parallel_loop3A_121 = arith.subi %parallel_loop3A_117, %parallel_loop3A_120 : i32
      %parallel_loop3A_122 = arith.constant 0 : i32
      %parallel_loop3A_123 = arith.cmpi sgt, %parallel_loop3A_113, %parallel_loop3A_122 : i32
      %parallel_loop3A_124 = arith.extui %parallel_loop3A_123 : i1 to i32
      %parallel_loop3A_125 = arith.constant 0 : i32
      %parallel_loop3A_126 = arith.cmpi slt, %parallel_loop3A_113, %parallel_loop3A_125 : i32
      %parallel_loop3A_127 = arith.extui %parallel_loop3A_126 : i1 to i32
      %parallel_loop3A_128 = arith.subi %parallel_loop3A_124, %parallel_loop3A_127 : i32
      %parallel_loop3A_129 = arith.cmpi ne, %parallel_loop3A_121, %parallel_loop3A_128 : i32
      %parallel_loop3A_130 = arith.remsi %parallel_loop3A_112, %parallel_loop3A_113 : i32
      %parallel_loop3A_131 = arith.constant 0 : i32
      %parallel_loop3A_132 = arith.cmpi ne, %parallel_loop3A_130, %parallel_loop3A_131 : i32
      %parallel_loop3A_133 = arith.andi %parallel_loop3A_129, %parallel_loop3A_132 : i1
      %parallel_loop3A_134 = arith.constant 1 : i32
      %parallel_loop3A_135 = arith.subi %parallel_loop3A_114, %parallel_loop3A_134 : i32
      %parallel_loop3A_136 = arith.select %parallel_loop3A_133, %parallel_loop3A_135, %parallel_loop3A_114 : i32
      %parallel_loop3A_137 = arith.constant 64 : i32
      %parallel_loop3A_138 = arith.constant 0 : i32
      %parallel_loop3A_139 = arith.cmpi eq, %parallel_loop3A_137, %parallel_loop3A_138 : i32
      %parallel_loop3A_140 = arith.constant 1 : i32
      %parallel_loop3A_141 = arith.select %parallel_loop3A_139, %parallel_loop3A_140, %parallel_loop3A_137 : i32
      %parallel_loop3A_142 = arith.remsi %parallel_loop3A_112, %parallel_loop3A_141 : i32
      %parallel_loop3A_143 = arith.constant 0 : i32
      %parallel_loop3A_144 = arith.cmpi ne, %parallel_loop3A_142, %parallel_loop3A_143 : i32
      %parallel_loop3A_145 = arith.constant 0 : i32
      %parallel_loop3A_146 = arith.cmpi slt, %parallel_loop3A_142, %parallel_loop3A_145 : i32
      %parallel_loop3A_147 = arith.constant 0 : i32
      %parallel_loop3A_148 = arith.cmpi slt, %parallel_loop3A_141, %parallel_loop3A_147 : i32
      %parallel_loop3A_149 = arith.xori %parallel_loop3A_146, %parallel_loop3A_148 : i1
      %parallel_loop3A_150 = arith.andi %parallel_loop3A_149, %parallel_loop3A_144 : i1
      %parallel_loop3A_151 = arith.addi %parallel_loop3A_142, %parallel_loop3A_141 : i32
      %parallel_loop3A_152 = arith.select %parallel_loop3A_150, %parallel_loop3A_151, %parallel_loop3A_142 : i32
      %parallel_loop3A_153 = arith.constant 16 : i32
      %parallel_loop3A_154 = arith.muli %parallel_loop3A_152, %parallel_loop3A_153 : i32
      %parallel_loop3A_155 = arith.index_cast %parallel_loop3A_136 : i32 to index
      %parallel_loop3A_156 = arith.index_cast %parallel_loop3A_154 : i32 to index
      %parallel_loop3A_157 = tpu.vector_load %arg5[%parallel_loop3A_155, %parallel_loop3A_156] {strides = array<i32>} : memref<32x1024xi32, #tpu.memory_space<vmem>>, vector<16xi32>,
      %parallel_loop3A_158 = tpu.vector_load_idx %arg6[%parallel_loop3A_157] : memref<16384xf32, #tpu.memory_space<vmem>>[vector<16xi32>], vector<16xf32>,
      %parallel_loop3A_159 = arith.index_cast %parallel_loop3A_136 : i32 to index
      %parallel_loop3A_160 = arith.index_cast %parallel_loop3A_154 : i32 to index
      %parallel_loop3A_161 = tpu.vector_load %arg7[%parallel_loop3A_159, %parallel_loop3A_160] {strides = array<i32>} : memref<32x1024xf32, #tpu.memory_space<vmem>>, vector<16xf32>,
      tpu.vector_store %arg7[%parallel_loop3A_159, %parallel_loop3A_160], %parallel_loop3A_158 {strides = array<i32>} : memref<32x1024xf32, #tpu.memory_space<vmem>>, vector<16xf32>,
    } {sc.loop_unroll_factor = 8 : i64, sc.parallel_access}
    "tpu.region"() ({
      %run_scoped3A = tpu.sem_alloc : memref<!tpu.dma_semaphore, #tpu.memory_space<semaphore_mem>>
      %dma_start3A = arith.constant 0 : i32
      %dma_start3A_112 = arith.constant 0 : i32
      %dma_start3A_113 = tpu.memref_slice %arg4[%select_n3A, %add3A_68, %dma_start3A, %dma_start3A_112] : memref<8x64x32x1024xf32, #tpu.memory_space<hbm>> -> memref<1x1x32x1024xf32, #tpu.memory_space<hbm>>
      %dma_start3A_114 = tpu.memref_squeeze %dma_start3A_113 : memref<1x1x32x1024xf32, #tpu.memory_space<hbm>> -> memref<32x1024xf32, #tpu.memory_space<hbm>>
      %dma_start3A_115 = arith.constant 0 : i32
      %dma_start3A_116 = arith.constant 0 : i32
      %dma_start3A_117 = tpu.memref_slice %arg4[%select_n3A, %add3A_68, %dma_start3A_115, %dma_start3A_116] : memref<8x64x32x1024xf32, #tpu.memory_space<hbm>> -> memref<1x1x32x1024xf32, #tpu.memory_space<hbm>>
      %dma_start3A_118 = tpu.memref_squeeze %dma_start3A_117 : memref<1x1x32x1024xf32, #tpu.memory_space<hbm>> -> memref<32x1024xf32, #tpu.memory_space<hbm>>
      tpu.enqueue_dma source(%arg7 : memref<32x1024xf32, #tpu.memory_space<vmem>>) target(%dma_start3A_118 : memref<32x1024xf32, #tpu.memory_space<hbm>>) target_semaphore(%run_scoped3A : memref<!tpu.dma_semaphore, #tpu.memory_space<semaphore_mem>>)
      %dma_wait3A = arith.constant 0 : i32
      %dma_wait3A_119 = arith.constant 0 : i32
      %dma_wait3A_120 = tpu.memref_slice %arg4[%select_n3A, %add3A_68, %dma_wait3A, %dma_wait3A_119] : memref<8x64x32x1024xf32, #tpu.memory_space<hbm>> -> memref<1x1x32x1024xf32, #tpu.memory_space<hbm>>
      %dma_wait3A_121 = tpu.memref_squeeze %dma_wait3A_120 : memref<1x1x32x1024xf32, #tpu.memory_space<hbm>> -> memref<32x1024xf32, #tpu.memory_space<hbm>>
      %dma_wait3A_122 = arith.constant 0 : i32
      %dma_wait3A_123 = arith.constant 0 : i32
      %dma_wait3A_124 = tpu.memref_slice %arg4[%select_n3A, %add3A_68, %dma_wait3A_122, %dma_wait3A_123] : memref<8x64x32x1024xf32, #tpu.memory_space<hbm>> -> memref<1x1x32x1024xf32, #tpu.memory_space<hbm>>
      %dma_wait3A_125 = tpu.memref_squeeze %dma_wait3A_124 : memref<1x1x32x1024xf32, #tpu.memory_space<hbm>> -> memref<32x1024xf32, #tpu.memory_space<hbm>>
      tpu.wait_dma2 semaphore(%run_scoped3A : memref<!tpu.dma_semaphore, #tpu.memory_space<semaphore_mem>>) src(%arg7 : memref<32x1024xf32, #tpu.memory_space<vmem>>) dst(%dma_wait3A_125 : memref<32x1024xf32, #tpu.memory_space<hbm>>)
      tpu.yield
    }) : () -> ()
    %add3A_72 = arith.constant 8 : i32
    %add3A_73 = arith.addi %mul3A_32, %add3A_72 : i32
    "tpu.region"() ({
      %run_scoped3A = tpu.sem_alloc : memref<!tpu.dma_semaphore, #tpu.memory_space<semaphore_mem>>
      %dma_start3A = arith.constant 0 : i32
      %dma_start3A_112 = tpu.memref_slice %arg2[%select_n3A, %add3A_73, %dma_start3A] : memref<8x64x16384xf32, #tpu.memory_space<hbm>> -> memref<1x1x16384xf32, #tpu.memory_space<hbm>>
      %dma_start3A_113 = tpu.memref_squeeze %dma_start3A_112 : memref<1x1x16384xf32, #tpu.memory_space<hbm>> -> memref<16384xf32, #tpu.memory_space<hbm>>
      %dma_start3A_114 = arith.constant 0 : i32
      %dma_start3A_115 = tpu.memref_slice %arg2[%select_n3A, %add3A_73, %dma_start3A_114] : memref<8x64x16384xf32, #tpu.memory_space<hbm>> -> memref<1x1x16384xf32, #tpu.memory_space<hbm>>
      %dma_start3A_116 = tpu.memref_squeeze %dma_start3A_115 : memref<1x1x16384xf32, #tpu.memory_space<hbm>> -> memref<16384xf32, #tpu.memory_space<hbm>>
      tpu.enqueue_dma source(%dma_start3A_116 : memref<16384xf32, #tpu.memory_space<hbm>>) target(%arg6 : memref<16384xf32, #tpu.memory_space<vmem>>) target_semaphore(%run_scoped3A : memref<!tpu.dma_semaphore, #tpu.memory_space<semaphore_mem>>)
      %dma_wait3A = arith.constant 0 : i32
      %dma_wait3A_117 = tpu.memref_slice %arg2[%select_n3A, %add3A_73, %dma_wait3A] : memref<8x64x16384xf32, #tpu.memory_space<hbm>> -> memref<1x1x16384xf32, #tpu.memory_space<hbm>>
      %dma_wait3A_118 = tpu.memref_squeeze %dma_wait3A_117 : memref<1x1x16384xf32, #tpu.memory_space<hbm>> -> memref<16384xf32, #tpu.memory_space<hbm>>
      %dma_wait3A_119 = arith.constant 0 : i32
      %dma_wait3A_120 = tpu.memref_slice %arg2[%select_n3A, %add3A_73, %dma_wait3A_119] : memref<8x64x16384xf32, #tpu.memory_space<hbm>> -> memref<1x1x16384xf32, #tpu.memory_space<hbm>>
      %dma_wait3A_121 = tpu.memref_squeeze %dma_wait3A_120 : memref<1x1x16384xf32, #tpu.memory_space<hbm>> -> memref<16384xf32, #tpu.memory_space<hbm>>
      tpu.wait_dma2 semaphore(%run_scoped3A : memref<!tpu.dma_semaphore, #tpu.memory_space<semaphore_mem>>) src(%dma_wait3A_121 : memref<16384xf32, #tpu.memory_space<hbm>>) dst(%arg6 : memref<16384xf32, #tpu.memory_space<vmem>>)
      tpu.yield
    }) : () -> ()
    %parallel_loop3A_74 = arith.constant 0 : i32
    %parallel_loop3A_75 = arith.constant 2048 : i32
    %parallel_loop3A_76 = arith.constant 1 : i32
    scf.for %parallel_loop3A_112 = %parallel_loop3A_74 to %parallel_loop3A_75 step %parallel_loop3A_76  : i32 {
      %parallel_loop3A_113 = arith.constant 64 : i32
      %parallel_loop3A_114 = arith.divsi %parallel_loop3A_112, %parallel_loop3A_113 : i32
      %parallel_loop3A_115 = arith.constant 0 : i32
      %parallel_loop3A_116 = arith.cmpi sgt, %parallel_loop3A_112, %parallel_loop3A_115 : i32
      %parallel_loop3A_117 = arith.extui %parallel_loop3A_116 : i1 to i32
      %parallel_loop3A_118 = arith.constant 0 : i32
      %parallel_loop3A_119 = arith.cmpi slt, %parallel_loop3A_112, %parallel_loop3A_118 : i32
      %parallel_loop3A_120 = arith.extui %parallel_loop3A_119 : i1 to i32
      %parallel_loop3A_121 = arith.subi %parallel_loop3A_117, %parallel_loop3A_120 : i32
      %parallel_loop3A_122 = arith.constant 0 : i32
      %parallel_loop3A_123 = arith.cmpi sgt, %parallel_loop3A_113, %parallel_loop3A_122 : i32
      %parallel_loop3A_124 = arith.extui %parallel_loop3A_123 : i1 to i32
      %parallel_loop3A_125 = arith.constant 0 : i32
      %parallel_loop3A_126 = arith.cmpi slt, %parallel_loop3A_113, %parallel_loop3A_125 : i32
      %parallel_loop3A_127 = arith.extui %parallel_loop3A_126 : i1 to i32
      %parallel_loop3A_128 = arith.subi %parallel_loop3A_124, %parallel_loop3A_127 : i32
      %parallel_loop3A_129 = arith.cmpi ne, %parallel_loop3A_121, %parallel_loop3A_128 : i32
      %parallel_loop3A_130 = arith.remsi %parallel_loop3A_112, %parallel_loop3A_113 : i32
      %parallel_loop3A_131 = arith.constant 0 : i32
      %parallel_loop3A_132 = arith.cmpi ne, %parallel_loop3A_130, %parallel_loop3A_131 : i32
      %parallel_loop3A_133 = arith.andi %parallel_loop3A_129, %parallel_loop3A_132 : i1
      %parallel_loop3A_134 = arith.constant 1 : i32
      %parallel_loop3A_135 = arith.subi %parallel_loop3A_114, %parallel_loop3A_134 : i32
      %parallel_loop3A_136 = arith.select %parallel_loop3A_133, %parallel_loop3A_135, %parallel_loop3A_114 : i32
      %parallel_loop3A_137 = arith.constant 64 : i32
      %parallel_loop3A_138 = arith.constant 0 : i32
      %parallel_loop3A_139 = arith.cmpi eq, %parallel_loop3A_137, %parallel_loop3A_138 : i32
      %parallel_loop3A_140 = arith.constant 1 : i32
      %parallel_loop3A_141 = arith.select %parallel_loop3A_139, %parallel_loop3A_140, %parallel_loop3A_137 : i32
      %parallel_loop3A_142 = arith.remsi %parallel_loop3A_112, %parallel_loop3A_141 : i32
      %parallel_loop3A_143 = arith.constant 0 : i32
      %parallel_loop3A_144 = arith.cmpi ne, %parallel_loop3A_142, %parallel_loop3A_143 : i32
      %parallel_loop3A_145 = arith.constant 0 : i32
      %parallel_loop3A_146 = arith.cmpi slt, %parallel_loop3A_142, %parallel_loop3A_145 : i32
      %parallel_loop3A_147 = arith.constant 0 : i32
      %parallel_loop3A_148 = arith.cmpi slt, %parallel_loop3A_141, %parallel_loop3A_147 : i32
      %parallel_loop3A_149 = arith.xori %parallel_loop3A_146, %parallel_loop3A_148 : i1
      %parallel_loop3A_150 = arith.andi %parallel_loop3A_149, %parallel_loop3A_144 : i1
      %parallel_loop3A_151 = arith.addi %parallel_loop3A_142, %parallel_loop3A_141 : i32
      %parallel_loop3A_152 = arith.select %parallel_loop3A_150, %parallel_loop3A_151, %parallel_loop3A_142 : i32
      %parallel_loop3A_153 = arith.constant 16 : i32
      %parallel_loop3A_154 = arith.muli %parallel_loop3A_152, %parallel_loop3A_153 : i32
      %parallel_loop3A_155 = arith.index_cast %parallel_loop3A_136 : i32 to index
      %parallel_loop3A_156 = arith.index_cast %parallel_loop3A_154 : i32 to index
      %parallel_loop3A_157 = tpu.vector_load %arg5[%parallel_loop3A_155, %parallel_loop3A_156] {strides = array<i32>} : memref<32x1024xi32, #tpu.memory_space<vmem>>, vector<16xi32>,
      %parallel_loop3A_158 = tpu.vector_load_idx %arg6[%parallel_loop3A_157] : memref<16384xf32, #tpu.memory_space<vmem>>[vector<16xi32>], vector<16xf32>,
      %parallel_loop3A_159 = arith.index_cast %parallel_loop3A_136 : i32 to index
      %parallel_loop3A_160 = arith.index_cast %parallel_loop3A_154 : i32 to index
      %parallel_loop3A_161 = tpu.vector_load %arg7[%parallel_loop3A_159, %parallel_loop3A_160] {strides = array<i32>} : memref<32x1024xf32, #tpu.memory_space<vmem>>, vector<16xf32>,
      tpu.vector_store %arg7[%parallel_loop3A_159, %parallel_loop3A_160], %parallel_loop3A_158 {strides = array<i32>} : memref<32x1024xf32, #tpu.memory_space<vmem>>, vector<16xf32>,
    } {sc.loop_unroll_factor = 8 : i64, sc.parallel_access}
    "tpu.region"() ({
      %run_scoped3A = tpu.sem_alloc : memref<!tpu.dma_semaphore, #tpu.memory_space<semaphore_mem>>
      %dma_start3A = arith.constant 0 : i32
      %dma_start3A_112 = arith.constant 0 : i32
      %dma_start3A_113 = tpu.memref_slice %arg4[%select_n3A, %add3A_73, %dma_start3A, %dma_start3A_112] : memref<8x64x32x1024xf32, #tpu.memory_space<hbm>> -> memref<1x1x32x1024xf32, #tpu.memory_space<hbm>>
      %dma_start3A_114 = tpu.memref_squeeze %dma_start3A_113 : memref<1x1x32x1024xf32, #tpu.memory_space<hbm>> -> memref<32x1024xf32, #tpu.memory_space<hbm>>
      %dma_start3A_115 = arith.constant 0 : i32
      %dma_start3A_116 = arith.constant 0 : i32
      %dma_start3A_117 = tpu.memref_slice %arg4[%select_n3A, %add3A_73, %dma_start3A_115, %dma_start3A_116] : memref<8x64x32x1024xf32, #tpu.memory_space<hbm>> -> memref<1x1x32x1024xf32, #tpu.memory_space<hbm>>
      %dma_start3A_118 = tpu.memref_squeeze %dma_start3A_117 : memref<1x1x32x1024xf32, #tpu.memory_space<hbm>> -> memref<32x1024xf32, #tpu.memory_space<hbm>>
      tpu.enqueue_dma source(%arg7 : memref<32x1024xf32, #tpu.memory_space<vmem>>) target(%dma_start3A_118 : memref<32x1024xf32, #tpu.memory_space<hbm>>) target_semaphore(%run_scoped3A : memref<!tpu.dma_semaphore, #tpu.memory_space<semaphore_mem>>)
      %dma_wait3A = arith.constant 0 : i32
      %dma_wait3A_119 = arith.constant 0 : i32
      %dma_wait3A_120 = tpu.memref_slice %arg4[%select_n3A, %add3A_73, %dma_wait3A, %dma_wait3A_119] : memref<8x64x32x1024xf32, #tpu.memory_space<hbm>> -> memref<1x1x32x1024xf32, #tpu.memory_space<hbm>>
      %dma_wait3A_121 = tpu.memref_squeeze %dma_wait3A_120 : memref<1x1x32x1024xf32, #tpu.memory_space<hbm>> -> memref<32x1024xf32, #tpu.memory_space<hbm>>
      %dma_wait3A_122 = arith.constant 0 : i32
      %dma_wait3A_123 = arith.constant 0 : i32
      %dma_wait3A_124 = tpu.memref_slice %arg4[%select_n3A, %add3A_73, %dma_wait3A_122, %dma_wait3A_123] : memref<8x64x32x1024xf32, #tpu.memory_space<hbm>> -> memref<1x1x32x1024xf32, #tpu.memory_space<hbm>>
      %dma_wait3A_125 = tpu.memref_squeeze %dma_wait3A_124 : memref<1x1x32x1024xf32, #tpu.memory_space<hbm>> -> memref<32x1024xf32, #tpu.memory_space<hbm>>
      tpu.wait_dma2 semaphore(%run_scoped3A : memref<!tpu.dma_semaphore, #tpu.memory_space<semaphore_mem>>) src(%arg7 : memref<32x1024xf32, #tpu.memory_space<vmem>>) dst(%dma_wait3A_125 : memref<32x1024xf32, #tpu.memory_space<hbm>>)
      tpu.yield
    }) : () -> ()
    %add3A_77 = arith.constant 9 : i32
    %add3A_78 = arith.addi %mul3A_32, %add3A_77 : i32
    "tpu.region"() ({
      %run_scoped3A = tpu.sem_alloc : memref<!tpu.dma_semaphore, #tpu.memory_space<semaphore_mem>>
      %dma_start3A = arith.constant 0 : i32
      %dma_start3A_112 = tpu.memref_slice %arg2[%select_n3A, %add3A_78, %dma_start3A] : memref<8x64x16384xf32, #tpu.memory_space<hbm>> -> memref<1x1x16384xf32, #tpu.memory_space<hbm>>
      %dma_start3A_113 = tpu.memref_squeeze %dma_start3A_112 : memref<1x1x16384xf32, #tpu.memory_space<hbm>> -> memref<16384xf32, #tpu.memory_space<hbm>>
      %dma_start3A_114 = arith.constant 0 : i32
      %dma_start3A_115 = tpu.memref_slice %arg2[%select_n3A, %add3A_78, %dma_start3A_114] : memref<8x64x16384xf32, #tpu.memory_space<hbm>> -> memref<1x1x16384xf32, #tpu.memory_space<hbm>>
      %dma_start3A_116 = tpu.memref_squeeze %dma_start3A_115 : memref<1x1x16384xf32, #tpu.memory_space<hbm>> -> memref<16384xf32, #tpu.memory_space<hbm>>
      tpu.enqueue_dma source(%dma_start3A_116 : memref<16384xf32, #tpu.memory_space<hbm>>) target(%arg6 : memref<16384xf32, #tpu.memory_space<vmem>>) target_semaphore(%run_scoped3A : memref<!tpu.dma_semaphore, #tpu.memory_space<semaphore_mem>>)
      %dma_wait3A = arith.constant 0 : i32
      %dma_wait3A_117 = tpu.memref_slice %arg2[%select_n3A, %add3A_78, %dma_wait3A] : memref<8x64x16384xf32, #tpu.memory_space<hbm>> -> memref<1x1x16384xf32, #tpu.memory_space<hbm>>
      %dma_wait3A_118 = tpu.memref_squeeze %dma_wait3A_117 : memref<1x1x16384xf32, #tpu.memory_space<hbm>> -> memref<16384xf32, #tpu.memory_space<hbm>>
      %dma_wait3A_119 = arith.constant 0 : i32
      %dma_wait3A_120 = tpu.memref_slice %arg2[%select_n3A, %add3A_78, %dma_wait3A_119] : memref<8x64x16384xf32, #tpu.memory_space<hbm>> -> memref<1x1x16384xf32, #tpu.memory_space<hbm>>
      %dma_wait3A_121 = tpu.memref_squeeze %dma_wait3A_120 : memref<1x1x16384xf32, #tpu.memory_space<hbm>> -> memref<16384xf32, #tpu.memory_space<hbm>>
      tpu.wait_dma2 semaphore(%run_scoped3A : memref<!tpu.dma_semaphore, #tpu.memory_space<semaphore_mem>>) src(%dma_wait3A_121 : memref<16384xf32, #tpu.memory_space<hbm>>) dst(%arg6 : memref<16384xf32, #tpu.memory_space<vmem>>)
      tpu.yield
    }) : () -> ()
    %parallel_loop3A_79 = arith.constant 0 : i32
    %parallel_loop3A_80 = arith.constant 2048 : i32
    %parallel_loop3A_81 = arith.constant 1 : i32
    scf.for %parallel_loop3A_112 = %parallel_loop3A_79 to %parallel_loop3A_80 step %parallel_loop3A_81  : i32 {
      %parallel_loop3A_113 = arith.constant 64 : i32
      %parallel_loop3A_114 = arith.divsi %parallel_loop3A_112, %parallel_loop3A_113 : i32
      %parallel_loop3A_115 = arith.constant 0 : i32
      %parallel_loop3A_116 = arith.cmpi sgt, %parallel_loop3A_112, %parallel_loop3A_115 : i32
      %parallel_loop3A_117 = arith.extui %parallel_loop3A_116 : i1 to i32
      %parallel_loop3A_118 = arith.constant 0 : i32
      %parallel_loop3A_119 = arith.cmpi slt, %parallel_loop3A_112, %parallel_loop3A_118 : i32
      %parallel_loop3A_120 = arith.extui %parallel_loop3A_119 : i1 to i32
      %parallel_loop3A_121 = arith.subi %parallel_loop3A_117, %parallel_loop3A_120 : i32
      %parallel_loop3A_122 = arith.constant 0 : i32
      %parallel_loop3A_123 = arith.cmpi sgt, %parallel_loop3A_113, %parallel_loop3A_122 : i32
      %parallel_loop3A_124 = arith.extui %parallel_loop3A_123 : i1 to i32
      %parallel_loop3A_125 = arith.constant 0 : i32
      %parallel_loop3A_126 = arith.cmpi slt, %parallel_loop3A_113, %parallel_loop3A_125 : i32
      %parallel_loop3A_127 = arith.extui %parallel_loop3A_126 : i1 to i32
      %parallel_loop3A_128 = arith.subi %parallel_loop3A_124, %parallel_loop3A_127 : i32
      %parallel_loop3A_129 = arith.cmpi ne, %parallel_loop3A_121, %parallel_loop3A_128 : i32
      %parallel_loop3A_130 = arith.remsi %parallel_loop3A_112, %parallel_loop3A_113 : i32
      %parallel_loop3A_131 = arith.constant 0 : i32
      %parallel_loop3A_132 = arith.cmpi ne, %parallel_loop3A_130, %parallel_loop3A_131 : i32
      %parallel_loop3A_133 = arith.andi %parallel_loop3A_129, %parallel_loop3A_132 : i1
      %parallel_loop3A_134 = arith.constant 1 : i32
      %parallel_loop3A_135 = arith.subi %parallel_loop3A_114, %parallel_loop3A_134 : i32
      %parallel_loop3A_136 = arith.select %parallel_loop3A_133, %parallel_loop3A_135, %parallel_loop3A_114 : i32
      %parallel_loop3A_137 = arith.constant 64 : i32
      %parallel_loop3A_138 = arith.constant 0 : i32
      %parallel_loop3A_139 = arith.cmpi eq, %parallel_loop3A_137, %parallel_loop3A_138 : i32
      %parallel_loop3A_140 = arith.constant 1 : i32
      %parallel_loop3A_141 = arith.select %parallel_loop3A_139, %parallel_loop3A_140, %parallel_loop3A_137 : i32
      %parallel_loop3A_142 = arith.remsi %parallel_loop3A_112, %parallel_loop3A_141 : i32
      %parallel_loop3A_143 = arith.constant 0 : i32
      %parallel_loop3A_144 = arith.cmpi ne, %parallel_loop3A_142, %parallel_loop3A_143 : i32
      %parallel_loop3A_145 = arith.constant 0 : i32
      %parallel_loop3A_146 = arith.cmpi slt, %parallel_loop3A_142, %parallel_loop3A_145 : i32
      %parallel_loop3A_147 = arith.constant 0 : i32
      %parallel_loop3A_148 = arith.cmpi slt, %parallel_loop3A_141, %parallel_loop3A_147 : i32
      %parallel_loop3A_149 = arith.xori %parallel_loop3A_146, %parallel_loop3A_148 : i1
      %parallel_loop3A_150 = arith.andi %parallel_loop3A_149, %parallel_loop3A_144 : i1
      %parallel_loop3A_151 = arith.addi %parallel_loop3A_142, %parallel_loop3A_141 : i32
      %parallel_loop3A_152 = arith.select %parallel_loop3A_150, %parallel_loop3A_151, %parallel_loop3A_142 : i32
      %parallel_loop3A_153 = arith.constant 16 : i32
      %parallel_loop3A_154 = arith.muli %parallel_loop3A_152, %parallel_loop3A_153 : i32
      %parallel_loop3A_155 = arith.index_cast %parallel_loop3A_136 : i32 to index
      %parallel_loop3A_156 = arith.index_cast %parallel_loop3A_154 : i32 to index
      %parallel_loop3A_157 = tpu.vector_load %arg5[%parallel_loop3A_155, %parallel_loop3A_156] {strides = array<i32>} : memref<32x1024xi32, #tpu.memory_space<vmem>>, vector<16xi32>,
      %parallel_loop3A_158 = tpu.vector_load_idx %arg6[%parallel_loop3A_157] : memref<16384xf32, #tpu.memory_space<vmem>>[vector<16xi32>], vector<16xf32>,
      %parallel_loop3A_159 = arith.index_cast %parallel_loop3A_136 : i32 to index
      %parallel_loop3A_160 = arith.index_cast %parallel_loop3A_154 : i32 to index
      %parallel_loop3A_161 = tpu.vector_load %arg7[%parallel_loop3A_159, %parallel_loop3A_160] {strides = array<i32>} : memref<32x1024xf32, #tpu.memory_space<vmem>>, vector<16xf32>,
      tpu.vector_store %arg7[%parallel_loop3A_159, %parallel_loop3A_160], %parallel_loop3A_158 {strides = array<i32>} : memref<32x1024xf32, #tpu.memory_space<vmem>>, vector<16xf32>,
    } {sc.loop_unroll_factor = 8 : i64, sc.parallel_access}
    "tpu.region"() ({
      %run_scoped3A = tpu.sem_alloc : memref<!tpu.dma_semaphore, #tpu.memory_space<semaphore_mem>>
      %dma_start3A = arith.constant 0 : i32
      %dma_start3A_112 = arith.constant 0 : i32
      %dma_start3A_113 = tpu.memref_slice %arg4[%select_n3A, %add3A_78, %dma_start3A, %dma_start3A_112] : memref<8x64x32x1024xf32, #tpu.memory_space<hbm>> -> memref<1x1x32x1024xf32, #tpu.memory_space<hbm>>
      %dma_start3A_114 = tpu.memref_squeeze %dma_start3A_113 : memref<1x1x32x1024xf32, #tpu.memory_space<hbm>> -> memref<32x1024xf32, #tpu.memory_space<hbm>>
      %dma_start3A_115 = arith.constant 0 : i32
      %dma_start3A_116 = arith.constant 0 : i32
      %dma_start3A_117 = tpu.memref_slice %arg4[%select_n3A, %add3A_78, %dma_start3A_115, %dma_start3A_116] : memref<8x64x32x1024xf32, #tpu.memory_space<hbm>> -> memref<1x1x32x1024xf32, #tpu.memory_space<hbm>>
      %dma_start3A_118 = tpu.memref_squeeze %dma_start3A_117 : memref<1x1x32x1024xf32, #tpu.memory_space<hbm>> -> memref<32x1024xf32, #tpu.memory_space<hbm>>
      tpu.enqueue_dma source(%arg7 : memref<32x1024xf32, #tpu.memory_space<vmem>>) target(%dma_start3A_118 : memref<32x1024xf32, #tpu.memory_space<hbm>>) target_semaphore(%run_scoped3A : memref<!tpu.dma_semaphore, #tpu.memory_space<semaphore_mem>>)
      %dma_wait3A = arith.constant 0 : i32
      %dma_wait3A_119 = arith.constant 0 : i32
      %dma_wait3A_120 = tpu.memref_slice %arg4[%select_n3A, %add3A_78, %dma_wait3A, %dma_wait3A_119] : memref<8x64x32x1024xf32, #tpu.memory_space<hbm>> -> memref<1x1x32x1024xf32, #tpu.memory_space<hbm>>
      %dma_wait3A_121 = tpu.memref_squeeze %dma_wait3A_120 : memref<1x1x32x1024xf32, #tpu.memory_space<hbm>> -> memref<32x1024xf32, #tpu.memory_space<hbm>>
      %dma_wait3A_122 = arith.constant 0 : i32
      %dma_wait3A_123 = arith.constant 0 : i32
      %dma_wait3A_124 = tpu.memref_slice %arg4[%select_n3A, %add3A_78, %dma_wait3A_122, %dma_wait3A_123] : memref<8x64x32x1024xf32, #tpu.memory_space<hbm>> -> memref<1x1x32x1024xf32, #tpu.memory_space<hbm>>
      %dma_wait3A_125 = tpu.memref_squeeze %dma_wait3A_124 : memref<1x1x32x1024xf32, #tpu.memory_space<hbm>> -> memref<32x1024xf32, #tpu.memory_space<hbm>>
      tpu.wait_dma2 semaphore(%run_scoped3A : memref<!tpu.dma_semaphore, #tpu.memory_space<semaphore_mem>>) src(%arg7 : memref<32x1024xf32, #tpu.memory_space<vmem>>) dst(%dma_wait3A_125 : memref<32x1024xf32, #tpu.memory_space<hbm>>)
      tpu.yield
    }) : () -> ()
    %add3A_82 = arith.constant 10 : i32
    %add3A_83 = arith.addi %mul3A_32, %add3A_82 : i32
    "tpu.region"() ({
      %run_scoped3A = tpu.sem_alloc : memref<!tpu.dma_semaphore, #tpu.memory_space<semaphore_mem>>
      %dma_start3A = arith.constant 0 : i32
      %dma_start3A_112 = tpu.memref_slice %arg2[%select_n3A, %add3A_83, %dma_start3A] : memref<8x64x16384xf32, #tpu.memory_space<hbm>> -> memref<1x1x16384xf32, #tpu.memory_space<hbm>>
      %dma_start3A_113 = tpu.memref_squeeze %dma_start3A_112 : memref<1x1x16384xf32, #tpu.memory_space<hbm>> -> memref<16384xf32, #tpu.memory_space<hbm>>
      %dma_start3A_114 = arith.constant 0 : i32
      %dma_start3A_115 = tpu.memref_slice %arg2[%select_n3A, %add3A_83, %dma_start3A_114] : memref<8x64x16384xf32, #tpu.memory_space<hbm>> -> memref<1x1x16384xf32, #tpu.memory_space<hbm>>
      %dma_start3A_116 = tpu.memref_squeeze %dma_start3A_115 : memref<1x1x16384xf32, #tpu.memory_space<hbm>> -> memref<16384xf32, #tpu.memory_space<hbm>>
      tpu.enqueue_dma source(%dma_start3A_116 : memref<16384xf32, #tpu.memory_space<hbm>>) target(%arg6 : memref<16384xf32, #tpu.memory_space<vmem>>) target_semaphore(%run_scoped3A : memref<!tpu.dma_semaphore, #tpu.memory_space<semaphore_mem>>)
      %dma_wait3A = arith.constant 0 : i32
      %dma_wait3A_117 = tpu.memref_slice %arg2[%select_n3A, %add3A_83, %dma_wait3A] : memref<8x64x16384xf32, #tpu.memory_space<hbm>> -> memref<1x1x16384xf32, #tpu.memory_space<hbm>>
      %dma_wait3A_118 = tpu.memref_squeeze %dma_wait3A_117 : memref<1x1x16384xf32, #tpu.memory_space<hbm>> -> memref<16384xf32, #tpu.memory_space<hbm>>
      %dma_wait3A_119 = arith.constant 0 : i32
      %dma_wait3A_120 = tpu.memref_slice %arg2[%select_n3A, %add3A_83, %dma_wait3A_119] : memref<8x64x16384xf32, #tpu.memory_space<hbm>> -> memref<1x1x16384xf32, #tpu.memory_space<hbm>>
      %dma_wait3A_121 = tpu.memref_squeeze %dma_wait3A_120 : memref<1x1x16384xf32, #tpu.memory_space<hbm>> -> memref<16384xf32, #tpu.memory_space<hbm>>
      tpu.wait_dma2 semaphore(%run_scoped3A : memref<!tpu.dma_semaphore, #tpu.memory_space<semaphore_mem>>) src(%dma_wait3A_121 : memref<16384xf32, #tpu.memory_space<hbm>>) dst(%arg6 : memref<16384xf32, #tpu.memory_space<vmem>>)
      tpu.yield
    }) : () -> ()
    %parallel_loop3A_84 = arith.constant 0 : i32
    %parallel_loop3A_85 = arith.constant 2048 : i32
    %parallel_loop3A_86 = arith.constant 1 : i32
    scf.for %parallel_loop3A_112 = %parallel_loop3A_84 to %parallel_loop3A_85 step %parallel_loop3A_86  : i32 {
      %parallel_loop3A_113 = arith.constant 64 : i32
      %parallel_loop3A_114 = arith.divsi %parallel_loop3A_112, %parallel_loop3A_113 : i32
      %parallel_loop3A_115 = arith.constant 0 : i32
      %parallel_loop3A_116 = arith.cmpi sgt, %parallel_loop3A_112, %parallel_loop3A_115 : i32
      %parallel_loop3A_117 = arith.extui %parallel_loop3A_116 : i1 to i32
      %parallel_loop3A_118 = arith.constant 0 : i32
      %parallel_loop3A_119 = arith.cmpi slt, %parallel_loop3A_112, %parallel_loop3A_118 : i32
      %parallel_loop3A_120 = arith.extui %parallel_loop3A_119 : i1 to i32
      %parallel_loop3A_121 = arith.subi %parallel_loop3A_117, %parallel_loop3A_120 : i32
      %parallel_loop3A_122 = arith.constant 0 : i32
      %parallel_loop3A_123 = arith.cmpi sgt, %parallel_loop3A_113, %parallel_loop3A_122 : i32
      %parallel_loop3A_124 = arith.extui %parallel_loop3A_123 : i1 to i32
      %parallel_loop3A_125 = arith.constant 0 : i32
      %parallel_loop3A_126 = arith.cmpi slt, %parallel_loop3A_113, %parallel_loop3A_125 : i32
      %parallel_loop3A_127 = arith.extui %parallel_loop3A_126 : i1 to i32
      %parallel_loop3A_128 = arith.subi %parallel_loop3A_124, %parallel_loop3A_127 : i32
      %parallel_loop3A_129 = arith.cmpi ne, %parallel_loop3A_121, %parallel_loop3A_128 : i32
      %parallel_loop3A_130 = arith.remsi %parallel_loop3A_112, %parallel_loop3A_113 : i32
      %parallel_loop3A_131 = arith.constant 0 : i32
      %parallel_loop3A_132 = arith.cmpi ne, %parallel_loop3A_130, %parallel_loop3A_131 : i32
      %parallel_loop3A_133 = arith.andi %parallel_loop3A_129, %parallel_loop3A_132 : i1
      %parallel_loop3A_134 = arith.constant 1 : i32
      %parallel_loop3A_135 = arith.subi %parallel_loop3A_114, %parallel_loop3A_134 : i32
      %parallel_loop3A_136 = arith.select %parallel_loop3A_133, %parallel_loop3A_135, %parallel_loop3A_114 : i32
      %parallel_loop3A_137 = arith.constant 64 : i32
      %parallel_loop3A_138 = arith.constant 0 : i32
      %parallel_loop3A_139 = arith.cmpi eq, %parallel_loop3A_137, %parallel_loop3A_138 : i32
      %parallel_loop3A_140 = arith.constant 1 : i32
      %parallel_loop3A_141 = arith.select %parallel_loop3A_139, %parallel_loop3A_140, %parallel_loop3A_137 : i32
      %parallel_loop3A_142 = arith.remsi %parallel_loop3A_112, %parallel_loop3A_141 : i32
      %parallel_loop3A_143 = arith.constant 0 : i32
      %parallel_loop3A_144 = arith.cmpi ne, %parallel_loop3A_142, %parallel_loop3A_143 : i32
      %parallel_loop3A_145 = arith.constant 0 : i32
      %parallel_loop3A_146 = arith.cmpi slt, %parallel_loop3A_142, %parallel_loop3A_145 : i32
      %parallel_loop3A_147 = arith.constant 0 : i32
      %parallel_loop3A_148 = arith.cmpi slt, %parallel_loop3A_141, %parallel_loop3A_147 : i32
      %parallel_loop3A_149 = arith.xori %parallel_loop3A_146, %parallel_loop3A_148 : i1
      %parallel_loop3A_150 = arith.andi %parallel_loop3A_149, %parallel_loop3A_144 : i1
      %parallel_loop3A_151 = arith.addi %parallel_loop3A_142, %parallel_loop3A_141 : i32
      %parallel_loop3A_152 = arith.select %parallel_loop3A_150, %parallel_loop3A_151, %parallel_loop3A_142 : i32
      %parallel_loop3A_153 = arith.constant 16 : i32
      %parallel_loop3A_154 = arith.muli %parallel_loop3A_152, %parallel_loop3A_153 : i32
      %parallel_loop3A_155 = arith.index_cast %parallel_loop3A_136 : i32 to index
      %parallel_loop3A_156 = arith.index_cast %parallel_loop3A_154 : i32 to index
      %parallel_loop3A_157 = tpu.vector_load %arg5[%parallel_loop3A_155, %parallel_loop3A_156] {strides = array<i32>} : memref<32x1024xi32, #tpu.memory_space<vmem>>, vector<16xi32>,
      %parallel_loop3A_158 = tpu.vector_load_idx %arg6[%parallel_loop3A_157] : memref<16384xf32, #tpu.memory_space<vmem>>[vector<16xi32>], vector<16xf32>,
      %parallel_loop3A_159 = arith.index_cast %parallel_loop3A_136 : i32 to index
      %parallel_loop3A_160 = arith.index_cast %parallel_loop3A_154 : i32 to index
      %parallel_loop3A_161 = tpu.vector_load %arg7[%parallel_loop3A_159, %parallel_loop3A_160] {strides = array<i32>} : memref<32x1024xf32, #tpu.memory_space<vmem>>, vector<16xf32>,
      tpu.vector_store %arg7[%parallel_loop3A_159, %parallel_loop3A_160], %parallel_loop3A_158 {strides = array<i32>} : memref<32x1024xf32, #tpu.memory_space<vmem>>, vector<16xf32>,
    } {sc.loop_unroll_factor = 8 : i64, sc.parallel_access}
    "tpu.region"() ({
      %run_scoped3A = tpu.sem_alloc : memref<!tpu.dma_semaphore, #tpu.memory_space<semaphore_mem>>
      %dma_start3A = arith.constant 0 : i32
      %dma_start3A_112 = arith.constant 0 : i32
      %dma_start3A_113 = tpu.memref_slice %arg4[%select_n3A, %add3A_83, %dma_start3A, %dma_start3A_112] : memref<8x64x32x1024xf32, #tpu.memory_space<hbm>> -> memref<1x1x32x1024xf32, #tpu.memory_space<hbm>>
      %dma_start3A_114 = tpu.memref_squeeze %dma_start3A_113 : memref<1x1x32x1024xf32, #tpu.memory_space<hbm>> -> memref<32x1024xf32, #tpu.memory_space<hbm>>
      %dma_start3A_115 = arith.constant 0 : i32
      %dma_start3A_116 = arith.constant 0 : i32
      %dma_start3A_117 = tpu.memref_slice %arg4[%select_n3A, %add3A_83, %dma_start3A_115, %dma_start3A_116] : memref<8x64x32x1024xf32, #tpu.memory_space<hbm>> -> memref<1x1x32x1024xf32, #tpu.memory_space<hbm>>
      %dma_start3A_118 = tpu.memref_squeeze %dma_start3A_117 : memref<1x1x32x1024xf32, #tpu.memory_space<hbm>> -> memref<32x1024xf32, #tpu.memory_space<hbm>>
      tpu.enqueue_dma source(%arg7 : memref<32x1024xf32, #tpu.memory_space<vmem>>) target(%dma_start3A_118 : memref<32x1024xf32, #tpu.memory_space<hbm>>) target_semaphore(%run_scoped3A : memref<!tpu.dma_semaphore, #tpu.memory_space<semaphore_mem>>)
      %dma_wait3A = arith.constant 0 : i32
      %dma_wait3A_119 = arith.constant 0 : i32
      %dma_wait3A_120 = tpu.memref_slice %arg4[%select_n3A, %add3A_83, %dma_wait3A, %dma_wait3A_119] : memref<8x64x32x1024xf32, #tpu.memory_space<hbm>> -> memref<1x1x32x1024xf32, #tpu.memory_space<hbm>>
      %dma_wait3A_121 = tpu.memref_squeeze %dma_wait3A_120 : memref<1x1x32x1024xf32, #tpu.memory_space<hbm>> -> memref<32x1024xf32, #tpu.memory_space<hbm>>
      %dma_wait3A_122 = arith.constant 0 : i32
      %dma_wait3A_123 = arith.constant 0 : i32
      %dma_wait3A_124 = tpu.memref_slice %arg4[%select_n3A, %add3A_83, %dma_wait3A_122, %dma_wait3A_123] : memref<8x64x32x1024xf32, #tpu.memory_space<hbm>> -> memref<1x1x32x1024xf32, #tpu.memory_space<hbm>>
      %dma_wait3A_125 = tpu.memref_squeeze %dma_wait3A_124 : memref<1x1x32x1024xf32, #tpu.memory_space<hbm>> -> memref<32x1024xf32, #tpu.memory_space<hbm>>
      tpu.wait_dma2 semaphore(%run_scoped3A : memref<!tpu.dma_semaphore, #tpu.memory_space<semaphore_mem>>) src(%arg7 : memref<32x1024xf32, #tpu.memory_space<vmem>>) dst(%dma_wait3A_125 : memref<32x1024xf32, #tpu.memory_space<hbm>>)
      tpu.yield
    }) : () -> ()
    %add3A_87 = arith.constant 11 : i32
    %add3A_88 = arith.addi %mul3A_32, %add3A_87 : i32
    "tpu.region"() ({
      %run_scoped3A = tpu.sem_alloc : memref<!tpu.dma_semaphore, #tpu.memory_space<semaphore_mem>>
      %dma_start3A = arith.constant 0 : i32
      %dma_start3A_112 = tpu.memref_slice %arg2[%select_n3A, %add3A_88, %dma_start3A] : memref<8x64x16384xf32, #tpu.memory_space<hbm>> -> memref<1x1x16384xf32, #tpu.memory_space<hbm>>
      %dma_start3A_113 = tpu.memref_squeeze %dma_start3A_112 : memref<1x1x16384xf32, #tpu.memory_space<hbm>> -> memref<16384xf32, #tpu.memory_space<hbm>>
      %dma_start3A_114 = arith.constant 0 : i32
      %dma_start3A_115 = tpu.memref_slice %arg2[%select_n3A, %add3A_88, %dma_start3A_114] : memref<8x64x16384xf32, #tpu.memory_space<hbm>> -> memref<1x1x16384xf32, #tpu.memory_space<hbm>>
      %dma_start3A_116 = tpu.memref_squeeze %dma_start3A_115 : memref<1x1x16384xf32, #tpu.memory_space<hbm>> -> memref<16384xf32, #tpu.memory_space<hbm>>
      tpu.enqueue_dma source(%dma_start3A_116 : memref<16384xf32, #tpu.memory_space<hbm>>) target(%arg6 : memref<16384xf32, #tpu.memory_space<vmem>>) target_semaphore(%run_scoped3A : memref<!tpu.dma_semaphore, #tpu.memory_space<semaphore_mem>>)
      %dma_wait3A = arith.constant 0 : i32
      %dma_wait3A_117 = tpu.memref_slice %arg2[%select_n3A, %add3A_88, %dma_wait3A] : memref<8x64x16384xf32, #tpu.memory_space<hbm>> -> memref<1x1x16384xf32, #tpu.memory_space<hbm>>
      %dma_wait3A_118 = tpu.memref_squeeze %dma_wait3A_117 : memref<1x1x16384xf32, #tpu.memory_space<hbm>> -> memref<16384xf32, #tpu.memory_space<hbm>>
      %dma_wait3A_119 = arith.constant 0 : i32
      %dma_wait3A_120 = tpu.memref_slice %arg2[%select_n3A, %add3A_88, %dma_wait3A_119] : memref<8x64x16384xf32, #tpu.memory_space<hbm>> -> memref<1x1x16384xf32, #tpu.memory_space<hbm>>
      %dma_wait3A_121 = tpu.memref_squeeze %dma_wait3A_120 : memref<1x1x16384xf32, #tpu.memory_space<hbm>> -> memref<16384xf32, #tpu.memory_space<hbm>>
      tpu.wait_dma2 semaphore(%run_scoped3A : memref<!tpu.dma_semaphore, #tpu.memory_space<semaphore_mem>>) src(%dma_wait3A_121 : memref<16384xf32, #tpu.memory_space<hbm>>) dst(%arg6 : memref<16384xf32, #tpu.memory_space<vmem>>)
      tpu.yield
    }) : () -> ()
    %parallel_loop3A_89 = arith.constant 0 : i32
    %parallel_loop3A_90 = arith.constant 2048 : i32
    %parallel_loop3A_91 = arith.constant 1 : i32
    scf.for %parallel_loop3A_112 = %parallel_loop3A_89 to %parallel_loop3A_90 step %parallel_loop3A_91  : i32 {
      %parallel_loop3A_113 = arith.constant 64 : i32
      %parallel_loop3A_114 = arith.divsi %parallel_loop3A_112, %parallel_loop3A_113 : i32
      %parallel_loop3A_115 = arith.constant 0 : i32
      %parallel_loop3A_116 = arith.cmpi sgt, %parallel_loop3A_112, %parallel_loop3A_115 : i32
      %parallel_loop3A_117 = arith.extui %parallel_loop3A_116 : i1 to i32
      %parallel_loop3A_118 = arith.constant 0 : i32
      %parallel_loop3A_119 = arith.cmpi slt, %parallel_loop3A_112, %parallel_loop3A_118 : i32
      %parallel_loop3A_120 = arith.extui %parallel_loop3A_119 : i1 to i32
      %parallel_loop3A_121 = arith.subi %parallel_loop3A_117, %parallel_loop3A_120 : i32
      %parallel_loop3A_122 = arith.constant 0 : i32
      %parallel_loop3A_123 = arith.cmpi sgt, %parallel_loop3A_113, %parallel_loop3A_122 : i32
      %parallel_loop3A_124 = arith.extui %parallel_loop3A_123 : i1 to i32
      %parallel_loop3A_125 = arith.constant 0 : i32
      %parallel_loop3A_126 = arith.cmpi slt, %parallel_loop3A_113, %parallel_loop3A_125 : i32
      %parallel_loop3A_127 = arith.extui %parallel_loop3A_126 : i1 to i32
      %parallel_loop3A_128 = arith.subi %parallel_loop3A_124, %parallel_loop3A_127 : i32
      %parallel_loop3A_129 = arith.cmpi ne, %parallel_loop3A_121, %parallel_loop3A_128 : i32
      %parallel_loop3A_130 = arith.remsi %parallel_loop3A_112, %parallel_loop3A_113 : i32
      %parallel_loop3A_131 = arith.constant 0 : i32
      %parallel_loop3A_132 = arith.cmpi ne, %parallel_loop3A_130, %parallel_loop3A_131 : i32
      %parallel_loop3A_133 = arith.andi %parallel_loop3A_129, %parallel_loop3A_132 : i1
      %parallel_loop3A_134 = arith.constant 1 : i32
      %parallel_loop3A_135 = arith.subi %parallel_loop3A_114, %parallel_loop3A_134 : i32
      %parallel_loop3A_136 = arith.select %parallel_loop3A_133, %parallel_loop3A_135, %parallel_loop3A_114 : i32
      %parallel_loop3A_137 = arith.constant 64 : i32
      %parallel_loop3A_138 = arith.constant 0 : i32
      %parallel_loop3A_139 = arith.cmpi eq, %parallel_loop3A_137, %parallel_loop3A_138 : i32
      %parallel_loop3A_140 = arith.constant 1 : i32
      %parallel_loop3A_141 = arith.select %parallel_loop3A_139, %parallel_loop3A_140, %parallel_loop3A_137 : i32
      %parallel_loop3A_142 = arith.remsi %parallel_loop3A_112, %parallel_loop3A_141 : i32
      %parallel_loop3A_143 = arith.constant 0 : i32
      %parallel_loop3A_144 = arith.cmpi ne, %parallel_loop3A_142, %parallel_loop3A_143 : i32
      %parallel_loop3A_145 = arith.constant 0 : i32
      %parallel_loop3A_146 = arith.cmpi slt, %parallel_loop3A_142, %parallel_loop3A_145 : i32
      %parallel_loop3A_147 = arith.constant 0 : i32
      %parallel_loop3A_148 = arith.cmpi slt, %parallel_loop3A_141, %parallel_loop3A_147 : i32
      %parallel_loop3A_149 = arith.xori %parallel_loop3A_146, %parallel_loop3A_148 : i1
      %parallel_loop3A_150 = arith.andi %parallel_loop3A_149, %parallel_loop3A_144 : i1
      %parallel_loop3A_151 = arith.addi %parallel_loop3A_142, %parallel_loop3A_141 : i32
      %parallel_loop3A_152 = arith.select %parallel_loop3A_150, %parallel_loop3A_151, %parallel_loop3A_142 : i32
      %parallel_loop3A_153 = arith.constant 16 : i32
      %parallel_loop3A_154 = arith.muli %parallel_loop3A_152, %parallel_loop3A_153 : i32
      %parallel_loop3A_155 = arith.index_cast %parallel_loop3A_136 : i32 to index
      %parallel_loop3A_156 = arith.index_cast %parallel_loop3A_154 : i32 to index
      %parallel_loop3A_157 = tpu.vector_load %arg5[%parallel_loop3A_155, %parallel_loop3A_156] {strides = array<i32>} : memref<32x1024xi32, #tpu.memory_space<vmem>>, vector<16xi32>,
      %parallel_loop3A_158 = tpu.vector_load_idx %arg6[%parallel_loop3A_157] : memref<16384xf32, #tpu.memory_space<vmem>>[vector<16xi32>], vector<16xf32>,
      %parallel_loop3A_159 = arith.index_cast %parallel_loop3A_136 : i32 to index
      %parallel_loop3A_160 = arith.index_cast %parallel_loop3A_154 : i32 to index
      %parallel_loop3A_161 = tpu.vector_load %arg7[%parallel_loop3A_159, %parallel_loop3A_160] {strides = array<i32>} : memref<32x1024xf32, #tpu.memory_space<vmem>>, vector<16xf32>,
      tpu.vector_store %arg7[%parallel_loop3A_159, %parallel_loop3A_160], %parallel_loop3A_158 {strides = array<i32>} : memref<32x1024xf32, #tpu.memory_space<vmem>>, vector<16xf32>,
    } {sc.loop_unroll_factor = 8 : i64, sc.parallel_access}
    "tpu.region"() ({
      %run_scoped3A = tpu.sem_alloc : memref<!tpu.dma_semaphore, #tpu.memory_space<semaphore_mem>>
      %dma_start3A = arith.constant 0 : i32
      %dma_start3A_112 = arith.constant 0 : i32
      %dma_start3A_113 = tpu.memref_slice %arg4[%select_n3A, %add3A_88, %dma_start3A, %dma_start3A_112] : memref<8x64x32x1024xf32, #tpu.memory_space<hbm>> -> memref<1x1x32x1024xf32, #tpu.memory_space<hbm>>
      %dma_start3A_114 = tpu.memref_squeeze %dma_start3A_113 : memref<1x1x32x1024xf32, #tpu.memory_space<hbm>> -> memref<32x1024xf32, #tpu.memory_space<hbm>>
      %dma_start3A_115 = arith.constant 0 : i32
      %dma_start3A_116 = arith.constant 0 : i32
      %dma_start3A_117 = tpu.memref_slice %arg4[%select_n3A, %add3A_88, %dma_start3A_115, %dma_start3A_116] : memref<8x64x32x1024xf32, #tpu.memory_space<hbm>> -> memref<1x1x32x1024xf32, #tpu.memory_space<hbm>>
      %dma_start3A_118 = tpu.memref_squeeze %dma_start3A_117 : memref<1x1x32x1024xf32, #tpu.memory_space<hbm>> -> memref<32x1024xf32, #tpu.memory_space<hbm>>
      tpu.enqueue_dma source(%arg7 : memref<32x1024xf32, #tpu.memory_space<vmem>>) target(%dma_start3A_118 : memref<32x1024xf32, #tpu.memory_space<hbm>>) target_semaphore(%run_scoped3A : memref<!tpu.dma_semaphore, #tpu.memory_space<semaphore_mem>>)
      %dma_wait3A = arith.constant 0 : i32
      %dma_wait3A_119 = arith.constant 0 : i32
      %dma_wait3A_120 = tpu.memref_slice %arg4[%select_n3A, %add3A_88, %dma_wait3A, %dma_wait3A_119] : memref<8x64x32x1024xf32, #tpu.memory_space<hbm>> -> memref<1x1x32x1024xf32, #tpu.memory_space<hbm>>
      %dma_wait3A_121 = tpu.memref_squeeze %dma_wait3A_120 : memref<1x1x32x1024xf32, #tpu.memory_space<hbm>> -> memref<32x1024xf32, #tpu.memory_space<hbm>>
      %dma_wait3A_122 = arith.constant 0 : i32
      %dma_wait3A_123 = arith.constant 0 : i32
      %dma_wait3A_124 = tpu.memref_slice %arg4[%select_n3A, %add3A_88, %dma_wait3A_122, %dma_wait3A_123] : memref<8x64x32x1024xf32, #tpu.memory_space<hbm>> -> memref<1x1x32x1024xf32, #tpu.memory_space<hbm>>
      %dma_wait3A_125 = tpu.memref_squeeze %dma_wait3A_124 : memref<1x1x32x1024xf32, #tpu.memory_space<hbm>> -> memref<32x1024xf32, #tpu.memory_space<hbm>>
      tpu.wait_dma2 semaphore(%run_scoped3A : memref<!tpu.dma_semaphore, #tpu.memory_space<semaphore_mem>>) src(%arg7 : memref<32x1024xf32, #tpu.memory_space<vmem>>) dst(%dma_wait3A_125 : memref<32x1024xf32, #tpu.memory_space<hbm>>)
      tpu.yield
    }) : () -> ()
    %add3A_92 = arith.constant 12 : i32
    %add3A_93 = arith.addi %mul3A_32, %add3A_92 : i32
    "tpu.region"() ({
      %run_scoped3A = tpu.sem_alloc : memref<!tpu.dma_semaphore, #tpu.memory_space<semaphore_mem>>
      %dma_start3A = arith.constant 0 : i32
      %dma_start3A_112 = tpu.memref_slice %arg2[%select_n3A, %add3A_93, %dma_start3A] : memref<8x64x16384xf32, #tpu.memory_space<hbm>> -> memref<1x1x16384xf32, #tpu.memory_space<hbm>>
      %dma_start3A_113 = tpu.memref_squeeze %dma_start3A_112 : memref<1x1x16384xf32, #tpu.memory_space<hbm>> -> memref<16384xf32, #tpu.memory_space<hbm>>
      %dma_start3A_114 = arith.constant 0 : i32
      %dma_start3A_115 = tpu.memref_slice %arg2[%select_n3A, %add3A_93, %dma_start3A_114] : memref<8x64x16384xf32, #tpu.memory_space<hbm>> -> memref<1x1x16384xf32, #tpu.memory_space<hbm>>
      %dma_start3A_116 = tpu.memref_squeeze %dma_start3A_115 : memref<1x1x16384xf32, #tpu.memory_space<hbm>> -> memref<16384xf32, #tpu.memory_space<hbm>>
      tpu.enqueue_dma source(%dma_start3A_116 : memref<16384xf32, #tpu.memory_space<hbm>>) target(%arg6 : memref<16384xf32, #tpu.memory_space<vmem>>) target_semaphore(%run_scoped3A : memref<!tpu.dma_semaphore, #tpu.memory_space<semaphore_mem>>)
      %dma_wait3A = arith.constant 0 : i32
      %dma_wait3A_117 = tpu.memref_slice %arg2[%select_n3A, %add3A_93, %dma_wait3A] : memref<8x64x16384xf32, #tpu.memory_space<hbm>> -> memref<1x1x16384xf32, #tpu.memory_space<hbm>>
      %dma_wait3A_118 = tpu.memref_squeeze %dma_wait3A_117 : memref<1x1x16384xf32, #tpu.memory_space<hbm>> -> memref<16384xf32, #tpu.memory_space<hbm>>
      %dma_wait3A_119 = arith.constant 0 : i32
      %dma_wait3A_120 = tpu.memref_slice %arg2[%select_n3A, %add3A_93, %dma_wait3A_119] : memref<8x64x16384xf32, #tpu.memory_space<hbm>> -> memref<1x1x16384xf32, #tpu.memory_space<hbm>>
      %dma_wait3A_121 = tpu.memref_squeeze %dma_wait3A_120 : memref<1x1x16384xf32, #tpu.memory_space<hbm>> -> memref<16384xf32, #tpu.memory_space<hbm>>
      tpu.wait_dma2 semaphore(%run_scoped3A : memref<!tpu.dma_semaphore, #tpu.memory_space<semaphore_mem>>) src(%dma_wait3A_121 : memref<16384xf32, #tpu.memory_space<hbm>>) dst(%arg6 : memref<16384xf32, #tpu.memory_space<vmem>>)
      tpu.yield
    }) : () -> ()
    %parallel_loop3A_94 = arith.constant 0 : i32
    %parallel_loop3A_95 = arith.constant 2048 : i32
    %parallel_loop3A_96 = arith.constant 1 : i32
    scf.for %parallel_loop3A_112 = %parallel_loop3A_94 to %parallel_loop3A_95 step %parallel_loop3A_96  : i32 {
      %parallel_loop3A_113 = arith.constant 64 : i32
      %parallel_loop3A_114 = arith.divsi %parallel_loop3A_112, %parallel_loop3A_113 : i32
      %parallel_loop3A_115 = arith.constant 0 : i32
      %parallel_loop3A_116 = arith.cmpi sgt, %parallel_loop3A_112, %parallel_loop3A_115 : i32
      %parallel_loop3A_117 = arith.extui %parallel_loop3A_116 : i1 to i32
      %parallel_loop3A_118 = arith.constant 0 : i32
      %parallel_loop3A_119 = arith.cmpi slt, %parallel_loop3A_112, %parallel_loop3A_118 : i32
      %parallel_loop3A_120 = arith.extui %parallel_loop3A_119 : i1 to i32
      %parallel_loop3A_121 = arith.subi %parallel_loop3A_117, %parallel_loop3A_120 : i32
      %parallel_loop3A_122 = arith.constant 0 : i32
      %parallel_loop3A_123 = arith.cmpi sgt, %parallel_loop3A_113, %parallel_loop3A_122 : i32
      %parallel_loop3A_124 = arith.extui %parallel_loop3A_123 : i1 to i32
      %parallel_loop3A_125 = arith.constant 0 : i32
      %parallel_loop3A_126 = arith.cmpi slt, %parallel_loop3A_113, %parallel_loop3A_125 : i32
      %parallel_loop3A_127 = arith.extui %parallel_loop3A_126 : i1 to i32
      %parallel_loop3A_128 = arith.subi %parallel_loop3A_124, %parallel_loop3A_127 : i32
      %parallel_loop3A_129 = arith.cmpi ne, %parallel_loop3A_121, %parallel_loop3A_128 : i32
      %parallel_loop3A_130 = arith.remsi %parallel_loop3A_112, %parallel_loop3A_113 : i32
      %parallel_loop3A_131 = arith.constant 0 : i32
      %parallel_loop3A_132 = arith.cmpi ne, %parallel_loop3A_130, %parallel_loop3A_131 : i32
      %parallel_loop3A_133 = arith.andi %parallel_loop3A_129, %parallel_loop3A_132 : i1
      %parallel_loop3A_134 = arith.constant 1 : i32
      %parallel_loop3A_135 = arith.subi %parallel_loop3A_114, %parallel_loop3A_134 : i32
      %parallel_loop3A_136 = arith.select %parallel_loop3A_133, %parallel_loop3A_135, %parallel_loop3A_114 : i32
      %parallel_loop3A_137 = arith.constant 64 : i32
      %parallel_loop3A_138 = arith.constant 0 : i32
      %parallel_loop3A_139 = arith.cmpi eq, %parallel_loop3A_137, %parallel_loop3A_138 : i32
      %parallel_loop3A_140 = arith.constant 1 : i32
      %parallel_loop3A_141 = arith.select %parallel_loop3A_139, %parallel_loop3A_140, %parallel_loop3A_137 : i32
      %parallel_loop3A_142 = arith.remsi %parallel_loop3A_112, %parallel_loop3A_141 : i32
      %parallel_loop3A_143 = arith.constant 0 : i32
      %parallel_loop3A_144 = arith.cmpi ne, %parallel_loop3A_142, %parallel_loop3A_143 : i32
      %parallel_loop3A_145 = arith.constant 0 : i32
      %parallel_loop3A_146 = arith.cmpi slt, %parallel_loop3A_142, %parallel_loop3A_145 : i32
      %parallel_loop3A_147 = arith.constant 0 : i32
      %parallel_loop3A_148 = arith.cmpi slt, %parallel_loop3A_141, %parallel_loop3A_147 : i32
      %parallel_loop3A_149 = arith.xori %parallel_loop3A_146, %parallel_loop3A_148 : i1
      %parallel_loop3A_150 = arith.andi %parallel_loop3A_149, %parallel_loop3A_144 : i1
      %parallel_loop3A_151 = arith.addi %parallel_loop3A_142, %parallel_loop3A_141 : i32
      %parallel_loop3A_152 = arith.select %parallel_loop3A_150, %parallel_loop3A_151, %parallel_loop3A_142 : i32
      %parallel_loop3A_153 = arith.constant 16 : i32
      %parallel_loop3A_154 = arith.muli %parallel_loop3A_152, %parallel_loop3A_153 : i32
      %parallel_loop3A_155 = arith.index_cast %parallel_loop3A_136 : i32 to index
      %parallel_loop3A_156 = arith.index_cast %parallel_loop3A_154 : i32 to index
      %parallel_loop3A_157 = tpu.vector_load %arg5[%parallel_loop3A_155, %parallel_loop3A_156] {strides = array<i32>} : memref<32x1024xi32, #tpu.memory_space<vmem>>, vector<16xi32>,
      %parallel_loop3A_158 = tpu.vector_load_idx %arg6[%parallel_loop3A_157] : memref<16384xf32, #tpu.memory_space<vmem>>[vector<16xi32>], vector<16xf32>,
      %parallel_loop3A_159 = arith.index_cast %parallel_loop3A_136 : i32 to index
      %parallel_loop3A_160 = arith.index_cast %parallel_loop3A_154 : i32 to index
      %parallel_loop3A_161 = tpu.vector_load %arg7[%parallel_loop3A_159, %parallel_loop3A_160] {strides = array<i32>} : memref<32x1024xf32, #tpu.memory_space<vmem>>, vector<16xf32>,
      tpu.vector_store %arg7[%parallel_loop3A_159, %parallel_loop3A_160], %parallel_loop3A_158 {strides = array<i32>} : memref<32x1024xf32, #tpu.memory_space<vmem>>, vector<16xf32>,
    } {sc.loop_unroll_factor = 8 : i64, sc.parallel_access}
    "tpu.region"() ({
      %run_scoped3A = tpu.sem_alloc : memref<!tpu.dma_semaphore, #tpu.memory_space<semaphore_mem>>
      %dma_start3A = arith.constant 0 : i32
      %dma_start3A_112 = arith.constant 0 : i32
      %dma_start3A_113 = tpu.memref_slice %arg4[%select_n3A, %add3A_93, %dma_start3A, %dma_start3A_112] : memref<8x64x32x1024xf32, #tpu.memory_space<hbm>> -> memref<1x1x32x1024xf32, #tpu.memory_space<hbm>>
      %dma_start3A_114 = tpu.memref_squeeze %dma_start3A_113 : memref<1x1x32x1024xf32, #tpu.memory_space<hbm>> -> memref<32x1024xf32, #tpu.memory_space<hbm>>
      %dma_start3A_115 = arith.constant 0 : i32
      %dma_start3A_116 = arith.constant 0 : i32
      %dma_start3A_117 = tpu.memref_slice %arg4[%select_n3A, %add3A_93, %dma_start3A_115, %dma_start3A_116] : memref<8x64x32x1024xf32, #tpu.memory_space<hbm>> -> memref<1x1x32x1024xf32, #tpu.memory_space<hbm>>
      %dma_start3A_118 = tpu.memref_squeeze %dma_start3A_117 : memref<1x1x32x1024xf32, #tpu.memory_space<hbm>> -> memref<32x1024xf32, #tpu.memory_space<hbm>>
      tpu.enqueue_dma source(%arg7 : memref<32x1024xf32, #tpu.memory_space<vmem>>) target(%dma_start3A_118 : memref<32x1024xf32, #tpu.memory_space<hbm>>) target_semaphore(%run_scoped3A : memref<!tpu.dma_semaphore, #tpu.memory_space<semaphore_mem>>)
      %dma_wait3A = arith.constant 0 : i32
      %dma_wait3A_119 = arith.constant 0 : i32
      %dma_wait3A_120 = tpu.memref_slice %arg4[%select_n3A, %add3A_93, %dma_wait3A, %dma_wait3A_119] : memref<8x64x32x1024xf32, #tpu.memory_space<hbm>> -> memref<1x1x32x1024xf32, #tpu.memory_space<hbm>>
      %dma_wait3A_121 = tpu.memref_squeeze %dma_wait3A_120 : memref<1x1x32x1024xf32, #tpu.memory_space<hbm>> -> memref<32x1024xf32, #tpu.memory_space<hbm>>
      %dma_wait3A_122 = arith.constant 0 : i32
      %dma_wait3A_123 = arith.constant 0 : i32
      %dma_wait3A_124 = tpu.memref_slice %arg4[%select_n3A, %add3A_93, %dma_wait3A_122, %dma_wait3A_123] : memref<8x64x32x1024xf32, #tpu.memory_space<hbm>> -> memref<1x1x32x1024xf32, #tpu.memory_space<hbm>>
      %dma_wait3A_125 = tpu.memref_squeeze %dma_wait3A_124 : memref<1x1x32x1024xf32, #tpu.memory_space<hbm>> -> memref<32x1024xf32, #tpu.memory_space<hbm>>
      tpu.wait_dma2 semaphore(%run_scoped3A : memref<!tpu.dma_semaphore, #tpu.memory_space<semaphore_mem>>) src(%arg7 : memref<32x1024xf32, #tpu.memory_space<vmem>>) dst(%dma_wait3A_125 : memref<32x1024xf32, #tpu.memory_space<hbm>>)
      tpu.yield
    }) : () -> ()
    %add3A_97 = arith.constant 13 : i32
    %add3A_98 = arith.addi %mul3A_32, %add3A_97 : i32
    "tpu.region"() ({
      %run_scoped3A = tpu.sem_alloc : memref<!tpu.dma_semaphore, #tpu.memory_space<semaphore_mem>>
      %dma_start3A = arith.constant 0 : i32
      %dma_start3A_112 = tpu.memref_slice %arg2[%select_n3A, %add3A_98, %dma_start3A] : memref<8x64x16384xf32, #tpu.memory_space<hbm>> -> memref<1x1x16384xf32, #tpu.memory_space<hbm>>
      %dma_start3A_113 = tpu.memref_squeeze %dma_start3A_112 : memref<1x1x16384xf32, #tpu.memory_space<hbm>> -> memref<16384xf32, #tpu.memory_space<hbm>>
      %dma_start3A_114 = arith.constant 0 : i32
      %dma_start3A_115 = tpu.memref_slice %arg2[%select_n3A, %add3A_98, %dma_start3A_114] : memref<8x64x16384xf32, #tpu.memory_space<hbm>> -> memref<1x1x16384xf32, #tpu.memory_space<hbm>>
      %dma_start3A_116 = tpu.memref_squeeze %dma_start3A_115 : memref<1x1x16384xf32, #tpu.memory_space<hbm>> -> memref<16384xf32, #tpu.memory_space<hbm>>
      tpu.enqueue_dma source(%dma_start3A_116 : memref<16384xf32, #tpu.memory_space<hbm>>) target(%arg6 : memref<16384xf32, #tpu.memory_space<vmem>>) target_semaphore(%run_scoped3A : memref<!tpu.dma_semaphore, #tpu.memory_space<semaphore_mem>>)
      %dma_wait3A = arith.constant 0 : i32
      %dma_wait3A_117 = tpu.memref_slice %arg2[%select_n3A, %add3A_98, %dma_wait3A] : memref<8x64x16384xf32, #tpu.memory_space<hbm>> -> memref<1x1x16384xf32, #tpu.memory_space<hbm>>
      %dma_wait3A_118 = tpu.memref_squeeze %dma_wait3A_117 : memref<1x1x16384xf32, #tpu.memory_space<hbm>> -> memref<16384xf32, #tpu.memory_space<hbm>>
      %dma_wait3A_119 = arith.constant 0 : i32
      %dma_wait3A_120 = tpu.memref_slice %arg2[%select_n3A, %add3A_98, %dma_wait3A_119] : memref<8x64x16384xf32, #tpu.memory_space<hbm>> -> memref<1x1x16384xf32, #tpu.memory_space<hbm>>
      %dma_wait3A_121 = tpu.memref_squeeze %dma_wait3A_120 : memref<1x1x16384xf32, #tpu.memory_space<hbm>> -> memref<16384xf32, #tpu.memory_space<hbm>>
      tpu.wait_dma2 semaphore(%run_scoped3A : memref<!tpu.dma_semaphore, #tpu.memory_space<semaphore_mem>>) src(%dma_wait3A_121 : memref<16384xf32, #tpu.memory_space<hbm>>) dst(%arg6 : memref<16384xf32, #tpu.memory_space<vmem>>)
      tpu.yield
    }) : () -> ()
    %parallel_loop3A_99 = arith.constant 0 : i32
    %parallel_loop3A_100 = arith.constant 2048 : i32
    %parallel_loop3A_101 = arith.constant 1 : i32
    scf.for %parallel_loop3A_112 = %parallel_loop3A_99 to %parallel_loop3A_100 step %parallel_loop3A_101  : i32 {
      %parallel_loop3A_113 = arith.constant 64 : i32
      %parallel_loop3A_114 = arith.divsi %parallel_loop3A_112, %parallel_loop3A_113 : i32
      %parallel_loop3A_115 = arith.constant 0 : i32
      %parallel_loop3A_116 = arith.cmpi sgt, %parallel_loop3A_112, %parallel_loop3A_115 : i32
      %parallel_loop3A_117 = arith.extui %parallel_loop3A_116 : i1 to i32
      %parallel_loop3A_118 = arith.constant 0 : i32
      %parallel_loop3A_119 = arith.cmpi slt, %parallel_loop3A_112, %parallel_loop3A_118 : i32
      %parallel_loop3A_120 = arith.extui %parallel_loop3A_119 : i1 to i32
      %parallel_loop3A_121 = arith.subi %parallel_loop3A_117, %parallel_loop3A_120 : i32
      %parallel_loop3A_122 = arith.constant 0 : i32
      %parallel_loop3A_123 = arith.cmpi sgt, %parallel_loop3A_113, %parallel_loop3A_122 : i32
      %parallel_loop3A_124 = arith.extui %parallel_loop3A_123 : i1 to i32
      %parallel_loop3A_125 = arith.constant 0 : i32
      %parallel_loop3A_126 = arith.cmpi slt, %parallel_loop3A_113, %parallel_loop3A_125 : i32
      %parallel_loop3A_127 = arith.extui %parallel_loop3A_126 : i1 to i32
      %parallel_loop3A_128 = arith.subi %parallel_loop3A_124, %parallel_loop3A_127 : i32
      %parallel_loop3A_129 = arith.cmpi ne, %parallel_loop3A_121, %parallel_loop3A_128 : i32
      %parallel_loop3A_130 = arith.remsi %parallel_loop3A_112, %parallel_loop3A_113 : i32
      %parallel_loop3A_131 = arith.constant 0 : i32
      %parallel_loop3A_132 = arith.cmpi ne, %parallel_loop3A_130, %parallel_loop3A_131 : i32
      %parallel_loop3A_133 = arith.andi %parallel_loop3A_129, %parallel_loop3A_132 : i1
      %parallel_loop3A_134 = arith.constant 1 : i32
      %parallel_loop3A_135 = arith.subi %parallel_loop3A_114, %parallel_loop3A_134 : i32
      %parallel_loop3A_136 = arith.select %parallel_loop3A_133, %parallel_loop3A_135, %parallel_loop3A_114 : i32
      %parallel_loop3A_137 = arith.constant 64 : i32
      %parallel_loop3A_138 = arith.constant 0 : i32
      %parallel_loop3A_139 = arith.cmpi eq, %parallel_loop3A_137, %parallel_loop3A_138 : i32
      %parallel_loop3A_140 = arith.constant 1 : i32
      %parallel_loop3A_141 = arith.select %parallel_loop3A_139, %parallel_loop3A_140, %parallel_loop3A_137 : i32
      %parallel_loop3A_142 = arith.remsi %parallel_loop3A_112, %parallel_loop3A_141 : i32
      %parallel_loop3A_143 = arith.constant 0 : i32
      %parallel_loop3A_144 = arith.cmpi ne, %parallel_loop3A_142, %parallel_loop3A_143 : i32
      %parallel_loop3A_145 = arith.constant 0 : i32
      %parallel_loop3A_146 = arith.cmpi slt, %parallel_loop3A_142, %parallel_loop3A_145 : i32
      %parallel_loop3A_147 = arith.constant 0 : i32
      %parallel_loop3A_148 = arith.cmpi slt, %parallel_loop3A_141, %parallel_loop3A_147 : i32
      %parallel_loop3A_149 = arith.xori %parallel_loop3A_146, %parallel_loop3A_148 : i1
      %parallel_loop3A_150 = arith.andi %parallel_loop3A_149, %parallel_loop3A_144 : i1
      %parallel_loop3A_151 = arith.addi %parallel_loop3A_142, %parallel_loop3A_141 : i32
      %parallel_loop3A_152 = arith.select %parallel_loop3A_150, %parallel_loop3A_151, %parallel_loop3A_142 : i32
      %parallel_loop3A_153 = arith.constant 16 : i32
      %parallel_loop3A_154 = arith.muli %parallel_loop3A_152, %parallel_loop3A_153 : i32
      %parallel_loop3A_155 = arith.index_cast %parallel_loop3A_136 : i32 to index
      %parallel_loop3A_156 = arith.index_cast %parallel_loop3A_154 : i32 to index
      %parallel_loop3A_157 = tpu.vector_load %arg5[%parallel_loop3A_155, %parallel_loop3A_156] {strides = array<i32>} : memref<32x1024xi32, #tpu.memory_space<vmem>>, vector<16xi32>,
      %parallel_loop3A_158 = tpu.vector_load_idx %arg6[%parallel_loop3A_157] : memref<16384xf32, #tpu.memory_space<vmem>>[vector<16xi32>], vector<16xf32>,
      %parallel_loop3A_159 = arith.index_cast %parallel_loop3A_136 : i32 to index
      %parallel_loop3A_160 = arith.index_cast %parallel_loop3A_154 : i32 to index
      %parallel_loop3A_161 = tpu.vector_load %arg7[%parallel_loop3A_159, %parallel_loop3A_160] {strides = array<i32>} : memref<32x1024xf32, #tpu.memory_space<vmem>>, vector<16xf32>,
      tpu.vector_store %arg7[%parallel_loop3A_159, %parallel_loop3A_160], %parallel_loop3A_158 {strides = array<i32>} : memref<32x1024xf32, #tpu.memory_space<vmem>>, vector<16xf32>,
    } {sc.loop_unroll_factor = 8 : i64, sc.parallel_access}
    "tpu.region"() ({
      %run_scoped3A = tpu.sem_alloc : memref<!tpu.dma_semaphore, #tpu.memory_space<semaphore_mem>>
      %dma_start3A = arith.constant 0 : i32
      %dma_start3A_112 = arith.constant 0 : i32
      %dma_start3A_113 = tpu.memref_slice %arg4[%select_n3A, %add3A_98, %dma_start3A, %dma_start3A_112] : memref<8x64x32x1024xf32, #tpu.memory_space<hbm>> -> memref<1x1x32x1024xf32, #tpu.memory_space<hbm>>
      %dma_start3A_114 = tpu.memref_squeeze %dma_start3A_113 : memref<1x1x32x1024xf32, #tpu.memory_space<hbm>> -> memref<32x1024xf32, #tpu.memory_space<hbm>>
      %dma_start3A_115 = arith.constant 0 : i32
      %dma_start3A_116 = arith.constant 0 : i32
      %dma_start3A_117 = tpu.memref_slice %arg4[%select_n3A, %add3A_98, %dma_start3A_115, %dma_start3A_116] : memref<8x64x32x1024xf32, #tpu.memory_space<hbm>> -> memref<1x1x32x1024xf32, #tpu.memory_space<hbm>>
      %dma_start3A_118 = tpu.memref_squeeze %dma_start3A_117 : memref<1x1x32x1024xf32, #tpu.memory_space<hbm>> -> memref<32x1024xf32, #tpu.memory_space<hbm>>
      tpu.enqueue_dma source(%arg7 : memref<32x1024xf32, #tpu.memory_space<vmem>>) target(%dma_start3A_118 : memref<32x1024xf32, #tpu.memory_space<hbm>>) target_semaphore(%run_scoped3A : memref<!tpu.dma_semaphore, #tpu.memory_space<semaphore_mem>>)
      %dma_wait3A = arith.constant 0 : i32
      %dma_wait3A_119 = arith.constant 0 : i32
      %dma_wait3A_120 = tpu.memref_slice %arg4[%select_n3A, %add3A_98, %dma_wait3A, %dma_wait3A_119] : memref<8x64x32x1024xf32, #tpu.memory_space<hbm>> -> memref<1x1x32x1024xf32, #tpu.memory_space<hbm>>
      %dma_wait3A_121 = tpu.memref_squeeze %dma_wait3A_120 : memref<1x1x32x1024xf32, #tpu.memory_space<hbm>> -> memref<32x1024xf32, #tpu.memory_space<hbm>>
      %dma_wait3A_122 = arith.constant 0 : i32
      %dma_wait3A_123 = arith.constant 0 : i32
      %dma_wait3A_124 = tpu.memref_slice %arg4[%select_n3A, %add3A_98, %dma_wait3A_122, %dma_wait3A_123] : memref<8x64x32x1024xf32, #tpu.memory_space<hbm>> -> memref<1x1x32x1024xf32, #tpu.memory_space<hbm>>
      %dma_wait3A_125 = tpu.memref_squeeze %dma_wait3A_124 : memref<1x1x32x1024xf32, #tpu.memory_space<hbm>> -> memref<32x1024xf32, #tpu.memory_space<hbm>>
      tpu.wait_dma2 semaphore(%run_scoped3A : memref<!tpu.dma_semaphore, #tpu.memory_space<semaphore_mem>>) src(%arg7 : memref<32x1024xf32, #tpu.memory_space<vmem>>) dst(%dma_wait3A_125 : memref<32x1024xf32, #tpu.memory_space<hbm>>)
      tpu.yield
    }) : () -> ()
    %add3A_102 = arith.constant 14 : i32
    %add3A_103 = arith.addi %mul3A_32, %add3A_102 : i32
    "tpu.region"() ({
      %run_scoped3A = tpu.sem_alloc : memref<!tpu.dma_semaphore, #tpu.memory_space<semaphore_mem>>
      %dma_start3A = arith.constant 0 : i32
      %dma_start3A_112 = tpu.memref_slice %arg2[%select_n3A, %add3A_103, %dma_start3A] : memref<8x64x16384xf32, #tpu.memory_space<hbm>> -> memref<1x1x16384xf32, #tpu.memory_space<hbm>>
      %dma_start3A_113 = tpu.memref_squeeze %dma_start3A_112 : memref<1x1x16384xf32, #tpu.memory_space<hbm>> -> memref<16384xf32, #tpu.memory_space<hbm>>
      %dma_start3A_114 = arith.constant 0 : i32
      %dma_start3A_115 = tpu.memref_slice %arg2[%select_n3A, %add3A_103, %dma_start3A_114] : memref<8x64x16384xf32, #tpu.memory_space<hbm>> -> memref<1x1x16384xf32, #tpu.memory_space<hbm>>
      %dma_start3A_116 = tpu.memref_squeeze %dma_start3A_115 : memref<1x1x16384xf32, #tpu.memory_space<hbm>> -> memref<16384xf32, #tpu.memory_space<hbm>>
      tpu.enqueue_dma source(%dma_start3A_116 : memref<16384xf32, #tpu.memory_space<hbm>>) target(%arg6 : memref<16384xf32, #tpu.memory_space<vmem>>) target_semaphore(%run_scoped3A : memref<!tpu.dma_semaphore, #tpu.memory_space<semaphore_mem>>)
      %dma_wait3A = arith.constant 0 : i32
      %dma_wait3A_117 = tpu.memref_slice %arg2[%select_n3A, %add3A_103, %dma_wait3A] : memref<8x64x16384xf32, #tpu.memory_space<hbm>> -> memref<1x1x16384xf32, #tpu.memory_space<hbm>>
      %dma_wait3A_118 = tpu.memref_squeeze %dma_wait3A_117 : memref<1x1x16384xf32, #tpu.memory_space<hbm>> -> memref<16384xf32, #tpu.memory_space<hbm>>
      %dma_wait3A_119 = arith.constant 0 : i32
      %dma_wait3A_120 = tpu.memref_slice %arg2[%select_n3A, %add3A_103, %dma_wait3A_119] : memref<8x64x16384xf32, #tpu.memory_space<hbm>> -> memref<1x1x16384xf32, #tpu.memory_space<hbm>>
      %dma_wait3A_121 = tpu.memref_squeeze %dma_wait3A_120 : memref<1x1x16384xf32, #tpu.memory_space<hbm>> -> memref<16384xf32, #tpu.memory_space<hbm>>
      tpu.wait_dma2 semaphore(%run_scoped3A : memref<!tpu.dma_semaphore, #tpu.memory_space<semaphore_mem>>) src(%dma_wait3A_121 : memref<16384xf32, #tpu.memory_space<hbm>>) dst(%arg6 : memref<16384xf32, #tpu.memory_space<vmem>>)
      tpu.yield
    }) : () -> ()
    %parallel_loop3A_104 = arith.constant 0 : i32
    %parallel_loop3A_105 = arith.constant 2048 : i32
    %parallel_loop3A_106 = arith.constant 1 : i32
    scf.for %parallel_loop3A_112 = %parallel_loop3A_104 to %parallel_loop3A_105 step %parallel_loop3A_106  : i32 {
      %parallel_loop3A_113 = arith.constant 64 : i32
      %parallel_loop3A_114 = arith.divsi %parallel_loop3A_112, %parallel_loop3A_113 : i32
      %parallel_loop3A_115 = arith.constant 0 : i32
      %parallel_loop3A_116 = arith.cmpi sgt, %parallel_loop3A_112, %parallel_loop3A_115 : i32
      %parallel_loop3A_117 = arith.extui %parallel_loop3A_116 : i1 to i32
      %parallel_loop3A_118 = arith.constant 0 : i32
      %parallel_loop3A_119 = arith.cmpi slt, %parallel_loop3A_112, %parallel_loop3A_118 : i32
      %parallel_loop3A_120 = arith.extui %parallel_loop3A_119 : i1 to i32
      %parallel_loop3A_121 = arith.subi %parallel_loop3A_117, %parallel_loop3A_120 : i32
      %parallel_loop3A_122 = arith.constant 0 : i32
      %parallel_loop3A_123 = arith.cmpi sgt, %parallel_loop3A_113, %parallel_loop3A_122 : i32
      %parallel_loop3A_124 = arith.extui %parallel_loop3A_123 : i1 to i32
      %parallel_loop3A_125 = arith.constant 0 : i32
      %parallel_loop3A_126 = arith.cmpi slt, %parallel_loop3A_113, %parallel_loop3A_125 : i32
      %parallel_loop3A_127 = arith.extui %parallel_loop3A_126 : i1 to i32
      %parallel_loop3A_128 = arith.subi %parallel_loop3A_124, %parallel_loop3A_127 : i32
      %parallel_loop3A_129 = arith.cmpi ne, %parallel_loop3A_121, %parallel_loop3A_128 : i32
      %parallel_loop3A_130 = arith.remsi %parallel_loop3A_112, %parallel_loop3A_113 : i32
      %parallel_loop3A_131 = arith.constant 0 : i32
      %parallel_loop3A_132 = arith.cmpi ne, %parallel_loop3A_130, %parallel_loop3A_131 : i32
      %parallel_loop3A_133 = arith.andi %parallel_loop3A_129, %parallel_loop3A_132 : i1
      %parallel_loop3A_134 = arith.constant 1 : i32
      %parallel_loop3A_135 = arith.subi %parallel_loop3A_114, %parallel_loop3A_134 : i32
      %parallel_loop3A_136 = arith.select %parallel_loop3A_133, %parallel_loop3A_135, %parallel_loop3A_114 : i32
      %parallel_loop3A_137 = arith.constant 64 : i32
      %parallel_loop3A_138 = arith.constant 0 : i32
      %parallel_loop3A_139 = arith.cmpi eq, %parallel_loop3A_137, %parallel_loop3A_138 : i32
      %parallel_loop3A_140 = arith.constant 1 : i32
      %parallel_loop3A_141 = arith.select %parallel_loop3A_139, %parallel_loop3A_140, %parallel_loop3A_137 : i32
      %parallel_loop3A_142 = arith.remsi %parallel_loop3A_112, %parallel_loop3A_141 : i32
      %parallel_loop3A_143 = arith.constant 0 : i32
      %parallel_loop3A_144 = arith.cmpi ne, %parallel_loop3A_142, %parallel_loop3A_143 : i32
      %parallel_loop3A_145 = arith.constant 0 : i32
      %parallel_loop3A_146 = arith.cmpi slt, %parallel_loop3A_142, %parallel_loop3A_145 : i32
      %parallel_loop3A_147 = arith.constant 0 : i32
      %parallel_loop3A_148 = arith.cmpi slt, %parallel_loop3A_141, %parallel_loop3A_147 : i32
      %parallel_loop3A_149 = arith.xori %parallel_loop3A_146, %parallel_loop3A_148 : i1
      %parallel_loop3A_150 = arith.andi %parallel_loop3A_149, %parallel_loop3A_144 : i1
      %parallel_loop3A_151 = arith.addi %parallel_loop3A_142, %parallel_loop3A_141 : i32
      %parallel_loop3A_152 = arith.select %parallel_loop3A_150, %parallel_loop3A_151, %parallel_loop3A_142 : i32
      %parallel_loop3A_153 = arith.constant 16 : i32
      %parallel_loop3A_154 = arith.muli %parallel_loop3A_152, %parallel_loop3A_153 : i32
      %parallel_loop3A_155 = arith.index_cast %parallel_loop3A_136 : i32 to index
      %parallel_loop3A_156 = arith.index_cast %parallel_loop3A_154 : i32 to index
      %parallel_loop3A_157 = tpu.vector_load %arg5[%parallel_loop3A_155, %parallel_loop3A_156] {strides = array<i32>} : memref<32x1024xi32, #tpu.memory_space<vmem>>, vector<16xi32>,
      %parallel_loop3A_158 = tpu.vector_load_idx %arg6[%parallel_loop3A_157] : memref<16384xf32, #tpu.memory_space<vmem>>[vector<16xi32>], vector<16xf32>,
      %parallel_loop3A_159 = arith.index_cast %parallel_loop3A_136 : i32 to index
      %parallel_loop3A_160 = arith.index_cast %parallel_loop3A_154 : i32 to index
      %parallel_loop3A_161 = tpu.vector_load %arg7[%parallel_loop3A_159, %parallel_loop3A_160] {strides = array<i32>} : memref<32x1024xf32, #tpu.memory_space<vmem>>, vector<16xf32>,
      tpu.vector_store %arg7[%parallel_loop3A_159, %parallel_loop3A_160], %parallel_loop3A_158 {strides = array<i32>} : memref<32x1024xf32, #tpu.memory_space<vmem>>, vector<16xf32>,
    } {sc.loop_unroll_factor = 8 : i64, sc.parallel_access}
    "tpu.region"() ({
      %run_scoped3A = tpu.sem_alloc : memref<!tpu.dma_semaphore, #tpu.memory_space<semaphore_mem>>
      %dma_start3A = arith.constant 0 : i32
      %dma_start3A_112 = arith.constant 0 : i32
      %dma_start3A_113 = tpu.memref_slice %arg4[%select_n3A, %add3A_103, %dma_start3A, %dma_start3A_112] : memref<8x64x32x1024xf32, #tpu.memory_space<hbm>> -> memref<1x1x32x1024xf32, #tpu.memory_space<hbm>>
      %dma_start3A_114 = tpu.memref_squeeze %dma_start3A_113 : memref<1x1x32x1024xf32, #tpu.memory_space<hbm>> -> memref<32x1024xf32, #tpu.memory_space<hbm>>
      %dma_start3A_115 = arith.constant 0 : i32
      %dma_start3A_116 = arith.constant 0 : i32
      %dma_start3A_117 = tpu.memref_slice %arg4[%select_n3A, %add3A_103, %dma_start3A_115, %dma_start3A_116] : memref<8x64x32x1024xf32, #tpu.memory_space<hbm>> -> memref<1x1x32x1024xf32, #tpu.memory_space<hbm>>
      %dma_start3A_118 = tpu.memref_squeeze %dma_start3A_117 : memref<1x1x32x1024xf32, #tpu.memory_space<hbm>> -> memref<32x1024xf32, #tpu.memory_space<hbm>>
      tpu.enqueue_dma source(%arg7 : memref<32x1024xf32, #tpu.memory_space<vmem>>) target(%dma_start3A_118 : memref<32x1024xf32, #tpu.memory_space<hbm>>) target_semaphore(%run_scoped3A : memref<!tpu.dma_semaphore, #tpu.memory_space<semaphore_mem>>)
      %dma_wait3A = arith.constant 0 : i32
      %dma_wait3A_119 = arith.constant 0 : i32
      %dma_wait3A_120 = tpu.memref_slice %arg4[%select_n3A, %add3A_103, %dma_wait3A, %dma_wait3A_119] : memref<8x64x32x1024xf32, #tpu.memory_space<hbm>> -> memref<1x1x32x1024xf32, #tpu.memory_space<hbm>>
      %dma_wait3A_121 = tpu.memref_squeeze %dma_wait3A_120 : memref<1x1x32x1024xf32, #tpu.memory_space<hbm>> -> memref<32x1024xf32, #tpu.memory_space<hbm>>
      %dma_wait3A_122 = arith.constant 0 : i32
      %dma_wait3A_123 = arith.constant 0 : i32
      %dma_wait3A_124 = tpu.memref_slice %arg4[%select_n3A, %add3A_103, %dma_wait3A_122, %dma_wait3A_123] : memref<8x64x32x1024xf32, #tpu.memory_space<hbm>> -> memref<1x1x32x1024xf32, #tpu.memory_space<hbm>>
      %dma_wait3A_125 = tpu.memref_squeeze %dma_wait3A_124 : memref<1x1x32x1024xf32, #tpu.memory_space<hbm>> -> memref<32x1024xf32, #tpu.memory_space<hbm>>
      tpu.wait_dma2 semaphore(%run_scoped3A : memref<!tpu.dma_semaphore, #tpu.memory_space<semaphore_mem>>) src(%arg7 : memref<32x1024xf32, #tpu.memory_space<vmem>>) dst(%dma_wait3A_125 : memref<32x1024xf32, #tpu.memory_space<hbm>>)
      tpu.yield
    }) : () -> ()
    %add3A_107 = arith.constant 15 : i32
    %add3A_108 = arith.addi %mul3A_32, %add3A_107 : i32
    "tpu.region"() ({
      %run_scoped3A = tpu.sem_alloc : memref<!tpu.dma_semaphore, #tpu.memory_space<semaphore_mem>>
      %dma_start3A = arith.constant 0 : i32
      %dma_start3A_112 = tpu.memref_slice %arg2[%select_n3A, %add3A_108, %dma_start3A] : memref<8x64x16384xf32, #tpu.memory_space<hbm>> -> memref<1x1x16384xf32, #tpu.memory_space<hbm>>
      %dma_start3A_113 = tpu.memref_squeeze %dma_start3A_112 : memref<1x1x16384xf32, #tpu.memory_space<hbm>> -> memref<16384xf32, #tpu.memory_space<hbm>>
      %dma_start3A_114 = arith.constant 0 : i32
      %dma_start3A_115 = tpu.memref_slice %arg2[%select_n3A, %add3A_108, %dma_start3A_114] : memref<8x64x16384xf32, #tpu.memory_space<hbm>> -> memref<1x1x16384xf32, #tpu.memory_space<hbm>>
      %dma_start3A_116 = tpu.memref_squeeze %dma_start3A_115 : memref<1x1x16384xf32, #tpu.memory_space<hbm>> -> memref<16384xf32, #tpu.memory_space<hbm>>
      tpu.enqueue_dma source(%dma_start3A_116 : memref<16384xf32, #tpu.memory_space<hbm>>) target(%arg6 : memref<16384xf32, #tpu.memory_space<vmem>>) target_semaphore(%run_scoped3A : memref<!tpu.dma_semaphore, #tpu.memory_space<semaphore_mem>>)
      %dma_wait3A = arith.constant 0 : i32
      %dma_wait3A_117 = tpu.memref_slice %arg2[%select_n3A, %add3A_108, %dma_wait3A] : memref<8x64x16384xf32, #tpu.memory_space<hbm>> -> memref<1x1x16384xf32, #tpu.memory_space<hbm>>
      %dma_wait3A_118 = tpu.memref_squeeze %dma_wait3A_117 : memref<1x1x16384xf32, #tpu.memory_space<hbm>> -> memref<16384xf32, #tpu.memory_space<hbm>>
      %dma_wait3A_119 = arith.constant 0 : i32
      %dma_wait3A_120 = tpu.memref_slice %arg2[%select_n3A, %add3A_108, %dma_wait3A_119] : memref<8x64x16384xf32, #tpu.memory_space<hbm>> -> memref<1x1x16384xf32, #tpu.memory_space<hbm>>
      %dma_wait3A_121 = tpu.memref_squeeze %dma_wait3A_120 : memref<1x1x16384xf32, #tpu.memory_space<hbm>> -> memref<16384xf32, #tpu.memory_space<hbm>>
      tpu.wait_dma2 semaphore(%run_scoped3A : memref<!tpu.dma_semaphore, #tpu.memory_space<semaphore_mem>>) src(%dma_wait3A_121 : memref<16384xf32, #tpu.memory_space<hbm>>) dst(%arg6 : memref<16384xf32, #tpu.memory_space<vmem>>)
      tpu.yield
    }) : () -> ()
    %parallel_loop3A_109 = arith.constant 0 : i32
    %parallel_loop3A_110 = arith.constant 2048 : i32
    %parallel_loop3A_111 = arith.constant 1 : i32
    scf.for %parallel_loop3A_112 = %parallel_loop3A_109 to %parallel_loop3A_110 step %parallel_loop3A_111  : i32 {
      %parallel_loop3A_113 = arith.constant 64 : i32
      %parallel_loop3A_114 = arith.divsi %parallel_loop3A_112, %parallel_loop3A_113 : i32
      %parallel_loop3A_115 = arith.constant 0 : i32
      %parallel_loop3A_116 = arith.cmpi sgt, %parallel_loop3A_112, %parallel_loop3A_115 : i32
      %parallel_loop3A_117 = arith.extui %parallel_loop3A_116 : i1 to i32
      %parallel_loop3A_118 = arith.constant 0 : i32
      %parallel_loop3A_119 = arith.cmpi slt, %parallel_loop3A_112, %parallel_loop3A_118 : i32
      %parallel_loop3A_120 = arith.extui %parallel_loop3A_119 : i1 to i32
      %parallel_loop3A_121 = arith.subi %parallel_loop3A_117, %parallel_loop3A_120 : i32
      %parallel_loop3A_122 = arith.constant 0 : i32
      %parallel_loop3A_123 = arith.cmpi sgt, %parallel_loop3A_113, %parallel_loop3A_122 : i32
      %parallel_loop3A_124 = arith.extui %parallel_loop3A_123 : i1 to i32
      %parallel_loop3A_125 = arith.constant 0 : i32
      %parallel_loop3A_126 = arith.cmpi slt, %parallel_loop3A_113, %parallel_loop3A_125 : i32
      %parallel_loop3A_127 = arith.extui %parallel_loop3A_126 : i1 to i32
      %parallel_loop3A_128 = arith.subi %parallel_loop3A_124, %parallel_loop3A_127 : i32
      %parallel_loop3A_129 = arith.cmpi ne, %parallel_loop3A_121, %parallel_loop3A_128 : i32
      %parallel_loop3A_130 = arith.remsi %parallel_loop3A_112, %parallel_loop3A_113 : i32
      %parallel_loop3A_131 = arith.constant 0 : i32
      %parallel_loop3A_132 = arith.cmpi ne, %parallel_loop3A_130, %parallel_loop3A_131 : i32
      %parallel_loop3A_133 = arith.andi %parallel_loop3A_129, %parallel_loop3A_132 : i1
      %parallel_loop3A_134 = arith.constant 1 : i32
      %parallel_loop3A_135 = arith.subi %parallel_loop3A_114, %parallel_loop3A_134 : i32
      %parallel_loop3A_136 = arith.select %parallel_loop3A_133, %parallel_loop3A_135, %parallel_loop3A_114 : i32
      %parallel_loop3A_137 = arith.constant 64 : i32
      %parallel_loop3A_138 = arith.constant 0 : i32
      %parallel_loop3A_139 = arith.cmpi eq, %parallel_loop3A_137, %parallel_loop3A_138 : i32
      %parallel_loop3A_140 = arith.constant 1 : i32
      %parallel_loop3A_141 = arith.select %parallel_loop3A_139, %parallel_loop3A_140, %parallel_loop3A_137 : i32
      %parallel_loop3A_142 = arith.remsi %parallel_loop3A_112, %parallel_loop3A_141 : i32
      %parallel_loop3A_143 = arith.constant 0 : i32
      %parallel_loop3A_144 = arith.cmpi ne, %parallel_loop3A_142, %parallel_loop3A_143 : i32
      %parallel_loop3A_145 = arith.constant 0 : i32
      %parallel_loop3A_146 = arith.cmpi slt, %parallel_loop3A_142, %parallel_loop3A_145 : i32
      %parallel_loop3A_147 = arith.constant 0 : i32
      %parallel_loop3A_148 = arith.cmpi slt, %parallel_loop3A_141, %parallel_loop3A_147 : i32
      %parallel_loop3A_149 = arith.xori %parallel_loop3A_146, %parallel_loop3A_148 : i1
      %parallel_loop3A_150 = arith.andi %parallel_loop3A_149, %parallel_loop3A_144 : i1
      %parallel_loop3A_151 = arith.addi %parallel_loop3A_142, %parallel_loop3A_141 : i32
      %parallel_loop3A_152 = arith.select %parallel_loop3A_150, %parallel_loop3A_151, %parallel_loop3A_142 : i32
      %parallel_loop3A_153 = arith.constant 16 : i32
      %parallel_loop3A_154 = arith.muli %parallel_loop3A_152, %parallel_loop3A_153 : i32
      %parallel_loop3A_155 = arith.index_cast %parallel_loop3A_136 : i32 to index
      %parallel_loop3A_156 = arith.index_cast %parallel_loop3A_154 : i32 to index
      %parallel_loop3A_157 = tpu.vector_load %arg5[%parallel_loop3A_155, %parallel_loop3A_156] {strides = array<i32>} : memref<32x1024xi32, #tpu.memory_space<vmem>>, vector<16xi32>,
      %parallel_loop3A_158 = tpu.vector_load_idx %arg6[%parallel_loop3A_157] : memref<16384xf32, #tpu.memory_space<vmem>>[vector<16xi32>], vector<16xf32>,
      %parallel_loop3A_159 = arith.index_cast %parallel_loop3A_136 : i32 to index
      %parallel_loop3A_160 = arith.index_cast %parallel_loop3A_154 : i32 to index
      %parallel_loop3A_161 = tpu.vector_load %arg7[%parallel_loop3A_159, %parallel_loop3A_160] {strides = array<i32>} : memref<32x1024xf32, #tpu.memory_space<vmem>>, vector<16xf32>,
      tpu.vector_store %arg7[%parallel_loop3A_159, %parallel_loop3A_160], %parallel_loop3A_158 {strides = array<i32>} : memref<32x1024xf32, #tpu.memory_space<vmem>>, vector<16xf32>,
    } {sc.loop_unroll_factor = 8 : i64, sc.parallel_access}
    "tpu.region"() ({
      %run_scoped3A = tpu.sem_alloc : memref<!tpu.dma_semaphore, #tpu.memory_space<semaphore_mem>>
      %dma_start3A = arith.constant 0 : i32
      %dma_start3A_112 = arith.constant 0 : i32
      %dma_start3A_113 = tpu.memref_slice %arg4[%select_n3A, %add3A_108, %dma_start3A, %dma_start3A_112] : memref<8x64x32x1024xf32, #tpu.memory_space<hbm>> -> memref<1x1x32x1024xf32, #tpu.memory_space<hbm>>
      %dma_start3A_114 = tpu.memref_squeeze %dma_start3A_113 : memref<1x1x32x1024xf32, #tpu.memory_space<hbm>> -> memref<32x1024xf32, #tpu.memory_space<hbm>>
      %dma_start3A_115 = arith.constant 0 : i32
      %dma_start3A_116 = arith.constant 0 : i32
      %dma_start3A_117 = tpu.memref_slice %arg4[%select_n3A, %add3A_108, %dma_start3A_115, %dma_start3A_116] : memref<8x64x32x1024xf32, #tpu.memory_space<hbm>> -> memref<1x1x32x1024xf32, #tpu.memory_space<hbm>>
      %dma_start3A_118 = tpu.memref_squeeze %dma_start3A_117 : memref<1x1x32x1024xf32, #tpu.memory_space<hbm>> -> memref<32x1024xf32, #tpu.memory_space<hbm>>
      tpu.enqueue_dma source(%arg7 : memref<32x1024xf32, #tpu.memory_space<vmem>>) target(%dma_start3A_118 : memref<32x1024xf32, #tpu.memory_space<hbm>>) target_semaphore(%run_scoped3A : memref<!tpu.dma_semaphore, #tpu.memory_space<semaphore_mem>>)
      %dma_wait3A = arith.constant 0 : i32
      %dma_wait3A_119 = arith.constant 0 : i32
      %dma_wait3A_120 = tpu.memref_slice %arg4[%select_n3A, %add3A_108, %dma_wait3A, %dma_wait3A_119] : memref<8x64x32x1024xf32, #tpu.memory_space<hbm>> -> memref<1x1x32x1024xf32, #tpu.memory_space<hbm>>
      %dma_wait3A_121 = tpu.memref_squeeze %dma_wait3A_120 : memref<1x1x32x1024xf32, #tpu.memory_space<hbm>> -> memref<32x1024xf32, #tpu.memory_space<hbm>>
      %dma_wait3A_122 = arith.constant 0 : i32
      %dma_wait3A_123 = arith.constant 0 : i32
      %dma_wait3A_124 = tpu.memref_slice %arg4[%select_n3A, %add3A_108, %dma_wait3A_122, %dma_wait3A_123] : memref<8x64x32x1024xf32, #tpu.memory_space<hbm>> -> memref<1x1x32x1024xf32, #tpu.memory_space<hbm>>
      %dma_wait3A_125 = tpu.memref_squeeze %dma_wait3A_124 : memref<1x1x32x1024xf32, #tpu.memory_space<hbm>> -> memref<32x1024xf32, #tpu.memory_space<hbm>>
      tpu.wait_dma2 semaphore(%run_scoped3A : memref<!tpu.dma_semaphore, #tpu.memory_space<semaphore_mem>>) src(%arg7 : memref<32x1024xf32, #tpu.memory_space<vmem>>) dst(%dma_wait3A_125 : memref<32x1024xf32, #tpu.memory_space<hbm>>)
      tpu.yield
    }) : () -> ()
    return
  }
}

</mosaic_0001>

<sc_bundles>
// kernel: kernel.3.cloned.1.call-start
scs
__scs_entry_jumppad:
0x0: {  	(pc) =	sbr.rel $0x88, $3  }
0x1: {  	(tag) =	ssettag $0x0;
	lr =	simm.s32 $0x1  }
0x2: {  	[smem:$0x3F9F] =	sst lr;
	_ =	strace $0xD0000000  }
0x3: {  	_ = 	snop  }
0x4: {  	_ = 	snop  }
0x5: {  	_ = 	snop  }
0x6: {  	_ = 	snop  }
0x7: {  	_ = 	snop  }
__scs_overlays_trampoline_lowered:
0x8: {  	[smem:$0x3FAE] =	sst s0  }
0x9: {  	[smem:$0x3FAF] =	sst s1  }
0xa: {  	[smem:$0x3FB0] =	sst s2  }
0xb: {  	[smem:$0x3FB1] =	sst s3  }
0xc: {  	[smem:$0x3FB2] =	sst s4  }
0xd: {  	[smem:$0x3FB3] =	sst s5  }
0xe: {  	[smem:$0x3FB4] =	sst s6  }
0xf: {  	[smem:$0x3FB5] =	sst s7  }
0x10: {  	[smem:$0x3FB6] =	sst s8  }
0x11: {  	[smem:$0x3FB7] =	sst s9;
	s0 =	simm.s32 @!p0 $0x0  }
0x12: {  	s1 =	sld [smem:$0x3F9D];
	s0 =	simm.s32 @p0 $0x1  }
0x13: {  	[smem:$0x3FB8] =	sst s0;
	s0 =	simm.s32 @!p1 $0x0  }
0x14: {  	s2 =	sld [smem:$0x3F9C];
	s0 =	simm.s32 @p1 $0x1  }
0x15: {  	[smem:$0x3FB9] =	sst s0;
	s0 =	simm.s32 @!p2 $0x0  }
0x16: {  	s3 =	sld [smem:$0x3FDB];
	s0 =	simm.s32 @p2 $0x1  }
0x17: {  	s4 =	simm.s32 $0x1BF5;
	[smem:$0x3FBB] =	sst s0  }
0x18: {  	s0 =	sld [smem:$0x3F9E];
	_ =	swait.ge [sflag:s4], $0x0  }
0x19: {  	s7 =	sld [smem:$0x3F9F]  }
0x1a: {  	s8 =	sadd.s32 $0xFFFFE003, lr  }
0x1b: {  	s9 =	sadd.s32 $0xFFFFFEF7, lr;
	s5 =	simm.s32 $0xFFFFFFFF;
	p2 =	slt.u32 s8, $0xFFFFF086  }
0x1c: {  	p1 =	slt.u32 s9, $0xF7A;
	s5 =	simm.s32 @!p2 $0x0  }
0x1d: {  	s5 =	simm.s32 @p1 $0x1;
	p0 =	seq.s32 s7, s2  }
0x1e: {  	s7 =	smul.u32 @!p0 $0xF7A, s2;
	p2 =	seq.s32 @!p0 s5, $0x0  }
0x1f: {  	s9 =	smul.u32 $0xF7A, s1;
	s8 =	simm.s32 @!p0 $0x1BF5;
	p2 =	por !p2, p0  }
0x20: {  	[sflag:s8] =	ssyncset.s32 @!p0 $0xFFFFF086;
	s6 =	sadd.s32 @!p0 s3, s7;
	s7 =	simm.s32 @!p0 $0x108  }
0x21: {  	s3 =	sadd.s32 s3, s9;
	s6 =	sadd.s32 @!p0 $0x88, s6;
	s7 =	simm.s32 @p2 $0x1082  }
0x22: {  	[simem:s7], [sflag:s8] =	dma.local @!p0 [hbm:s6], $0xF7A  }
0x23: {  	s9 =	sor.u32 $0xD0000000, s2;
	s6 =	simm.s32 $0x108;
	_ =	swait.ge @!p0 [sflag:s8], $0x0  }
0x24: {  	s3 =	sadd.s32 $0x88, s3;
	s6 =	simm.s32 @!p1 $0x1082;
	[sflag:s4] =	ssyncset.s32 $0xFFFFF086  }
0x25: {  	[simem:s6], [sflag:s4] =	dma.local [hbm:s3], $0xF7A  }
0x26: {  	[smem:$0x3F9F] =	sst s1;
	(tag) =	ssettag s2;
	_ =	strace s9  }
0x27: {  	s1 =	sld [smem:$0x3FAF]  }
0x28: {  	s2 =	sld [smem:$0x3FB0]  }
0x29: {  	s4 =	sld [smem:$0x3FB2]  }
0x2a: {  	p0 =	seq.s32 s5, $0x0;
	s5 =	sld [smem:$0x3FB3]  }
0x2b: {  	s6 =	sld [smem:$0x3FB4]  }
0x2c: {  	s7 =	sld [smem:$0x3FB5]  }
0x2d: {  	s3 =	simm.s32 $0x108;
	s8 =	sld [smem:$0x3FB6]  }
0x2e: {  	s3 =	simm.s32 @!p0 $0x1082;
	s9 =	sld [smem:$0x3FB7]  }
0x2f: {  	lr =	sadd.s32 s0, s3;
	s0 =	sld [smem:$0x3FAE]  }
0x30: {  	s3 =	sld [smem:$0x3FB1]  }
0x31: {  	[smem:$0x3FBA] =	sst s10  }
0x32: {  	s10 =	sld [smem:$0x3FB8];
	_ =	sdelay $0x3  }
0x33: {  	p0 =	seq.s32 s10, $0x1;
	s10 =	sld [smem:$0x3FBA];
	_ =	sdelay $0x3  }
0x34: {  	[smem:$0x3FBA] =	sst s10  }
0x35: {  	s10 =	sld [smem:$0x3FB9];
	_ =	sdelay $0x3  }
0x36: {  	p1 =	seq.s32 s10, $0x1;
	s10 =	sld [smem:$0x3FBA];
	_ =	sdelay $0x3  }
0x37: {  	[smem:$0x3FBA] =	sst s10  }
0x38: {  	s10 =	sld [smem:$0x3FBB]  }
0x39: {  	_ = 	snop;
	(pc) =	sbr.ind lr, $3  }
0x3a: {  	_ = 	snop  }
0x3b: {  	_ = 	snop  }
0x3c: {  	p2 =	seq.s32 s10, $0x1;
	s10 =	sld [smem:$0x3FBA]  }
0x3d: {  	_ =	shalt  }
0x3e: {  	_ =	shalt  }
0x3f: {  	_ =	shalt  }
0x40: {  	_ =	shalt  }
0x41: {  	_ =	shalt  }
0x42: {  	_ =	shalt  }
0x43: {  	_ =	shalt  }
0x44: {  	_ =	shalt  }
0x45: {  	_ =	shalt  }
0x46: {  	_ =	shalt  }
0x47: {  	_ =	shalt  }
0x48: {  	_ =	shalt  }
0x49: {  	_ =	shalt  }
0x4a: {  	_ =	shalt  }
0x4b: {  	_ =	shalt  }
0x4c: {  	_ =	shalt  }
0x4d: {  	_ =	shalt  }
0x4e: {  	_ =	shalt  }
0x4f: {  	_ =	shalt  }
0x50: {  	_ =	shalt  }
0x51: {  	_ =	shalt  }
0x52: {  	_ =	shalt  }
0x53: {  	_ =	shalt  }
0x54: {  	_ =	shalt  }
0x55: {  	_ =	shalt  }
0x56: {  	_ =	shalt  }
0x57: {  	_ =	shalt  }
0x58: {  	_ =	shalt  }
0x59: {  	_ =	shalt  }
0x5a: {  	_ =	shalt  }
0x5b: {  	_ =	shalt  }
0x5c: {  	_ =	shalt  }
0x5d: {  	_ =	shalt  }
0x5e: {  	_ =	shalt  }
0x5f: {  	_ =	shalt  }
0x60: {  	_ =	shalt  }
0x61: {  	_ =	shalt  }
0x62: {  	_ =	shalt  }
0x63: {  	_ =	shalt  }
0x64: {  	_ =	shalt  }
0x65: {  	_ =	shalt  }
0x66: {  	_ =	shalt  }
0x67: {  	_ =	shalt  }
0x68: {  	_ =	shalt  }
0x69: {  	_ =	shalt  }
0x6a: {  	_ =	shalt  }
0x6b: {  	_ =	shalt  }
0x6c: {  	_ =	shalt  }
0x6d: {  	_ =	shalt  }
0x6e: {  	_ =	shalt  }
0x6f: {  	_ =	shalt  }
0x70: {  	_ =	shalt  }
0x71: {  	_ =	shalt  }
0x72: {  	_ =	shalt  }
0x73: {  	_ =	shalt  }
0x74: {  	_ =	shalt  }
0x75: {  	_ =	shalt  }
0x76: {  	_ =	shalt  }
0x77: {  	_ =	shalt  }
0x78: {  	_ =	shalt  }
0x79: {  	_ =	shalt  }
0x7a: {  	_ =	shalt  }
0x7b: {  	_ =	shalt  }
0x7c: {  	_ =	shalt  }
0x7d: {  	_ =	shalt  }
0x7e: {  	_ =	shalt  }
0x7f: {  	_ =	shalt  }
0x80: {  	_ =	shalt  }
0x81: {  	_ =	shalt  }
0x82: {  	_ =	shalt  }
0x83: {  	_ =	shalt  }
0x84: {  	_ =	shalt  }
0x85: {  	_ =	shalt  }
0x86: {  	_ =	shalt  }
0x87: {  	_ =	shalt  }
.Lfunc_end0:
.L_simem_size_0:
called_computation_lowered:
.L_overlay_start_0:
0x88: {  	s2 =	sld [smem:$0x3FD9]  }
0x89: {  	s3 =	sld [smem:$0x3FFE];
	_ =	sdelay $0x1  }
0x8a: {  	s1 =	srdreg.scid  }
0x8b: {  	s0 =	sand.u32 $0x1, s1  }
0x8c: {  	s18 =	sshll.u32 s0, $0xA;
	s2 =	sadd.s32 s3, s2  }
0x8d: {  	s2 =	sadd.s32 s2, s18  }
0x8e: {  	[smem:$0x3FC6] =	sst s2  }
0x8f: {  	_ = 	snop  }
0x90: {  	s2 =	sld [smem:$0x3FC9]  }
0x91: {  	s19 =	sld [smem:$0x3FC8]  }
0x92: {  	s4 =	sld [smem:$0x3FD0];
	(tm) =	ssettm $0x1  }
0x93: {  	s5 =	sld [smem:$0x3FFB];
	_ =	sdelay $0x3  }
0x94: {  	_ =	strace s5  }
0x95: {  	s5 =	sld [smem:$0x3FFC];
	_ =	sdelay $0x3  }
0x96: {  	_ =	strace s5  }
0x97: {  	s5 =	sld [smem:$0x3FFD];
	_ =	sdelay $0x3  }
0x98: {  	_ =	strace s5  }
0x99: {  	_ =	strace $0x8FFFFFFF  }
0x9a: {  	s20 =	sld [smem:$0x3FDB];
	_ =	sdelay $0x1  }
0x9b: {  	s6 =	simm.s32 $_scs_section_size  }
0x9c: {  	s7 =	simm.s32 $_size__tile_overlayer_lowered;
	s8 =	simm.s32 $_tile_overlayer_lowered  }
0x9d: {  	s23 =	simm.s32 $0x1BFF;
	s22 =	sshll.u32 s8, $0x1;
	s5 =	sadd.s32 s6, s20  }
0x9e: {  	s9 =	simm.s32 $0x0;
	s21 =	sshll.u32 s7, $0x1;
	s7 =	sadd.s32 s22, s5  }
0x9f: {  	[timem:s9], [sflag:s23] =	dma.local [hbm:s7], s21  }
0xa0: {  	_ =	swait.ge [sflag:s23], s21  }
0xa1: {  	s6 =	ssub.s32 $0x0, s21;
	[sflag:s23] =	ssyncset.done $0x0  }
0xa2: {  	[sflag:s23] =	ssyncadd.s32 s6;
	_ =	sdelay $0x1  }
0xa3: {  	s24 =	simm.s32 $0x1B8B  }
0xa4: {  	_ =	swait.ge [sflag:s24], $0x1  }
0xa5: {  	[sflag:s24] =	ssyncset.done $0x0  }
0xa6: {  	s25 =	simm.s32 $0x1B8E;
	[sflag:s24] =	ssyncadd.s32 $0xFFFFFFFF  }
0xa7: {  	s26 =	simm.s32 $execute0_lowered;
	[smem:$0x3FD2] =	sst s25  }
0xa8: {  	s6 =	sshll.u32 s26, $0x1;
	_ =	strace $0x80000046;
	[dreg:$0x1] =	wrdreg $0xFFFFFFFF  }
0xa9: {  	s28 =	simm.s32 $_size_execute0_lowered;
	s5 =	sadd.s32 s5, s6;
	[dreg:$0x0] =	wrdreg $0x0  }
0xaa: {  	s6 =	sshll.u32 s28, $0x1;
	[dreg:$0x2] =	wrdreg s5  }
0xab: {  	[dreg:$0x3] =	wrdreg s6  }
0xac: {  	[dreg:$0x4] =	wrdreg $0xC0  }
0xad: {  	_ =	task [dreg:s9], $0x5FFFF  }
0xae: {  	[dreg:$0x1] =	wrdreg $0xFFFFFFFF  }
0xaf: {  	[dreg:$0x0] =	wrdreg $0x60  }
0xb0: {  	[dreg:$0x2] =	wrdreg s2  }
0xb1: {  	[dreg:$0x3] =	wrdreg s19  }
0xb2: {  	[dreg:$0x4] =	wrdreg s4  }
0xb3: {  	[dreg:$0x5] =	wrdreg $0x9  }
0xb4: {  	_ =	task.clear_ibuf [dreg:s9], $0x6FFFF;
	_ =	strace $0x90000046  }
0xb5: {  	s29 =	simm.s32 $0x9;
	_ =	strace $0x80000048  }
0xb6: {  	_ =	swait.ge [sflag:s29], $0x1  }
0xb7: {  	[sflag:s29] =	ssyncadd.s32 $0xFFFFFFFF  }
0xb8: {  	_ =	strace $0x90000048  }
0xb9: {  	_ =	sfence  }
0xba: {  	s30 =	sld [smem:$0x0];
	_ =	sdelay $0x2  }
0xbb: {  	s31 =	sshll.u32 s1, $0xD;
	s1 =	sshrl.u32 s1, $0x2  }
0xbc: {  	s3 =	sand.u32 $0x4000, s31;
	s1 =	sadd.s32 s1, s30  }
0xbd: {  	s0 =	sor.u32 s3, s0;
	s1 =	sshll.u32 s1, $0x11  }
0xbe: {  	s0 =	sor.u32 s1, s0  }
0xbf: {  	s0 =	sadd.s32 $0x8F2B, s0  }
0xc0: {  	[sflag:s0] =	ssyncadd.remote.s32 $0x1  }
0xc1: {  	_ =	sfence.sel $0xFFFF  }
0xc2: {  	[dreg:$0x0] =	wrdreg $0xFFFFFFFF;
	(pc) =	sbr.abs _section_cstart, $3  }
0xc3: {  	[dreg:$0x1] =	wrdreg $0xFFFFFFFF  }
0xc4: {  	_ =	task.clear_ibuf [dreg:s9], $0x2FFFF;
	_ =	strace $0x9FFFFFFF  }
0xc5: {  	(tm) =	ssettm $0x7FFFFFFF  }
tec
execute0_lowered:
.L_overlay_start_1:
0x0: {  	(tag) =	ssettag $0x1  }
0x1: {  	s0 =	srdreg.scid;
	s1 =	rddreg [dreg:$0x0]  }
0x2: {  	s7 =	stileid.u32;
	s4 =	rddreg [dreg:$0x1];
	s0 =	sand.u32 $0x1, s0  }
0x3: {  	s2 =	sshll.u32 s7, $0x1;
	s17 =	sadd.s32 $0x10, s1;
	s9 =	sadd.s32 $0x20, s1  }
0x4: {  	s25 =	sadd.s32 $0x30, s1;
	s5 =	ssub.s32 $0x2, s0;
	s3 =	sand.u32 $0x2, s2  }
0x5: {  	s2 =	sshrl.u32 s7, $0x1;
	s6 =	sshrl.u32 s5, $0x1;
	s3 =	sor.u32 s0, s3  }
0x6: {  	s26 =	sshll.u32 s2, $0x14;
	s8 =	sshll.u32 s2, $0xC;
	s0 =	ssub.s32 s5, s6  }
0x7: {  	s15 =	sshll.u32 s3, $0x12;
	s16 =	sshll.u32 s3, $0x4;
	s4 =	sadd.s32 s4, s8  }
0x8: {  	s6 =	sor.u32 s26, s15;
	[dreg:$0x4] =	wrdreg s4;
	s4 =	sor.u32 $0x9, s16  }
0x9: {  	s12 =	sor.u32 $0xA, s16;
	s7 =	sor.u32 $0xE, s16;
	s30 =	smax.u32 s0, $0x1  }
0xa: {  	s6 =	sshrl.u32 s6, $0x3;
	s10 =	sshll.u32 s4, $0xE;
	s14 =	sshll.u32 s12, $0xE  }
0xb: {  	s24 =	sshll.u32 s7, $0xE;
	s4 =	sshll.u32 s4, $0xF;
	s7 =	sshll.u32 s7, $0xF  }
0xc: {  	s11 =	sadd.s32 s6, s17;
	s18 =	sadd.s32 s6, s9;
	s10 =	sand.u32 $0xE0000, s10  }
0xd: {  	[dreg:$0x5] =	wrdreg s11;
	s11 =	sor.u32 $0x8, s16;
	s10 =	sor.u32 s26, s10  }
0xe: {  	s19 =	sand.u32 $0xE0000, s14;
	s13 =	sshll.u32 s11, $0xE;
	s10 =	sshrl.u32 s10, $0x3  }
0xf: {  	[dreg:$0x6] =	wrdreg s18;
	s13 =	sor.u32 s26, s13;
	s8 =	sadd.s32 s10, s17  }
0x10: {  	s10 =	sor.u32 $0xB, s16;
	s17 =	sadd.s32 $0x40, s1;
	[dreg:$0x7] =	wrdreg s8  }
0x11: {  	s8 =	sor.u32 s26, s19;
	s19 =	sor.u32 $0xC, s16;
	s20 =	sshll.u32 s10, $0xE  }
0x12: {  	s8 =	sshrl.u32 s8, $0x3;
	s15 =	sshll.u32 s19, $0xE;
	s21 =	sand.u32 $0xE0000, s20  }
0x13: {  	s20 =	sor.u32 $0xD, s16;
	s8 =	sadd.s32 s8, s9;
	s22 =	sand.u32 $0xE0000, s15  }
0x14: {  	s23 =	sshll.u32 s20, $0xE;
	s15 =	sand.u32 $0xE0000, s24;
	s24 =	sadd.s32 $0x60, s1  }
0x15: {  	[dreg:$0x8] =	wrdreg s8;
	s8 =	sor.u32 s26, s21;
	s9 =	sor.u32 s26, s22  }
0x16: {  	s21 =	sshllo.u32 s3, $0x4;
	s14 =	sand.u32 $0xE0000, s23;
	s15 =	sor.u32 s26, s15  }
0x17: {  	s22 =	sadd.s32 $0x50, s1;
	s16 =	sshll.u32 s21, $0xE;
	s14 =	sor.u32 s26, s14  }
0x18: {  	s8 =	sshrl.u32 s8, $0x3;
	s9 =	sshrl.u32 s9, $0x3;
	s23 =	sshrl.u32 s15, $0x3  }
0x19: {  	s15 =	sshll.u32 s3, $0x13;
	s16 =	sand.u32 $0xE0000, s16;
	s8 =	sadd.s32 s8, s25  }
0x1a: {  	s18 =	sshrl.u32 s14, $0x3;
	s14 =	sshll.u32 s2, $0x15;
	s5 =	sor.u32 s26, s16  }
0x1b: {  	[dreg:$0x9] =	wrdreg s8;
	s26 =	sadd.s32 s6, s25;
	s16 =	sadd.s32 s9, s17  }
0x1c: {  	s17 =	sadd.s32 s6, s17;
	s8 =	sadd.s32 s18, s22;
	[dreg:$0xa] =	wrdreg s26  }
0x1d: {  	s9 =	sadd.s32 s6, s22;
	s25 =	sshrl.u32 s13, $0x3;
	[dreg:$0xb] =	wrdreg s16  }
0x1e: {  	s13 =	sadd.s32 s1, s6;
	s2 =	sor.u32 s14, s15;
	[dreg:$0xc] =	wrdreg s17  }
0x1f: {  	s4 =	sor.u32 s14, s4;
	s22 =	sshll.u32 s12, $0xF;
	[dreg:$0xd] =	wrdreg s8  }
0x20: {  	s7 =	sor.u32 s14, s7;
	[dreg:$0xe] =	wrdreg s9;
	s8 =	sadd.s32 s23, s24  }
0x21: {  	s26 =	sadd.s32 s6, s24;
	s9 =	sadd.s32 s1, s25;
	[dreg:$0x12] =	wrdreg s13  }
0x22: {  	s1 =	sadd.s32 $0x70, s1;
	s5 =	sshrl.u32 s5, $0x3;
	s16 =	simm.s32 $0x0  }
0x23: {  	s17 =	sshll.u32 s11, $0xF;
	s23 =	sshll.u32 s10, $0xF;
	s10 =	rddreg [dreg:$0x2]  }
0x24: {  	s24 =	sshll.u32 s19, $0xF;
	s25 =	sshll.u32 s20, $0xF;
	[dreg:$0xf] =	wrdreg s8  }
0x25: {  	s2 =	sshrl.u32 s2, $0x3;
	s12 =	sshrl.u32 s4, $0x3;
	[dreg:$0x10] =	wrdreg s26  }
0x26: {  	[dreg:$0x11] =	wrdreg s9;
	s6 =	sadd.s32 s6, s1;
	s18 =	sadd.s32 s5, s1  }
0x27: {  	[smem:$0x7FF] =	sst s16;
	s3 =	sor.u32 s14, s17;
	s5 =	sor.u32 s14, s22  }
0x28: {  	s8 =	sor.u32 s14, s24;
	s9 =	sor.u32 s14, s25;
	s26 =	sshll.u32 s21, $0xF  }
0x29: {  	s19 =	sadd.s32 s10, s2;
	s21 =	sadd.s32 s10, s12;
	s25 =	sshrl.u32 s7, $0x3  }
0x2a: {  	s7 =	simm.s32 $0x400;
	[dreg:$0x13] =	wrdreg s6;
	s6 =	sor.u32 s14, s23  }
0x2b: {  	s1 =	sor.u32 s14, s26;
	s11 =	sshrl.u32 s3, $0x3;
	s13 =	sshrl.u32 s5, $0x3  }
0x2c: {  	s15 =	sshrl.u32 s8, $0x3;
	s17 =	sshrl.u32 s9, $0x3;
	s28 =	sadd.s32 s10, s25  }
0x2d: {  	s31 =	sadd.s32 $0x1000, s19;
	s25 =	sadd.s32 $0x2000, s19;
	s0 =	sadd.s32 $0x3000, s19  }
0x2e: {  	s2 =	sadd.s32 $0x5000, s19;
	s3 =	sadd.s32 $0x6000, s19;
	s4 =	sadd.s32 $0x7000, s19  }
0x2f: {  	s5 =	simm.s32 $0x1;
	s8 =	simm.s32 $0x8000;
	s9 =	simm.s32 $0xC000  }
0x30: {  	s20 =	sadd.s32 s10, s11;
	s22 =	sadd.s32 s10, s13;
	s14 =	sshrl.u32 s6, $0x3  }
0x31: {  	s24 =	sadd.s32 s10, s15;
	s26 =	sadd.s32 s10, s17;
	s1 =	sshrl.u32 s1, $0x3  }
0x32: {  	_ =	strace $0x80000047;
	s6 =	simm.s32 $0x80;
	s23 =	sadd.s32 s10, s14  }
0x33: {  	s29 =	sadd.s32 s10, s1;
	s1 =	sadd.s32 $0x4000, s19;
	s10 =	simm.s32 $0x0  }
.LBB2_1:
0x34: {  	s11 =	rddreg [dreg:$0x4]  }
0x35: {  	[tilespmem:s16], [sflag:$0x1] =	stream.linear.gather [hbm4b:s11+s16], $0x8000, $0x38;
	[tilespmem:$0x14000] =	vst v63  }
0x36: {  	_ =	swait.ge [sflag:s5], $0x8000  }
0x37: {  	s15 =	simm.s32 $0x0;
	[sflag:s5] =	ssyncset.done $0x0  }
0x38: {  	s12 =	sand.u32 $0x1C00, s16;
	s14 =	rddreg [dreg:$0x12];
	[sflag:s5] =	ssyncadd.s32 $0xFFFF8000  }
0x39: {  	[tilespmem:s8], [sflag:$0x1] =	stream.strided.gather [hbm4b:s14+s6], $0x4000, s7, s6, $0x38;
	[tilespmem:$0x14000] =	vst v63  }
0x3a: {  	s13 =	simm.s32 $0x0;
	s11 =	sand.u32 $0x6000, s15;
	_ =	swait.ge [sflag:s5], $0x4000  }
0x3b: {  	s17 =	sand.u32 $0x380, s13;
	s11 =	sor.u32 s12, s11;
	[sflag:s5] =	ssyncset.done $0x0  }
0x3c: {  	s11 =	sor.u32 s17, s11;
	[sflag:s5] =	ssyncadd.s32 $0xFFFFC000  }
0x3d: {  	v3 =	vld [tilespmem:s11+$0x70]  }
0x3e: {  	v5 =	vld [tilespmem:s11+$0x0]  }
0x3f: {  	v8 =	vld [tilespmem:s11+$0x10]  }
0x40: {  	v6 =	vld [tilespmem:s11+$0x20]  }
0x41: {  	v4 =	vld [tilespmem:s11+$0x30]  }
0x42: {  	v2 =	vld [tilespmem:s11+$0x40]  }
0x43: {  	v1 =	vld [tilespmem:s11+$0x50]  }
0x44: {  	v0 =	vld [tilespmem:s11+$0x60]  }
0x45: {  	v7 =	vld.idx.msk [tilespmem:v3+s8+$0x0], $0xffff  }
0x46: {  	v5 =	vld.idx.msk [tilespmem:v5+s8+$0x0], $0xffff  }
0x47: {  	s13 =	simm.s32 $0x0;
	s12 =	simm.s32 $0x0;
	v3 =	vld.idx.msk [tilespmem:v8+s8+$0x0], $0xffff  }
.LBB2_2:
0x48: {  	s12 =	sadd.s32 $0x8, s12;
	v6 =	vld.idx.msk [tilespmem:v6+s8+$0x0], $0xffff  }
0x49: {  	s13 =	sadd.s32 $0x400, s13;
	s14 =	sshll.u32 s12, $0x4;
	p0 =	slt.u32 s12, $0x7F8;
	v4 =	vld.idx.msk [tilespmem:v4+s8+$0x0], $0xffff  }
0x4a: {  	s15 =	sand.u32 $0x1C00, s13;
	s17 =	sshll.u32 s12, $0x1;
	s14 =	sand.u32 $0x6000, s14;
	v2 =	vld.idx.msk [tilespmem:v2+s8+$0x0], $0xffff  }
0x4b: {  	s14 =	sor.u32 s15, s14;
	s15 =	sand.u32 $0x380, s17;
	v1 =	vld.idx.msk [tilespmem:v1+s8+$0x0], $0xffff;
	[tilespmem:s11+$0xC070] =	vst v7  }
0x4c: {  	s14 =	sor.u32 s15, s14;
	[tilespmem:s11+$0xC000] =	vst v5;
	v0 =	vld.idx.msk [tilespmem:v0+s8+$0x0], $0xffff  }
0x4d: {  	v5 =	vld [tilespmem:s14+$0x70];
	[tilespmem:s11+$0xC010] =	vst v3  }
0x4e: {  	v3 =	vld [tilespmem:s14+$0x0];
	[tilespmem:s11+$0xC020] =	vst v6  }
0x4f: {  	v8 =	vld [tilespmem:s14+$0x10];
	[tilespmem:s11+$0xC030] =	vst v4  }
0x50: {  	v6 =	vld [tilespmem:s14+$0x20];
	[tilespmem:s11+$0xC040] =	vst v2  }
0x51: {  	v4 =	vld [tilespmem:s14+$0x30];
	[tilespmem:s11+$0xC050] =	vst v1  }
0x52: {  	v2 =	vld [tilespmem:s14+$0x40];
	[tilespmem:s11+$0xC060] =	vst v0;
	s11 =	smov.u32 s14  }
.Ltmp0:
0x53: {  	v1 =	vld [tilespmem:s11+$0x50];
	(pc) =	sbr.rel @p0 .LBB2_2-.Ltmp0, $4  }
0x54: {  	v0 =	vld [tilespmem:s11+$0x60]  }
0x55: {  	v7 =	vld.idx.msk [tilespmem:v5+s8+$0x0], $0xffff  }
0x56: {  	v5 =	vld.idx.msk [tilespmem:v3+s8+$0x0], $0xffff  }
0x57: {  	v3 =	vld.idx.msk [tilespmem:v8+s8+$0x0], $0xffff  }
0x58: {  	_ =	sdelay $0x3  }
0x59: {  	v6 =	vld.idx.msk [tilespmem:v6+s8+$0x0], $0xffff  }
0x5a: {  	v4 =	vld.idx.msk [tilespmem:v4+s8+$0x0], $0xffff  }
0x5b: {  	v2 =	vld.idx.msk [tilespmem:v2+s8+$0x0], $0xffff;
	[tilespmem:s11+$0xC070] =	vst v7  }
0x5c: {  	v1 =	vld.idx.msk [tilespmem:v1+s8+$0x0], $0xffff;
	[tilespmem:s11+$0xC000] =	vst v5  }
0x5d: {  	v0 =	vld.idx.msk [tilespmem:v0+s8+$0x0], $0xffff;
	[tilespmem:s11+$0xC010] =	vst v3  }
0x5e: {  	[tilespmem:s11+$0xC020] =	vst v6  }
0x5f: {  	[tilespmem:s11+$0xC030] =	vst v4  }
0x60: {  	[tilespmem:s11+$0xC040] =	vst v2  }
0x61: {  	[tilespmem:s11+$0xC050] =	vst v1  }
0x62: {  	[tilespmem:s11+$0xC060] =	vst v0;
	s11 =	simm.s32 $0x0  }
0x63: {  	[hbm4b:s19+s11] =	stream.linear.scatter [tilespmem:s9], [sflag:$0x1], $0x8000, $0x38;
	[tilespmem:$0x14000] =	vst v63  }
0x64: {  	_ =	swait.ge [sflag:s5], $0x8000  }
0x65: {  	s15 =	simm.s32 $0x0;
	[sflag:s5] =	ssyncset.done $0x0  }
0x66: {  	s14 =	simm.s32 $0x0;
	s12 =	rddreg [dreg:$0x5];
	[sflag:s5] =	ssyncadd.s32 $0xFFFF8000  }
0x67: {  	[tilespmem:s8], [sflag:$0x1] =	stream.strided.gather [hbm4b:s12+s6], $0x4000, s7, s6, $0x38;
	[tilespmem:$0x14000] =	vst v63  }
0x68: {  	s13 =	sand.u32 $0x1C00, s11;
	s12 =	sand.u32 $0x6000, s15;
	_ =	swait.ge [sflag:s5], $0x4000  }
0x69: {  	s17 =	sand.u32 $0x380, s14;
	s12 =	sor.u32 s13, s12;
	[sflag:s5] =	ssyncset.done $0x0  }
0x6a: {  	s12 =	sor.u32 s17, s12;
	[sflag:s5] =	ssyncadd.s32 $0xFFFFC000  }
0x6b: {  	v3 =	vld [tilespmem:s12+$0x70]  }
0x6c: {  	v5 =	vld [tilespmem:s12+$0x0]  }
0x6d: {  	v8 =	vld [tilespmem:s12+$0x10]  }
0x6e: {  	v6 =	vld [tilespmem:s12+$0x20]  }
0x6f: {  	v4 =	vld [tilespmem:s12+$0x30]  }
0x70: {  	v2 =	vld [tilespmem:s12+$0x40]  }
0x71: {  	v1 =	vld [tilespmem:s12+$0x50]  }
0x72: {  	v0 =	vld [tilespmem:s12+$0x60]  }
0x73: {  	v7 =	vld.idx.msk [tilespmem:v3+s8+$0x0], $0xffff  }
0x74: {  	v5 =	vld.idx.msk [tilespmem:v5+s8+$0x0], $0xffff  }
0x75: {  	s13 =	simm.s32 $0x0;
	v3 =	vld.idx.msk [tilespmem:v8+s8+$0x0], $0xffff  }
.LBB2_4:
0x76: {  	s13 =	sadd.s32 $0x8, s13;
	v6 =	vld.idx.msk [tilespmem:v6+s8+$0x0], $0xffff  }
0x77: {  	s11 =	sadd.s32 $0x400, s11;
	s14 =	sshll.u32 s13, $0x4;
	p0 =	slt.u32 s13, $0x7F8;
	v4 =	vld.idx.msk [tilespmem:v4+s8+$0x0], $0xffff  }
0x78: {  	s15 =	sand.u32 $0x1C00, s11;
	s17 =	sshll.u32 s13, $0x1;
	s14 =	sand.u32 $0x6000, s14;
	v2 =	vld.idx.msk [tilespmem:v2+s8+$0x0], $0xffff  }
0x79: {  	s14 =	sor.u32 s15, s14;
	s15 =	sand.u32 $0x380, s17;
	v1 =	vld.idx.msk [tilespmem:v1+s8+$0x0], $0xffff;
	[tilespmem:s12+$0xC070] =	vst v7  }
0x7a: {  	s14 =	sor.u32 s15, s14;
	[tilespmem:s12+$0xC000] =	vst v5;
	v0 =	vld.idx.msk [tilespmem:v0+s8+$0x0], $0xffff  }
0x7b: {  	v5 =	vld [tilespmem:s14+$0x70];
	[tilespmem:s12+$0xC010] =	vst v3  }
0x7c: {  	v3 =	vld [tilespmem:s14+$0x0];
	[tilespmem:s12+$0xC020] =	vst v6  }
0x7d: {  	v8 =	vld [tilespmem:s14+$0x10];
	[tilespmem:s12+$0xC030] =	vst v4  }
0x7e: {  	v6 =	vld [tilespmem:s14+$0x20];
	[tilespmem:s12+$0xC040] =	vst v2  }
0x7f: {  	v4 =	vld [tilespmem:s14+$0x30];
	[tilespmem:s12+$0xC050] =	vst v1  }
0x80: {  	v2 =	vld [tilespmem:s14+$0x40];
	[tilespmem:s12+$0xC060] =	vst v0;
	s12 =	smov.u32 s14  }
.Ltmp1:
0x81: {  	v1 =	vld [tilespmem:s12+$0x50];
	(pc) =	sbr.rel @p0 .LBB2_4-.Ltmp1, $4  }
0x82: {  	v0 =	vld [tilespmem:s12+$0x60]  }
0x83: {  	v7 =	vld.idx.msk [tilespmem:v5+s8+$0x0], $0xffff  }
0x84: {  	v5 =	vld.idx.msk [tilespmem:v3+s8+$0x0], $0xffff  }
0x85: {  	v3 =	vld.idx.msk [tilespmem:v8+s8+$0x0], $0xffff  }
0x86: {  	_ =	sdelay $0x3  }
0x87: {  	v6 =	vld.idx.msk [tilespmem:v6+s8+$0x0], $0xffff  }
0x88: {  	v4 =	vld.idx.msk [tilespmem:v4+s8+$0x0], $0xffff  }
0x89: {  	v2 =	vld.idx.msk [tilespmem:v2+s8+$0x0], $0xffff;
	[tilespmem:s12+$0xC070] =	vst v7  }
0x8a: {  	v1 =	vld.idx.msk [tilespmem:v1+s8+$0x0], $0xffff;
	[tilespmem:s12+$0xC000] =	vst v5  }
0x8b: {  	v0 =	vld.idx.msk [tilespmem:v0+s8+$0x0], $0xffff;
	[tilespmem:s12+$0xC010] =	vst v3  }
0x8c: {  	[tilespmem:s12+$0xC020] =	vst v6  }
0x8d: {  	[tilespmem:s12+$0xC030] =	vst v4  }
0x8e: {  	[tilespmem:s12+$0xC040] =	vst v2  }
0x8f: {  	[tilespmem:s12+$0xC050] =	vst v1  }
0x90: {  	s11 =	simm.s32 $0x0;
	[tilespmem:s12+$0xC060] =	vst v0  }
0x91: {  	[hbm4b:s31+s11] =	stream.linear.scatter [tilespmem:s9], [sflag:$0x1], $0x8000, $0x38;
	[tilespmem:$0x14000] =	vst v63  }
0x92: {  	_ =	swait.ge [sflag:s5], $0x8000  }
0x93: {  	s15 =	simm.s32 $0x0;
	[sflag:s5] =	ssyncset.done $0x0  }
0x94: {  	s13 =	sand.u32 $0x1C00, s11;
	s14 =	rddreg [dreg:$0x6];
	[sflag:s5] =	ssyncadd.s32 $0xFFFF8000  }
0x95: {  	[tilespmem:s8], [sflag:$0x1] =	stream.strided.gather [hbm4b:s14+s6], $0x4000, s7, s6, $0x38;
	[tilespmem:$0x14000] =	vst v63  }
0x96: {  	s12 =	sand.u32 $0x6000, s15;
	s14 =	simm.s32 $0x0;
	_ =	swait.ge [sflag:s5], $0x4000  }
0x97: {  	s12 =	sor.u32 s13, s12;
	s17 =	sand.u32 $0x380, s14;
	[sflag:s5] =	ssyncset.done $0x0  }
0x98: {  	s12 =	sor.u32 s17, s12;
	[sflag:s5] =	ssyncadd.s32 $0xFFFFC000  }
0x99: {  	v3 =	vld [tilespmem:s12+$0x70]  }
0x9a: {  	v5 =	vld [tilespmem:s12+$0x0]  }
0x9b: {  	v8 =	vld [tilespmem:s12+$0x10]  }
0x9c: {  	v6 =	vld [tilespmem:s12+$0x20]  }
0x9d: {  	v4 =	vld [tilespmem:s12+$0x30]  }
0x9e: {  	v2 =	vld [tilespmem:s12+$0x40]  }
0x9f: {  	v1 =	vld [tilespmem:s12+$0x50]  }
0xa0: {  	v0 =	vld [tilespmem:s12+$0x60]  }
0xa1: {  	v7 =	vld.idx.msk [tilespmem:v3+s8+$0x0], $0xffff  }
0xa2: {  	v5 =	vld.idx.msk [tilespmem:v5+s8+$0x0], $0xffff  }
0xa3: {  	s13 =	simm.s32 $0x0;
	v3 =	vld.idx.msk [tilespmem:v8+s8+$0x0], $0xffff  }
.LBB2_6:
0xa4: {  	s13 =	sadd.s32 $0x8, s13;
	v6 =	vld.idx.msk [tilespmem:v6+s8+$0x0], $0xffff  }
0xa5: {  	s11 =	sadd.s32 $0x400, s11;
	s14 =	sshll.u32 s13, $0x4;
	p0 =	slt.u32 s13, $0x7F8;
	v4 =	vld.idx.msk [tilespmem:v4+s8+$0x0], $0xffff  }
0xa6: {  	s15 =	sand.u32 $0x1C00, s11;
	s17 =	sshll.u32 s13, $0x1;
	s14 =	sand.u32 $0x6000, s14;
	v2 =	vld.idx.msk [tilespmem:v2+s8+$0x0], $0xffff  }
0xa7: {  	s14 =	sor.u32 s15, s14;
	s15 =	sand.u32 $0x380, s17;
	v1 =	vld.idx.msk [tilespmem:v1+s8+$0x0], $0xffff;
	[tilespmem:s12+$0xC070] =	vst v7  }
0xa8: {  	s14 =	sor.u32 s15, s14;
	[tilespmem:s12+$0xC000] =	vst v5;
	v0 =	vld.idx.msk [tilespmem:v0+s8+$0x0], $0xffff  }
0xa9: {  	v5 =	vld [tilespmem:s14+$0x70];
	[tilespmem:s12+$0xC010] =	vst v3  }
0xaa: {  	v3 =	vld [tilespmem:s14+$0x0];
	[tilespmem:s12+$0xC020] =	vst v6  }
0xab: {  	v8 =	vld [tilespmem:s14+$0x10];
	[tilespmem:s12+$0xC030] =	vst v4  }
0xac: {  	v6 =	vld [tilespmem:s14+$0x20];
	[tilespmem:s12+$0xC040] =	vst v2  }
0xad: {  	v4 =	vld [tilespmem:s14+$0x30];
	[tilespmem:s12+$0xC050] =	vst v1  }
0xae: {  	v2 =	vld [tilespmem:s14+$0x40];
	[tilespmem:s12+$0xC060] =	vst v0;
	s12 =	smov.u32 s14  }
.Ltmp2:
0xaf: {  	v1 =	vld [tilespmem:s12+$0x50];
	(pc) =	sbr.rel @p0 .LBB2_6-.Ltmp2, $4  }
0xb0: {  	v0 =	vld [tilespmem:s12+$0x60]  }
0xb1: {  	v7 =	vld.idx.msk [tilespmem:v5+s8+$0x0], $0xffff  }
0xb2: {  	v5 =	vld.idx.msk [tilespmem:v3+s8+$0x0], $0xffff  }
0xb3: {  	v3 =	vld.idx.msk [tilespmem:v8+s8+$0x0], $0xffff  }
0xb4: {  	_ =	sdelay $0x3  }
0xb5: {  	v6 =	vld.idx.msk [tilespmem:v6+s8+$0x0], $0xffff  }
0xb6: {  	v4 =	vld.idx.msk [tilespmem:v4+s8+$0x0], $0xffff  }
0xb7: {  	v2 =	vld.idx.msk [tilespmem:v2+s8+$0x0], $0xffff;
	[tilespmem:s12+$0xC070] =	vst v7  }
0xb8: {  	v1 =	vld.idx.msk [tilespmem:v1+s8+$0x0], $0xffff;
	[tilespmem:s12+$0xC000] =	vst v5  }
0xb9: {  	v0 =	vld.idx.msk [tilespmem:v0+s8+$0x0], $0xffff;
	[tilespmem:s12+$0xC010] =	vst v3  }
0xba: {  	[tilespmem:s12+$0xC020] =	vst v6  }
0xbb: {  	[tilespmem:s12+$0xC030] =	vst v4  }
0xbc: {  	[tilespmem:s12+$0xC040] =	vst v2  }
0xbd: {  	[tilespmem:s12+$0xC050] =	vst v1  }
0xbe: {  	s11 =	simm.s32 $0x0;
	[tilespmem:s12+$0xC060] =	vst v0  }
0xbf: {  	[hbm4b:s25+s11] =	stream.linear.scatter [tilespmem:s9], [sflag:$0x1], $0x8000, $0x38;
	[tilespmem:$0x14000] =	vst v63  }
0xc0: {  	_ =	swait.ge [sflag:s5], $0x8000  }
0xc1: {  	s15 =	simm.s32 $0x0;
	[sflag:s5] =	ssyncset.done $0x0  }
0xc2: {  	s13 =	sand.u32 $0x1C00, s11;
	s14 =	rddreg [dreg:$0xa];
	[sflag:s5] =	ssyncadd.s32 $0xFFFF8000  }
0xc3: {  	[tilespmem:s8], [sflag:$0x1] =	stream.strided.gather [hbm4b:s14+s6], $0x4000, s7, s6, $0x38;
	[tilespmem:$0x14000] =	vst v63  }
0xc4: {  	s12 =	sand.u32 $0x6000, s15;
	s14 =	simm.s32 $0x0;
	_ =	swait.ge [sflag:s5], $0x4000  }
0xc5: {  	s12 =	sor.u32 s13, s12;
	s17 =	sand.u32 $0x380, s14;
	[sflag:s5] =	ssyncset.done $0x0  }
0xc6: {  	s12 =	sor.u32 s17, s12;
	[sflag:s5] =	ssyncadd.s32 $0xFFFFC000  }
0xc7: {  	v3 =	vld [tilespmem:s12+$0x70]  }
0xc8: {  	v5 =	vld [tilespmem:s12+$0x0]  }
0xc9: {  	v8 =	vld [tilespmem:s12+$0x10]  }
0xca: {  	v6 =	vld [tilespmem:s12+$0x20]  }
0xcb: {  	v4 =	vld [tilespmem:s12+$0x30]  }
0xcc: {  	v2 =	vld [tilespmem:s12+$0x40]  }
0xcd: {  	v1 =	vld [tilespmem:s12+$0x50]  }
0xce: {  	v0 =	vld [tilespmem:s12+$0x60]  }
0xcf: {  	v7 =	vld.idx.msk [tilespmem:v3+s8+$0x0], $0xffff  }
0xd0: {  	v5 =	vld.idx.msk [tilespmem:v5+s8+$0x0], $0xffff  }
0xd1: {  	s13 =	simm.s32 $0x0;
	v3 =	vld.idx.msk [tilespmem:v8+s8+$0x0], $0xffff  }
.LBB2_8:
0xd2: {  	s13 =	sadd.s32 $0x8, s13;
	v6 =	vld.idx.msk [tilespmem:v6+s8+$0x0], $0xffff  }
0xd3: {  	s11 =	sadd.s32 $0x400, s11;
	s14 =	sshll.u32 s13, $0x4;
	p0 =	slt.u32 s13, $0x7F8;
	v4 =	vld.idx.msk [tilespmem:v4+s8+$0x0], $0xffff  }
0xd4: {  	s15 =	sand.u32 $0x1C00, s11;
	s17 =	sshll.u32 s13, $0x1;
	s14 =	sand.u32 $0x6000, s14;
	v2 =	vld.idx.msk [tilespmem:v2+s8+$0x0], $0xffff  }
0xd5: {  	s14 =	sor.u32 s15, s14;
	s15 =	sand.u32 $0x380, s17;
	v1 =	vld.idx.msk [tilespmem:v1+s8+$0x0], $0xffff;
	[tilespmem:s12+$0xC070] =	vst v7  }
0xd6: {  	s14 =	sor.u32 s15, s14;
	[tilespmem:s12+$0xC000] =	vst v5;
	v0 =	vld.idx.msk [tilespmem:v0+s8+$0x0], $0xffff  }
0xd7: {  	v5 =	vld [tilespmem:s14+$0x70];
	[tilespmem:s12+$0xC010] =	vst v3  }
0xd8: {  	v3 =	vld [tilespmem:s14+$0x0];
	[tilespmem:s12+$0xC020] =	vst v6  }
0xd9: {  	v8 =	vld [tilespmem:s14+$0x10];
	[tilespmem:s12+$0xC030] =	vst v4  }
0xda: {  	v6 =	vld [tilespmem:s14+$0x20];
	[tilespmem:s12+$0xC040] =	vst v2  }
0xdb: {  	v4 =	vld [tilespmem:s14+$0x30];
	[tilespmem:s12+$0xC050] =	vst v1  }
0xdc: {  	v2 =	vld [tilespmem:s14+$0x40];
	[tilespmem:s12+$0xC060] =	vst v0;
	s12 =	smov.u32 s14  }
.Ltmp3:
0xdd: {  	v1 =	vld [tilespmem:s12+$0x50];
	(pc) =	sbr.rel @p0 .LBB2_8-.Ltmp3, $4  }
0xde: {  	v0 =	vld [tilespmem:s12+$0x60]  }
0xdf: {  	v7 =	vld.idx.msk [tilespmem:v5+s8+$0x0], $0xffff  }
0xe0: {  	v5 =	vld.idx.msk [tilespmem:v3+s8+$0x0], $0xffff  }
0xe1: {  	v3 =	vld.idx.msk [tilespmem:v8+s8+$0x0], $0xffff  }
0xe2: {  	_ =	sdelay $0x3  }
0xe3: {  	v6 =	vld.idx.msk [tilespmem:v6+s8+$0x0], $0xffff  }
0xe4: {  	v4 =	vld.idx.msk [tilespmem:v4+s8+$0x0], $0xffff  }
0xe5: {  	v2 =	vld.idx.msk [tilespmem:v2+s8+$0x0], $0xffff;
	[tilespmem:s12+$0xC070] =	vst v7  }
0xe6: {  	v1 =	vld.idx.msk [tilespmem:v1+s8+$0x0], $0xffff;
	[tilespmem:s12+$0xC000] =	vst v5  }
0xe7: {  	v0 =	vld.idx.msk [tilespmem:v0+s8+$0x0], $0xffff;
	[tilespmem:s12+$0xC010] =	vst v3  }
0xe8: {  	[tilespmem:s12+$0xC020] =	vst v6  }
0xe9: {  	[tilespmem:s12+$0xC030] =	vst v4  }
0xea: {  	[tilespmem:s12+$0xC040] =	vst v2  }
0xeb: {  	[tilespmem:s12+$0xC050] =	vst v1  }
0xec: {  	s11 =	simm.s32 $0x0;
	[tilespmem:s12+$0xC060] =	vst v0  }
0xed: {  	[hbm4b:s0+s11] =	stream.linear.scatter [tilespmem:s9], [sflag:$0x1], $0x8000, $0x38;
	[tilespmem:$0x14000] =	vst v63  }
0xee: {  	_ =	swait.ge [sflag:s5], $0x8000  }
0xef: {  	s15 =	simm.s32 $0x0;
	[sflag:s5] =	ssyncset.done $0x0  }
0xf0: {  	s13 =	sand.u32 $0x1C00, s11;
	s14 =	rddreg [dreg:$0xc];
	[sflag:s5] =	ssyncadd.s32 $0xFFFF8000  }
0xf1: {  	[tilespmem:s8], [sflag:$0x1] =	stream.strided.gather [hbm4b:s14+s6], $0x4000, s7, s6, $0x38;
	[tilespmem:$0x14000] =	vst v63  }
0xf2: {  	s12 =	sand.u32 $0x6000, s15;
	s14 =	simm.s32 $0x0;
	_ =	swait.ge [sflag:s5], $0x4000  }
0xf3: {  	s12 =	sor.u32 s13, s12;
	s17 =	sand.u32 $0x380, s14;
	[sflag:s5] =	ssyncset.done $0x0  }
0xf4: {  	s12 =	sor.u32 s17, s12;
	[sflag:s5] =	ssyncadd.s32 $0xFFFFC000  }
0xf5: {  	v3 =	vld [tilespmem:s12+$0x70]  }
0xf6: {  	v5 =	vld [tilespmem:s12+$0x0]  }
0xf7: {  	v8 =	vld [tilespmem:s12+$0x10]  }
0xf8: {  	v6 =	vld [tilespmem:s12+$0x20]  }
0xf9: {  	v4 =	vld [tilespmem:s12+$0x30]  }
0xfa: {  	v2 =	vld [tilespmem:s12+$0x40]  }
0xfb: {  	v1 =	vld [tilespmem:s12+$0x50]  }
0xfc: {  	v0 =	vld [tilespmem:s12+$0x60]  }
0xfd: {  	v7 =	vld.idx.msk [tilespmem:v3+s8+$0x0], $0xffff  }
0xfe: {  	v5 =	vld.idx.msk [tilespmem:v5+s8+$0x0], $0xffff  }
0xff: {  	s13 =	simm.s32 $0x0;
	v3 =	vld.idx.msk [tilespmem:v8+s8+$0x0], $0xffff  }
.LBB2_10:
0x100: {  	s13 =	sadd.s32 $0x8, s13;
	v6 =	vld.idx.msk [tilespmem:v6+s8+$0x0], $0xffff  }
0x101: {  	s11 =	sadd.s32 $0x400, s11;
	s14 =	sshll.u32 s13, $0x4;
	p0 =	slt.u32 s13, $0x7F8;
	v4 =	vld.idx.msk [tilespmem:v4+s8+$0x0], $0xffff  }
0x102: {  	s15 =	sand.u32 $0x1C00, s11;
	s17 =	sshll.u32 s13, $0x1;
	s14 =	sand.u32 $0x6000, s14;
	v2 =	vld.idx.msk [tilespmem:v2+s8+$0x0], $0xffff  }
0x103: {  	s14 =	sor.u32 s15, s14;
	s15 =	sand.u32 $0x380, s17;
	v1 =	vld.idx.msk [tilespmem:v1+s8+$0x0], $0xffff;
	[tilespmem:s12+$0xC070] =	vst v7  }
0x104: {  	s14 =	sor.u32 s15, s14;
	[tilespmem:s12+$0xC000] =	vst v5;
	v0 =	vld.idx.msk [tilespmem:v0+s8+$0x0], $0xffff  }
0x105: {  	v5 =	vld [tilespmem:s14+$0x70];
	[tilespmem:s12+$0xC010] =	vst v3  }
0x106: {  	v3 =	vld [tilespmem:s14+$0x0];
	[tilespmem:s12+$0xC020] =	vst v6  }
0x107: {  	v8 =	vld [tilespmem:s14+$0x10];
	[tilespmem:s12+$0xC030] =	vst v4  }
0x108: {  	v6 =	vld [tilespmem:s14+$0x20];
	[tilespmem:s12+$0xC040] =	vst v2  }
0x109: {  	v4 =	vld [tilespmem:s14+$0x30];
	[tilespmem:s12+$0xC050] =	vst v1  }
0x10a: {  	v2 =	vld [tilespmem:s14+$0x40];
	[tilespmem:s12+$0xC060] =	vst v0;
	s12 =	smov.u32 s14  }
.Ltmp4:
0x10b: {  	v1 =	vld [tilespmem:s12+$0x50];
	(pc) =	sbr.rel @p0 .LBB2_10-.Ltmp4, $4  }
0x10c: {  	v0 =	vld [tilespmem:s12+$0x60]  }
0x10d: {  	v7 =	vld.idx.msk [tilespmem:v5+s8+$0x0], $0xffff  }
0x10e: {  	v5 =	vld.idx.msk [tilespmem:v3+s8+$0x0], $0xffff  }
0x10f: {  	v3 =	vld.idx.msk [tilespmem:v8+s8+$0x0], $0xffff  }
0x110: {  	_ =	sdelay $0x3  }
0x111: {  	v6 =	vld.idx.msk [tilespmem:v6+s8+$0x0], $0xffff  }
0x112: {  	v4 =	vld.idx.msk [tilespmem:v4+s8+$0x0], $0xffff  }
0x113: {  	v2 =	vld.idx.msk [tilespmem:v2+s8+$0x0], $0xffff;
	[tilespmem:s12+$0xC070] =	vst v7  }
0x114: {  	v1 =	vld.idx.msk [tilespmem:v1+s8+$0x0], $0xffff;
	[tilespmem:s12+$0xC000] =	vst v5  }
0x115: {  	v0 =	vld.idx.msk [tilespmem:v0+s8+$0x0], $0xffff;
	[tilespmem:s12+$0xC010] =	vst v3  }
0x116: {  	[tilespmem:s12+$0xC020] =	vst v6  }
0x117: {  	[tilespmem:s12+$0xC030] =	vst v4  }
0x118: {  	[tilespmem:s12+$0xC040] =	vst v2  }
0x119: {  	[tilespmem:s12+$0xC050] =	vst v1  }
0x11a: {  	s11 =	simm.s32 $0x0;
	[tilespmem:s12+$0xC060] =	vst v0  }
0x11b: {  	[hbm4b:s1+s11] =	stream.linear.scatter [tilespmem:s9], [sflag:$0x1], $0x8000, $0x38;
	[tilespmem:$0x14000] =	vst v63  }
0x11c: {  	_ =	swait.ge [sflag:s5], $0x8000  }
0x11d: {  	s15 =	simm.s32 $0x0;
	[sflag:s5] =	ssyncset.done $0x0  }
0x11e: {  	s13 =	sand.u32 $0x1C00, s11;
	s14 =	rddreg [dreg:$0xe];
	[sflag:s5] =	ssyncadd.s32 $0xFFFF8000  }
0x11f: {  	[tilespmem:s8], [sflag:$0x1] =	stream.strided.gather [hbm4b:s14+s6], $0x4000, s7, s6, $0x38;
	[tilespmem:$0x14000] =	vst v63  }
0x120: {  	s12 =	sand.u32 $0x6000, s15;
	s14 =	simm.s32 $0x0;
	_ =	swait.ge [sflag:s5], $0x4000  }
0x121: {  	s12 =	sor.u32 s13, s12;
	s17 =	sand.u32 $0x380, s14;
	[sflag:s5] =	ssyncset.done $0x0  }
0x122: {  	s12 =	sor.u32 s17, s12;
	[sflag:s5] =	ssyncadd.s32 $0xFFFFC000  }
0x123: {  	v3 =	vld [tilespmem:s12+$0x70]  }
0x124: {  	v5 =	vld [tilespmem:s12+$0x0]  }
0x125: {  	v8 =	vld [tilespmem:s12+$0x10]  }
0x126: {  	v6 =	vld [tilespmem:s12+$0x20]  }
0x127: {  	v4 =	vld [tilespmem:s12+$0x30]  }
0x128: {  	v2 =	vld [tilespmem:s12+$0x40]  }
0x129: {  	v1 =	vld [tilespmem:s12+$0x50]  }
0x12a: {  	v0 =	vld [tilespmem:s12+$0x60]  }
0x12b: {  	v7 =	vld.idx.msk [tilespmem:v3+s8+$0x0], $0xffff  }
0x12c: {  	v5 =	vld.idx.msk [tilespmem:v5+s8+$0x0], $0xffff  }
0x12d: {  	s13 =	simm.s32 $0x0;
	v3 =	vld.idx.msk [tilespmem:v8+s8+$0x0], $0xffff  }
.LBB2_12:
0x12e: {  	s13 =	sadd.s32 $0x8, s13;
	v6 =	vld.idx.msk [tilespmem:v6+s8+$0x0], $0xffff  }
0x12f: {  	s11 =	sadd.s32 $0x400, s11;
	s14 =	sshll.u32 s13, $0x4;
	p0 =	slt.u32 s13, $0x7F8;
	v4 =	vld.idx.msk [tilespmem:v4+s8+$0x0], $0xffff  }
0x130: {  	s15 =	sand.u32 $0x1C00, s11;
	s17 =	sshll.u32 s13, $0x1;
	s14 =	sand.u32 $0x6000, s14;
	v2 =	vld.idx.msk [tilespmem:v2+s8+$0x0], $0xffff  }
0x131: {  	s14 =	sor.u32 s15, s14;
	s15 =	sand.u32 $0x380, s17;
	v1 =	vld.idx.msk [tilespmem:v1+s8+$0x0], $0xffff;
	[tilespmem:s12+$0xC070] =	vst v7  }
0x132: {  	s14 =	sor.u32 s15, s14;
	[tilespmem:s12+$0xC000] =	vst v5;
	v0 =	vld.idx.msk [tilespmem:v0+s8+$0x0], $0xffff  }
0x133: {  	v5 =	vld [tilespmem:s14+$0x70];
	[tilespmem:s12+$0xC010] =	vst v3  }
0x134: {  	v3 =	vld [tilespmem:s14+$0x0];
	[tilespmem:s12+$0xC020] =	vst v6  }
0x135: {  	v8 =	vld [tilespmem:s14+$0x10];
	[tilespmem:s12+$0xC030] =	vst v4  }
0x136: {  	v6 =	vld [tilespmem:s14+$0x20];
	[tilespmem:s12+$0xC040] =	vst v2  }
0x137: {  	v4 =	vld [tilespmem:s14+$0x30];
	[tilespmem:s12+$0xC050] =	vst v1  }
0x138: {  	v2 =	vld [tilespmem:s14+$0x40];
	[tilespmem:s12+$0xC060] =	vst v0;
	s12 =	smov.u32 s14  }
.Ltmp5:
0x139: {  	v1 =	vld [tilespmem:s12+$0x50];
	(pc) =	sbr.rel @p0 .LBB2_12-.Ltmp5, $4  }
0x13a: {  	v0 =	vld [tilespmem:s12+$0x60]  }
0x13b: {  	v7 =	vld.idx.msk [tilespmem:v5+s8+$0x0], $0xffff  }
0x13c: {  	v5 =	vld.idx.msk [tilespmem:v3+s8+$0x0], $0xffff  }
0x13d: {  	v3 =	vld.idx.msk [tilespmem:v8+s8+$0x0], $0xffff  }
0x13e: {  	_ =	sdelay $0x3  }
0x13f: {  	v6 =	vld.idx.msk [tilespmem:v6+s8+$0x0], $0xffff  }
0x140: {  	v4 =	vld.idx.msk [tilespmem:v4+s8+$0x0], $0xffff  }
0x141: {  	v2 =	vld.idx.msk [tilespmem:v2+s8+$0x0], $0xffff;
	[tilespmem:s12+$0xC070] =	vst v7  }
0x142: {  	v1 =	vld.idx.msk [tilespmem:v1+s8+$0x0], $0xffff;
	[tilespmem:s12+$0xC000] =	vst v5  }
0x143: {  	v0 =	vld.idx.msk [tilespmem:v0+s8+$0x0], $0xffff;
	[tilespmem:s12+$0xC010] =	vst v3  }
0x144: {  	[tilespmem:s12+$0xC020] =	vst v6  }
0x145: {  	[tilespmem:s12+$0xC030] =	vst v4  }
0x146: {  	[tilespmem:s12+$0xC040] =	vst v2  }
0x147: {  	[tilespmem:s12+$0xC050] =	vst v1  }
0x148: {  	s11 =	simm.s32 $0x0;
	[tilespmem:s12+$0xC060] =	vst v0  }
0x149: {  	[hbm4b:s2+s11] =	stream.linear.scatter [tilespmem:s9], [sflag:$0x1], $0x8000, $0x38;
	[tilespmem:$0x14000] =	vst v63  }
0x14a: {  	_ =	swait.ge [sflag:s5], $0x8000  }
0x14b: {  	s15 =	simm.s32 $0x0;
	[sflag:s5] =	ssyncset.done $0x0  }
0x14c: {  	s13 =	sand.u32 $0x1C00, s11;
	s14 =	rddreg [dreg:$0x10];
	[sflag:s5] =	ssyncadd.s32 $0xFFFF8000  }
0x14d: {  	[tilespmem:s8], [sflag:$0x1] =	stream.strided.gather [hbm4b:s14+s6], $0x4000, s7, s6, $0x38;
	[tilespmem:$0x14000] =	vst v63  }
0x14e: {  	s12 =	sand.u32 $0x6000, s15;
	s14 =	simm.s32 $0x0;
	_ =	swait.ge [sflag:s5], $0x4000  }
0x14f: {  	s12 =	sor.u32 s13, s12;
	s17 =	sand.u32 $0x380, s14;
	[sflag:s5] =	ssyncset.done $0x0  }
0x150: {  	s12 =	sor.u32 s17, s12;
	[sflag:s5] =	ssyncadd.s32 $0xFFFFC000  }
0x151: {  	v3 =	vld [tilespmem:s12+$0x70]  }
0x152: {  	v5 =	vld [tilespmem:s12+$0x0]  }
0x153: {  	v8 =	vld [tilespmem:s12+$0x10]  }
0x154: {  	v6 =	vld [tilespmem:s12+$0x20]  }
0x155: {  	v4 =	vld [tilespmem:s12+$0x30]  }
0x156: {  	v2 =	vld [tilespmem:s12+$0x40]  }
0x157: {  	v1 =	vld [tilespmem:s12+$0x50]  }
0x158: {  	v0 =	vld [tilespmem:s12+$0x60]  }
0x159: {  	v7 =	vld.idx.msk [tilespmem:v3+s8+$0x0], $0xffff  }
0x15a: {  	v5 =	vld.idx.msk [tilespmem:v5+s8+$0x0], $0xffff  }
0x15b: {  	s13 =	simm.s32 $0x0;
	v3 =	vld.idx.msk [tilespmem:v8+s8+$0x0], $0xffff  }
.LBB2_14:
0x15c: {  	s13 =	sadd.s32 $0x8, s13;
	v6 =	vld.idx.msk [tilespmem:v6+s8+$0x0], $0xffff  }
0x15d: {  	s11 =	sadd.s32 $0x400, s11;
	s14 =	sshll.u32 s13, $0x4;
	p0 =	slt.u32 s13, $0x7F8;
	v4 =	vld.idx.msk [tilespmem:v4+s8+$0x0], $0xffff  }
0x15e: {  	s15 =	sand.u32 $0x1C00, s11;
	s17 =	sshll.u32 s13, $0x1;
	s14 =	sand.u32 $0x6000, s14;
	v2 =	vld.idx.msk [tilespmem:v2+s8+$0x0], $0xffff  }
0x15f: {  	s14 =	sor.u32 s15, s14;
	s15 =	sand.u32 $0x380, s17;
	v1 =	vld.idx.msk [tilespmem:v1+s8+$0x0], $0xffff;
	[tilespmem:s12+$0xC070] =	vst v7  }
0x160: {  	s14 =	sor.u32 s15, s14;
	[tilespmem:s12+$0xC000] =	vst v5;
	v0 =	vld.idx.msk [tilespmem:v0+s8+$0x0], $0xffff  }
0x161: {  	v5 =	vld [tilespmem:s14+$0x70];
	[tilespmem:s12+$0xC010] =	vst v3  }
0x162: {  	v3 =	vld [tilespmem:s14+$0x0];
	[tilespmem:s12+$0xC020] =	vst v6  }
0x163: {  	v8 =	vld [tilespmem:s14+$0x10];
	[tilespmem:s12+$0xC030] =	vst v4  }
0x164: {  	v6 =	vld [tilespmem:s14+$0x20];
	[tilespmem:s12+$0xC040] =	vst v2  }
0x165: {  	v4 =	vld [tilespmem:s14+$0x30];
	[tilespmem:s12+$0xC050] =	vst v1  }
0x166: {  	v2 =	vld [tilespmem:s14+$0x40];
	[tilespmem:s12+$0xC060] =	vst v0;
	s12 =	smov.u32 s14  }
.Ltmp6:
0x167: {  	v1 =	vld [tilespmem:s12+$0x50];
	(pc) =	sbr.rel @p0 .LBB2_14-.Ltmp6, $4  }
0x168: {  	v0 =	vld [tilespmem:s12+$0x60]  }
0x169: {  	v7 =	vld.idx.msk [tilespmem:v5+s8+$0x0], $0xffff  }
0x16a: {  	v5 =	vld.idx.msk [tilespmem:v3+s8+$0x0], $0xffff  }
0x16b: {  	v3 =	vld.idx.msk [tilespmem:v8+s8+$0x0], $0xffff  }
0x16c: {  	_ =	sdelay $0x3  }
0x16d: {  	v6 =	vld.idx.msk [tilespmem:v6+s8+$0x0], $0xffff  }
0x16e: {  	v4 =	vld.idx.msk [tilespmem:v4+s8+$0x0], $0xffff  }
0x16f: {  	v2 =	vld.idx.msk [tilespmem:v2+s8+$0x0], $0xffff;
	[tilespmem:s12+$0xC070] =	vst v7  }
0x170: {  	v1 =	vld.idx.msk [tilespmem:v1+s8+$0x0], $0xffff;
	[tilespmem:s12+$0xC000] =	vst v5  }
0x171: {  	v0 =	vld.idx.msk [tilespmem:v0+s8+$0x0], $0xffff;
	[tilespmem:s12+$0xC010] =	vst v3  }
0x172: {  	[tilespmem:s12+$0xC020] =	vst v6  }
0x173: {  	[tilespmem:s12+$0xC030] =	vst v4  }
0x174: {  	[tilespmem:s12+$0xC040] =	vst v2  }
0x175: {  	[tilespmem:s12+$0xC050] =	vst v1  }
0x176: {  	s11 =	simm.s32 $0x0;
	[tilespmem:s12+$0xC060] =	vst v0  }
0x177: {  	[hbm4b:s3+s11] =	stream.linear.scatter [tilespmem:s9], [sflag:$0x1], $0x8000, $0x38;
	[tilespmem:$0x14000] =	vst v63  }
0x178: {  	_ =	swait.ge [sflag:s5], $0x8000  }
0x179: {  	s15 =	simm.s32 $0x0;
	[sflag:s5] =	ssyncset.done $0x0  }
0x17a: {  	s13 =	sand.u32 $0x1C00, s11;
	s14 =	rddreg [dreg:$0x13];
	[sflag:s5] =	ssyncadd.s32 $0xFFFF8000  }
0x17b: {  	[tilespmem:s8], [sflag:$0x1] =	stream.strided.gather [hbm4b:s14+s6], $0x4000, s7, s6, $0x38;
	[tilespmem:$0x14000] =	vst v63  }
0x17c: {  	s12 =	sand.u32 $0x6000, s15;
	s14 =	simm.s32 $0x0;
	_ =	swait.ge [sflag:s5], $0x4000  }
0x17d: {  	s12 =	sor.u32 s13, s12;
	s17 =	sand.u32 $0x380, s14;
	[sflag:s5] =	ssyncset.done $0x0  }
0x17e: {  	s12 =	sor.u32 s17, s12;
	[sflag:s5] =	ssyncadd.s32 $0xFFFFC000  }
0x17f: {  	v3 =	vld [tilespmem:s12+$0x70]  }
0x180: {  	v5 =	vld [tilespmem:s12+$0x0]  }
0x181: {  	v8 =	vld [tilespmem:s12+$0x10]  }
0x182: {  	v6 =	vld [tilespmem:s12+$0x20]  }
0x183: {  	v4 =	vld [tilespmem:s12+$0x30]  }
0x184: {  	v2 =	vld [tilespmem:s12+$0x40]  }
0x185: {  	v1 =	vld [tilespmem:s12+$0x50]  }
0x186: {  	v0 =	vld [tilespmem:s12+$0x60]  }
0x187: {  	v7 =	vld.idx.msk [tilespmem:v3+s8+$0x0], $0xffff  }
0x188: {  	v5 =	vld.idx.msk [tilespmem:v5+s8+$0x0], $0xffff  }
0x189: {  	s13 =	simm.s32 $0x0;
	v3 =	vld.idx.msk [tilespmem:v8+s8+$0x0], $0xffff  }
.LBB2_16:
0x18a: {  	s13 =	sadd.s32 $0x8, s13;
	v6 =	vld.idx.msk [tilespmem:v6+s8+$0x0], $0xffff  }
0x18b: {  	s11 =	sadd.s32 $0x400, s11;
	s14 =	sshll.u32 s13, $0x4;
	p0 =	slt.u32 s13, $0x7F8;
	v4 =	vld.idx.msk [tilespmem:v4+s8+$0x0], $0xffff  }
0x18c: {  	s15 =	sand.u32 $0x1C00, s11;
	s17 =	sshll.u32 s13, $0x1;
	s14 =	sand.u32 $0x6000, s14;
	v2 =	vld.idx.msk [tilespmem:v2+s8+$0x0], $0xffff  }
0x18d: {  	s14 =	sor.u32 s15, s14;
	s15 =	sand.u32 $0x380, s17;
	v1 =	vld.idx.msk [tilespmem:v1+s8+$0x0], $0xffff;
	[tilespmem:s12+$0xC070] =	vst v7  }
0x18e: {  	s14 =	sor.u32 s15, s14;
	[tilespmem:s12+$0xC000] =	vst v5;
	v0 =	vld.idx.msk [tilespmem:v0+s8+$0x0], $0xffff  }
0x18f: {  	v5 =	vld [tilespmem:s14+$0x70];
	[tilespmem:s12+$0xC010] =	vst v3  }
0x190: {  	v3 =	vld [tilespmem:s14+$0x0];
	[tilespmem:s12+$0xC020] =	vst v6  }
0x191: {  	v8 =	vld [tilespmem:s14+$0x10];
	[tilespmem:s12+$0xC030] =	vst v4  }
0x192: {  	v6 =	vld [tilespmem:s14+$0x20];
	[tilespmem:s12+$0xC040] =	vst v2  }
0x193: {  	v4 =	vld [tilespmem:s14+$0x30];
	[tilespmem:s12+$0xC050] =	vst v1  }
0x194: {  	v2 =	vld [tilespmem:s14+$0x40];
	[tilespmem:s12+$0xC060] =	vst v0;
	s12 =	smov.u32 s14  }
.Ltmp7:
0x195: {  	v1 =	vld [tilespmem:s12+$0x50];
	(pc) =	sbr.rel @p0 .LBB2_16-.Ltmp7, $4  }
0x196: {  	v0 =	vld [tilespmem:s12+$0x60]  }
0x197: {  	v7 =	vld.idx.msk [tilespmem:v5+s8+$0x0], $0xffff  }
0x198: {  	v5 =	vld.idx.msk [tilespmem:v3+s8+$0x0], $0xffff  }
0x199: {  	v3 =	vld.idx.msk [tilespmem:v8+s8+$0x0], $0xffff  }
0x19a: {  	_ =	sdelay $0x3  }
0x19b: {  	v6 =	vld.idx.msk [tilespmem:v6+s8+$0x0], $0xffff  }
0x19c: {  	v4 =	vld.idx.msk [tilespmem:v4+s8+$0x0], $0xffff  }
0x19d: {  	v2 =	vld.idx.msk [tilespmem:v2+s8+$0x0], $0xffff;
	[tilespmem:s12+$0xC070] =	vst v7  }
0x19e: {  	v1 =	vld.idx.msk [tilespmem:v1+s8+$0x0], $0xffff;
	[tilespmem:s12+$0xC000] =	vst v5  }
0x19f: {  	v0 =	vld.idx.msk [tilespmem:v0+s8+$0x0], $0xffff;
	[tilespmem:s12+$0xC010] =	vst v3  }
0x1a0: {  	[tilespmem:s12+$0xC020] =	vst v6  }
0x1a1: {  	[tilespmem:s12+$0xC030] =	vst v4  }
0x1a2: {  	[tilespmem:s12+$0xC040] =	vst v2  }
0x1a3: {  	[tilespmem:s12+$0xC050] =	vst v1  }
0x1a4: {  	s11 =	simm.s32 $0x0;
	[tilespmem:s12+$0xC060] =	vst v0  }
0x1a5: {  	[hbm4b:s4+s11] =	stream.linear.scatter [tilespmem:s9], [sflag:$0x1], $0x8000, $0x38;
	[tilespmem:$0x14000] =	vst v63  }
0x1a6: {  	_ =	swait.ge [sflag:s5], $0x8000  }
0x1a7: {  	s15 =	simm.s32 $0x0;
	[sflag:s5] =	ssyncset.done $0x0  }
0x1a8: {  	s13 =	sand.u32 $0x1C00, s11;
	s14 =	rddreg [dreg:$0x11];
	[sflag:s5] =	ssyncadd.s32 $0xFFFF8000  }
0x1a9: {  	[tilespmem:s8], [sflag:$0x1] =	stream.strided.gather [hbm4b:s14+s6], $0x4000, s7, s6, $0x38;
	[tilespmem:$0x14000] =	vst v63  }
0x1aa: {  	s12 =	sand.u32 $0x6000, s15;
	s14 =	simm.s32 $0x0;
	_ =	swait.ge [sflag:s5], $0x4000  }
0x1ab: {  	s12 =	sor.u32 s13, s12;
	s17 =	sand.u32 $0x380, s14;
	[sflag:s5] =	ssyncset.done $0x0  }
0x1ac: {  	s12 =	sor.u32 s17, s12;
	[sflag:s5] =	ssyncadd.s32 $0xFFFFC000  }
0x1ad: {  	v3 =	vld [tilespmem:s12+$0x70]  }
0x1ae: {  	v5 =	vld [tilespmem:s12+$0x0]  }
0x1af: {  	v8 =	vld [tilespmem:s12+$0x10]  }
0x1b0: {  	v6 =	vld [tilespmem:s12+$0x20]  }
0x1b1: {  	v4 =	vld [tilespmem:s12+$0x30]  }
0x1b2: {  	v2 =	vld [tilespmem:s12+$0x40]  }
0x1b3: {  	v1 =	vld [tilespmem:s12+$0x50]  }
0x1b4: {  	v0 =	vld [tilespmem:s12+$0x60]  }
0x1b5: {  	v7 =	vld.idx.msk [tilespmem:v3+s8+$0x0], $0xffff  }
0x1b6: {  	v5 =	vld.idx.msk [tilespmem:v5+s8+$0x0], $0xffff  }
0x1b7: {  	s13 =	simm.s32 $0x0;
	v3 =	vld.idx.msk [tilespmem:v8+s8+$0x0], $0xffff  }
.LBB2_18:
0x1b8: {  	s13 =	sadd.s32 $0x8, s13;
	v6 =	vld.idx.msk [tilespmem:v6+s8+$0x0], $0xffff  }
0x1b9: {  	s11 =	sadd.s32 $0x400, s11;
	s14 =	sshll.u32 s13, $0x4;
	p0 =	slt.u32 s13, $0x7F8;
	v4 =	vld.idx.msk [tilespmem:v4+s8+$0x0], $0xffff  }
0x1ba: {  	s15 =	sand.u32 $0x1C00, s11;
	s17 =	sshll.u32 s13, $0x1;
	s14 =	sand.u32 $0x6000, s14;
	v2 =	vld.idx.msk [tilespmem:v2+s8+$0x0], $0xffff  }
0x1bb: {  	s14 =	sor.u32 s15, s14;
	s15 =	sand.u32 $0x380, s17;
	v1 =	vld.idx.msk [tilespmem:v1+s8+$0x0], $0xffff;
	[tilespmem:s12+$0xC070] =	vst v7  }
0x1bc: {  	s14 =	sor.u32 s15, s14;
	[tilespmem:s12+$0xC000] =	vst v5;
	v0 =	vld.idx.msk [tilespmem:v0+s8+$0x0], $0xffff  }
0x1bd: {  	v5 =	vld [tilespmem:s14+$0x70];
	[tilespmem:s12+$0xC010] =	vst v3  }
0x1be: {  	v3 =	vld [tilespmem:s14+$0x0];
	[tilespmem:s12+$0xC020] =	vst v6  }
0x1bf: {  	v8 =	vld [tilespmem:s14+$0x10];
	[tilespmem:s12+$0xC030] =	vst v4  }
0x1c0: {  	v6 =	vld [tilespmem:s14+$0x20];
	[tilespmem:s12+$0xC040] =	vst v2  }
0x1c1: {  	v4 =	vld [tilespmem:s14+$0x30];
	[tilespmem:s12+$0xC050] =	vst v1  }
0x1c2: {  	v2 =	vld [tilespmem:s14+$0x40];
	[tilespmem:s12+$0xC060] =	vst v0;
	s12 =	smov.u32 s14  }
.Ltmp8:
0x1c3: {  	v1 =	vld [tilespmem:s12+$0x50];
	(pc) =	sbr.rel @p0 .LBB2_18-.Ltmp8, $4  }
0x1c4: {  	v0 =	vld [tilespmem:s12+$0x60]  }
0x1c5: {  	v7 =	vld.idx.msk [tilespmem:v5+s8+$0x0], $0xffff  }
0x1c6: {  	v5 =	vld.idx.msk [tilespmem:v3+s8+$0x0], $0xffff  }
0x1c7: {  	v3 =	vld.idx.msk [tilespmem:v8+s8+$0x0], $0xffff  }
0x1c8: {  	_ =	sdelay $0x3  }
0x1c9: {  	v6 =	vld.idx.msk [tilespmem:v6+s8+$0x0], $0xffff  }
0x1ca: {  	v4 =	vld.idx.msk [tilespmem:v4+s8+$0x0], $0xffff  }
0x1cb: {  	v2 =	vld.idx.msk [tilespmem:v2+s8+$0x0], $0xffff;
	[tilespmem:s12+$0xC070] =	vst v7  }
0x1cc: {  	v1 =	vld.idx.msk [tilespmem:v1+s8+$0x0], $0xffff;
	[tilespmem:s12+$0xC000] =	vst v5  }
0x1cd: {  	v0 =	vld.idx.msk [tilespmem:v0+s8+$0x0], $0xffff;
	[tilespmem:s12+$0xC010] =	vst v3  }
0x1ce: {  	[tilespmem:s12+$0xC020] =	vst v6  }
0x1cf: {  	[tilespmem:s12+$0xC030] =	vst v4  }
0x1d0: {  	[tilespmem:s12+$0xC040] =	vst v2  }
0x1d1: {  	[tilespmem:s12+$0xC050] =	vst v1  }
0x1d2: {  	s11 =	simm.s32 $0x0;
	[tilespmem:s12+$0xC060] =	vst v0  }
0x1d3: {  	[hbm4b:s20+s11] =	stream.linear.scatter [tilespmem:s9], [sflag:$0x1], $0x8000, $0x38;
	[tilespmem:$0x14000] =	vst v63  }
0x1d4: {  	_ =	swait.ge [sflag:s5], $0x8000  }
0x1d5: {  	s15 =	simm.s32 $0x0;
	[sflag:s5] =	ssyncset.done $0x0  }
0x1d6: {  	s13 =	sand.u32 $0x1C00, s11;
	s14 =	rddreg [dreg:$0x7];
	[sflag:s5] =	ssyncadd.s32 $0xFFFF8000  }
0x1d7: {  	[tilespmem:s8], [sflag:$0x1] =	stream.strided.gather [hbm4b:s14+s6], $0x4000, s7, s6, $0x38;
	[tilespmem:$0x14000] =	vst v63  }
0x1d8: {  	s12 =	sand.u32 $0x6000, s15;
	s14 =	simm.s32 $0x0;
	_ =	swait.ge [sflag:s5], $0x4000  }
0x1d9: {  	s12 =	sor.u32 s13, s12;
	s17 =	sand.u32 $0x380, s14;
	[sflag:s5] =	ssyncset.done $0x0  }
0x1da: {  	s12 =	sor.u32 s17, s12;
	[sflag:s5] =	ssyncadd.s32 $0xFFFFC000  }
0x1db: {  	v3 =	vld [tilespmem:s12+$0x70]  }
0x1dc: {  	v5 =	vld [tilespmem:s12+$0x0]  }
0x1dd: {  	v8 =	vld [tilespmem:s12+$0x10]  }
0x1de: {  	v6 =	vld [tilespmem:s12+$0x20]  }
0x1df: {  	v4 =	vld [tilespmem:s12+$0x30]  }
0x1e0: {  	v2 =	vld [tilespmem:s12+$0x40]  }
0x1e1: {  	v1 =	vld [tilespmem:s12+$0x50]  }
0x1e2: {  	v0 =	vld [tilespmem:s12+$0x60]  }
0x1e3: {  	v7 =	vld.idx.msk [tilespmem:v3+s8+$0x0], $0xffff  }
0x1e4: {  	v5 =	vld.idx.msk [tilespmem:v5+s8+$0x0], $0xffff  }
0x1e5: {  	s13 =	simm.s32 $0x0;
	v3 =	vld.idx.msk [tilespmem:v8+s8+$0x0], $0xffff  }
.LBB2_20:
0x1e6: {  	s13 =	sadd.s32 $0x8, s13;
	v6 =	vld.idx.msk [tilespmem:v6+s8+$0x0], $0xffff  }
0x1e7: {  	s11 =	sadd.s32 $0x400, s11;
	s14 =	sshll.u32 s13, $0x4;
	p0 =	slt.u32 s13, $0x7F8;
	v4 =	vld.idx.msk [tilespmem:v4+s8+$0x0], $0xffff  }
0x1e8: {  	s15 =	sand.u32 $0x1C00, s11;
	s17 =	sshll.u32 s13, $0x1;
	s14 =	sand.u32 $0x6000, s14;
	v2 =	vld.idx.msk [tilespmem:v2+s8+$0x0], $0xffff  }
0x1e9: {  	s14 =	sor.u32 s15, s14;
	s15 =	sand.u32 $0x380, s17;
	v1 =	vld.idx.msk [tilespmem:v1+s8+$0x0], $0xffff;
	[tilespmem:s12+$0xC070] =	vst v7  }
0x1ea: {  	s14 =	sor.u32 s15, s14;
	[tilespmem:s12+$0xC000] =	vst v5;
	v0 =	vld.idx.msk [tilespmem:v0+s8+$0x0], $0xffff  }
0x1eb: {  	v5 =	vld [tilespmem:s14+$0x70];
	[tilespmem:s12+$0xC010] =	vst v3  }
0x1ec: {  	v3 =	vld [tilespmem:s14+$0x0];
	[tilespmem:s12+$0xC020] =	vst v6  }
0x1ed: {  	v8 =	vld [tilespmem:s14+$0x10];
	[tilespmem:s12+$0xC030] =	vst v4  }
0x1ee: {  	v6 =	vld [tilespmem:s14+$0x20];
	[tilespmem:s12+$0xC040] =	vst v2  }
0x1ef: {  	v4 =	vld [tilespmem:s14+$0x30];
	[tilespmem:s12+$0xC050] =	vst v1  }
0x1f0: {  	v2 =	vld [tilespmem:s14+$0x40];
	[tilespmem:s12+$0xC060] =	vst v0;
	s12 =	smov.u32 s14  }
.Ltmp9:
0x1f1: {  	v1 =	vld [tilespmem:s12+$0x50];
	(pc) =	sbr.rel @p0 .LBB2_20-.Ltmp9, $4  }
0x1f2: {  	v0 =	vld [tilespmem:s12+$0x60]  }
0x1f3: {  	v7 =	vld.idx.msk [tilespmem:v5+s8+$0x0], $0xffff  }
0x1f4: {  	v5 =	vld.idx.msk [tilespmem:v3+s8+$0x0], $0xffff  }
0x1f5: {  	v3 =	vld.idx.msk [tilespmem:v8+s8+$0x0], $0xffff  }
0x1f6: {  	_ =	sdelay $0x3  }
0x1f7: {  	v6 =	vld.idx.msk [tilespmem:v6+s8+$0x0], $0xffff  }
0x1f8: {  	v4 =	vld.idx.msk [tilespmem:v4+s8+$0x0], $0xffff  }
0x1f9: {  	v2 =	vld.idx.msk [tilespmem:v2+s8+$0x0], $0xffff;
	[tilespmem:s12+$0xC070] =	vst v7  }
0x1fa: {  	v1 =	vld.idx.msk [tilespmem:v1+s8+$0x0], $0xffff;
	[tilespmem:s12+$0xC000] =	vst v5  }
0x1fb: {  	v0 =	vld.idx.msk [tilespmem:v0+s8+$0x0], $0xffff;
	[tilespmem:s12+$0xC010] =	vst v3  }
0x1fc: {  	[tilespmem:s12+$0xC020] =	vst v6  }
0x1fd: {  	[tilespmem:s12+$0xC030] =	vst v4  }
0x1fe: {  	[tilespmem:s12+$0xC040] =	vst v2  }
0x1ff: {  	[tilespmem:s12+$0xC050] =	vst v1  }
0x200: {  	s11 =	simm.s32 $0x0;
	[tilespmem:s12+$0xC060] =	vst v0  }
0x201: {  	[hbm4b:s21+s11] =	stream.linear.scatter [tilespmem:s9], [sflag:$0x1], $0x8000, $0x38;
	[tilespmem:$0x14000] =	vst v63  }
0x202: {  	_ =	swait.ge [sflag:s5], $0x8000  }
0x203: {  	s15 =	simm.s32 $0x0;
	[sflag:s5] =	ssyncset.done $0x0  }
0x204: {  	s13 =	sand.u32 $0x1C00, s11;
	s14 =	rddreg [dreg:$0x8];
	[sflag:s5] =	ssyncadd.s32 $0xFFFF8000  }
0x205: {  	[tilespmem:s8], [sflag:$0x1] =	stream.strided.gather [hbm4b:s14+s6], $0x4000, s7, s6, $0x38;
	[tilespmem:$0x14000] =	vst v63  }
0x206: {  	s12 =	sand.u32 $0x6000, s15;
	s14 =	simm.s32 $0x0;
	_ =	swait.ge [sflag:s5], $0x4000  }
0x207: {  	s12 =	sor.u32 s13, s12;
	s17 =	sand.u32 $0x380, s14;
	[sflag:s5] =	ssyncset.done $0x0  }
0x208: {  	s12 =	sor.u32 s17, s12;
	[sflag:s5] =	ssyncadd.s32 $0xFFFFC000  }
0x209: {  	v3 =	vld [tilespmem:s12+$0x70]  }
0x20a: {  	v5 =	vld [tilespmem:s12+$0x0]  }
0x20b: {  	v8 =	vld [tilespmem:s12+$0x10]  }
0x20c: {  	v6 =	vld [tilespmem:s12+$0x20]  }
0x20d: {  	v4 =	vld [tilespmem:s12+$0x30]  }
0x20e: {  	v2 =	vld [tilespmem:s12+$0x40]  }
0x20f: {  	v1 =	vld [tilespmem:s12+$0x50]  }
0x210: {  	v0 =	vld [tilespmem:s12+$0x60]  }
0x211: {  	v7 =	vld.idx.msk [tilespmem:v3+s8+$0x0], $0xffff  }
0x212: {  	v5 =	vld.idx.msk [tilespmem:v5+s8+$0x0], $0xffff  }
0x213: {  	s13 =	simm.s32 $0x0;
	v3 =	vld.idx.msk [tilespmem:v8+s8+$0x0], $0xffff  }
.LBB2_22:
0x214: {  	s13 =	sadd.s32 $0x8, s13;
	v6 =	vld.idx.msk [tilespmem:v6+s8+$0x0], $0xffff  }
0x215: {  	s11 =	sadd.s32 $0x400, s11;
	s14 =	sshll.u32 s13, $0x4;
	p0 =	slt.u32 s13, $0x7F8;
	v4 =	vld.idx.msk [tilespmem:v4+s8+$0x0], $0xffff  }
0x216: {  	s15 =	sand.u32 $0x1C00, s11;
	s17 =	sshll.u32 s13, $0x1;
	s14 =	sand.u32 $0x6000, s14;
	v2 =	vld.idx.msk [tilespmem:v2+s8+$0x0], $0xffff  }
0x217: {  	s14 =	sor.u32 s15, s14;
	s15 =	sand.u32 $0x380, s17;
	v1 =	vld.idx.msk [tilespmem:v1+s8+$0x0], $0xffff;
	[tilespmem:s12+$0xC070] =	vst v7  }
0x218: {  	s14 =	sor.u32 s15, s14;
	[tilespmem:s12+$0xC000] =	vst v5;
	v0 =	vld.idx.msk [tilespmem:v0+s8+$0x0], $0xffff  }
0x219: {  	v5 =	vld [tilespmem:s14+$0x70];
	[tilespmem:s12+$0xC010] =	vst v3  }
0x21a: {  	v3 =	vld [tilespmem:s14+$0x0];
	[tilespmem:s12+$0xC020] =	vst v6  }
0x21b: {  	v8 =	vld [tilespmem:s14+$0x10];
	[tilespmem:s12+$0xC030] =	vst v4  }
0x21c: {  	v6 =	vld [tilespmem:s14+$0x20];
	[tilespmem:s12+$0xC040] =	vst v2  }
0x21d: {  	v4 =	vld [tilespmem:s14+$0x30];
	[tilespmem:s12+$0xC050] =	vst v1  }
0x21e: {  	v2 =	vld [tilespmem:s14+$0x40];
	[tilespmem:s12+$0xC060] =	vst v0;
	s12 =	smov.u32 s14  }
.Ltmp10:
0x21f: {  	v1 =	vld [tilespmem:s12+$0x50];
	(pc) =	sbr.rel @p0 .LBB2_22-.Ltmp10, $4  }
0x220: {  	v0 =	vld [tilespmem:s12+$0x60]  }
0x221: {  	v7 =	vld.idx.msk [tilespmem:v5+s8+$0x0], $0xffff  }
0x222: {  	v5 =	vld.idx.msk [tilespmem:v3+s8+$0x0], $0xffff  }
0x223: {  	v3 =	vld.idx.msk [tilespmem:v8+s8+$0x0], $0xffff  }
0x224: {  	_ =	sdelay $0x3  }
0x225: {  	v6 =	vld.idx.msk [tilespmem:v6+s8+$0x0], $0xffff  }
0x226: {  	v4 =	vld.idx.msk [tilespmem:v4+s8+$0x0], $0xffff  }
0x227: {  	v2 =	vld.idx.msk [tilespmem:v2+s8+$0x0], $0xffff;
	[tilespmem:s12+$0xC070] =	vst v7  }
0x228: {  	v1 =	vld.idx.msk [tilespmem:v1+s8+$0x0], $0xffff;
	[tilespmem:s12+$0xC000] =	vst v5  }
0x229: {  	v0 =	vld.idx.msk [tilespmem:v0+s8+$0x0], $0xffff;
	[tilespmem:s12+$0xC010] =	vst v3  }
0x22a: {  	[tilespmem:s12+$0xC020] =	vst v6  }
0x22b: {  	[tilespmem:s12+$0xC030] =	vst v4  }
0x22c: {  	[tilespmem:s12+$0xC040] =	vst v2  }
0x22d: {  	[tilespmem:s12+$0xC050] =	vst v1  }
0x22e: {  	s11 =	simm.s32 $0x0;
	[tilespmem:s12+$0xC060] =	vst v0  }
0x22f: {  	[hbm4b:s22+s11] =	stream.linear.scatter [tilespmem:s9], [sflag:$0x1], $0x8000, $0x38;
	[tilespmem:$0x14000] =	vst v63  }
0x230: {  	_ =	swait.ge [sflag:s5], $0x8000  }
0x231: {  	s15 =	simm.s32 $0x0;
	[sflag:s5] =	ssyncset.done $0x0  }
0x232: {  	s13 =	sand.u32 $0x1C00, s11;
	s14 =	rddreg [dreg:$0x9];
	[sflag:s5] =	ssyncadd.s32 $0xFFFF8000  }
0x233: {  	[tilespmem:s8], [sflag:$0x1] =	stream.strided.gather [hbm4b:s14+s6], $0x4000, s7, s6, $0x38;
	[tilespmem:$0x14000] =	vst v63  }
0x234: {  	s12 =	sand.u32 $0x6000, s15;
	s14 =	simm.s32 $0x0;
	_ =	swait.ge [sflag:s5], $0x4000  }
0x235: {  	s12 =	sor.u32 s13, s12;
	s17 =	sand.u32 $0x380, s14;
	[sflag:s5] =	ssyncset.done $0x0  }
0x236: {  	s12 =	sor.u32 s17, s12;
	[sflag:s5] =	ssyncadd.s32 $0xFFFFC000  }
0x237: {  	v3 =	vld [tilespmem:s12+$0x70]  }
0x238: {  	v5 =	vld [tilespmem:s12+$0x0]  }
0x239: {  	v8 =	vld [tilespmem:s12+$0x10]  }
0x23a: {  	v6 =	vld [tilespmem:s12+$0x20]  }
0x23b: {  	v4 =	vld [tilespmem:s12+$0x30]  }
0x23c: {  	v2 =	vld [tilespmem:s12+$0x40]  }
0x23d: {  	v1 =	vld [tilespmem:s12+$0x50]  }
0x23e: {  	v0 =	vld [tilespmem:s12+$0x60]  }
0x23f: {  	v7 =	vld.idx.msk [tilespmem:v3+s8+$0x0], $0xffff  }
0x240: {  	v5 =	vld.idx.msk [tilespmem:v5+s8+$0x0], $0xffff  }
0x241: {  	s13 =	simm.s32 $0x0;
	v3 =	vld.idx.msk [tilespmem:v8+s8+$0x0], $0xffff  }
.LBB2_24:
0x242: {  	s13 =	sadd.s32 $0x8, s13;
	v6 =	vld.idx.msk [tilespmem:v6+s8+$0x0], $0xffff  }
0x243: {  	s11 =	sadd.s32 $0x400, s11;
	s14 =	sshll.u32 s13, $0x4;
	p0 =	slt.u32 s13, $0x7F8;
	v4 =	vld.idx.msk [tilespmem:v4+s8+$0x0], $0xffff  }
0x244: {  	s15 =	sand.u32 $0x1C00, s11;
	s17 =	sshll.u32 s13, $0x1;
	s14 =	sand.u32 $0x6000, s14;
	v2 =	vld.idx.msk [tilespmem:v2+s8+$0x0], $0xffff  }
0x245: {  	s14 =	sor.u32 s15, s14;
	s15 =	sand.u32 $0x380, s17;
	v1 =	vld.idx.msk [tilespmem:v1+s8+$0x0], $0xffff;
	[tilespmem:s12+$0xC070] =	vst v7  }
0x246: {  	s14 =	sor.u32 s15, s14;
	[tilespmem:s12+$0xC000] =	vst v5;
	v0 =	vld.idx.msk [tilespmem:v0+s8+$0x0], $0xffff  }
0x247: {  	v5 =	vld [tilespmem:s14+$0x70];
	[tilespmem:s12+$0xC010] =	vst v3  }
0x248: {  	v3 =	vld [tilespmem:s14+$0x0];
	[tilespmem:s12+$0xC020] =	vst v6  }
0x249: {  	v8 =	vld [tilespmem:s14+$0x10];
	[tilespmem:s12+$0xC030] =	vst v4  }
0x24a: {  	v6 =	vld [tilespmem:s14+$0x20];
	[tilespmem:s12+$0xC040] =	vst v2  }
0x24b: {  	v4 =	vld [tilespmem:s14+$0x30];
	[tilespmem:s12+$0xC050] =	vst v1  }
0x24c: {  	v2 =	vld [tilespmem:s14+$0x40];
	[tilespmem:s12+$0xC060] =	vst v0;
	s12 =	smov.u32 s14  }
.Ltmp11:
0x24d: {  	v1 =	vld [tilespmem:s12+$0x50];
	(pc) =	sbr.rel @p0 .LBB2_24-.Ltmp11, $4  }
0x24e: {  	v0 =	vld [tilespmem:s12+$0x60]  }
0x24f: {  	v7 =	vld.idx.msk [tilespmem:v5+s8+$0x0], $0xffff  }
0x250: {  	v5 =	vld.idx.msk [tilespmem:v3+s8+$0x0], $0xffff  }
0x251: {  	v3 =	vld.idx.msk [tilespmem:v8+s8+$0x0], $0xffff  }
0x252: {  	_ =	sdelay $0x3  }
0x253: {  	v6 =	vld.idx.msk [tilespmem:v6+s8+$0x0], $0xffff  }
0x254: {  	v4 =	vld.idx.msk [tilespmem:v4+s8+$0x0], $0xffff  }
0x255: {  	v2 =	vld.idx.msk [tilespmem:v2+s8+$0x0], $0xffff;
	[tilespmem:s12+$0xC070] =	vst v7  }
0x256: {  	v1 =	vld.idx.msk [tilespmem:v1+s8+$0x0], $0xffff;
	[tilespmem:s12+$0xC000] =	vst v5  }
0x257: {  	v0 =	vld.idx.msk [tilespmem:v0+s8+$0x0], $0xffff;
	[tilespmem:s12+$0xC010] =	vst v3  }
0x258: {  	[tilespmem:s12+$0xC020] =	vst v6  }
0x259: {  	[tilespmem:s12+$0xC030] =	vst v4  }
0x25a: {  	[tilespmem:s12+$0xC040] =	vst v2  }
0x25b: {  	[tilespmem:s12+$0xC050] =	vst v1  }
0x25c: {  	s11 =	simm.s32 $0x0;
	[tilespmem:s12+$0xC060] =	vst v0  }
0x25d: {  	[hbm4b:s23+s11] =	stream.linear.scatter [tilespmem:s9], [sflag:$0x1], $0x8000, $0x38;
	[tilespmem:$0x14000] =	vst v63  }
0x25e: {  	_ =	swait.ge [sflag:s5], $0x8000  }
0x25f: {  	s15 =	simm.s32 $0x0;
	[sflag:s5] =	ssyncset.done $0x0  }
0x260: {  	s13 =	sand.u32 $0x1C00, s11;
	s14 =	rddreg [dreg:$0xb];
	[sflag:s5] =	ssyncadd.s32 $0xFFFF8000  }
0x261: {  	[tilespmem:s8], [sflag:$0x1] =	stream.strided.gather [hbm4b:s14+s6], $0x4000, s7, s6, $0x38;
	[tilespmem:$0x14000] =	vst v63  }
0x262: {  	s12 =	sand.u32 $0x6000, s15;
	s14 =	simm.s32 $0x0;
	_ =	swait.ge [sflag:s5], $0x4000  }
0x263: {  	s12 =	sor.u32 s13, s12;
	s17 =	sand.u32 $0x380, s14;
	[sflag:s5] =	ssyncset.done $0x0  }
0x264: {  	s12 =	sor.u32 s17, s12;
	[sflag:s5] =	ssyncadd.s32 $0xFFFFC000  }
0x265: {  	v3 =	vld [tilespmem:s12+$0x70]  }
0x266: {  	v5 =	vld [tilespmem:s12+$0x0]  }
0x267: {  	v8 =	vld [tilespmem:s12+$0x10]  }
0x268: {  	v6 =	vld [tilespmem:s12+$0x20]  }
0x269: {  	v4 =	vld [tilespmem:s12+$0x30]  }
0x26a: {  	v2 =	vld [tilespmem:s12+$0x40]  }
0x26b: {  	v1 =	vld [tilespmem:s12+$0x50]  }
0x26c: {  	v0 =	vld [tilespmem:s12+$0x60]  }
0x26d: {  	v7 =	vld.idx.msk [tilespmem:v3+s8+$0x0], $0xffff  }
0x26e: {  	v5 =	vld.idx.msk [tilespmem:v5+s8+$0x0], $0xffff  }
0x26f: {  	s13 =	simm.s32 $0x0;
	v3 =	vld.idx.msk [tilespmem:v8+s8+$0x0], $0xffff  }
.LBB2_26:
0x270: {  	s13 =	sadd.s32 $0x8, s13;
	v6 =	vld.idx.msk [tilespmem:v6+s8+$0x0], $0xffff  }
0x271: {  	s11 =	sadd.s32 $0x400, s11;
	s14 =	sshll.u32 s13, $0x4;
	p0 =	slt.u32 s13, $0x7F8;
	v4 =	vld.idx.msk [tilespmem:v4+s8+$0x0], $0xffff  }
0x272: {  	s15 =	sand.u32 $0x1C00, s11;
	s17 =	sshll.u32 s13, $0x1;
	s14 =	sand.u32 $0x6000, s14;
	v2 =	vld.idx.msk [tilespmem:v2+s8+$0x0], $0xffff  }
0x273: {  	s14 =	sor.u32 s15, s14;
	s15 =	sand.u32 $0x380, s17;
	v1 =	vld.idx.msk [tilespmem:v1+s8+$0x0], $0xffff;
	[tilespmem:s12+$0xC070] =	vst v7  }
0x274: {  	s14 =	sor.u32 s15, s14;
	[tilespmem:s12+$0xC000] =	vst v5;
	v0 =	vld.idx.msk [tilespmem:v0+s8+$0x0], $0xffff  }
0x275: {  	v5 =	vld [tilespmem:s14+$0x70];
	[tilespmem:s12+$0xC010] =	vst v3  }
0x276: {  	v3 =	vld [tilespmem:s14+$0x0];
	[tilespmem:s12+$0xC020] =	vst v6  }
0x277: {  	v8 =	vld [tilespmem:s14+$0x10];
	[tilespmem:s12+$0xC030] =	vst v4  }
0x278: {  	v6 =	vld [tilespmem:s14+$0x20];
	[tilespmem:s12+$0xC040] =	vst v2  }
0x279: {  	v4 =	vld [tilespmem:s14+$0x30];
	[tilespmem:s12+$0xC050] =	vst v1  }
0x27a: {  	v2 =	vld [tilespmem:s14+$0x40];
	[tilespmem:s12+$0xC060] =	vst v0;
	s12 =	smov.u32 s14  }
.Ltmp12:
0x27b: {  	v1 =	vld [tilespmem:s12+$0x50];
	(pc) =	sbr.rel @p0 .LBB2_26-.Ltmp12, $4  }
0x27c: {  	v0 =	vld [tilespmem:s12+$0x60]  }
0x27d: {  	v7 =	vld.idx.msk [tilespmem:v5+s8+$0x0], $0xffff  }
0x27e: {  	v5 =	vld.idx.msk [tilespmem:v3+s8+$0x0], $0xffff  }
0x27f: {  	v3 =	vld.idx.msk [tilespmem:v8+s8+$0x0], $0xffff  }
0x280: {  	_ =	sdelay $0x3  }
0x281: {  	v6 =	vld.idx.msk [tilespmem:v6+s8+$0x0], $0xffff  }
0x282: {  	v4 =	vld.idx.msk [tilespmem:v4+s8+$0x0], $0xffff  }
0x283: {  	v2 =	vld.idx.msk [tilespmem:v2+s8+$0x0], $0xffff;
	[tilespmem:s12+$0xC070] =	vst v7  }
0x284: {  	v1 =	vld.idx.msk [tilespmem:v1+s8+$0x0], $0xffff;
	[tilespmem:s12+$0xC000] =	vst v5  }
0x285: {  	v0 =	vld.idx.msk [tilespmem:v0+s8+$0x0], $0xffff;
	[tilespmem:s12+$0xC010] =	vst v3  }
0x286: {  	[tilespmem:s12+$0xC020] =	vst v6  }
0x287: {  	[tilespmem:s12+$0xC030] =	vst v4  }
0x288: {  	[tilespmem:s12+$0xC040] =	vst v2  }
0x289: {  	[tilespmem:s12+$0xC050] =	vst v1  }
0x28a: {  	s11 =	simm.s32 $0x0;
	[tilespmem:s12+$0xC060] =	vst v0  }
0x28b: {  	[hbm4b:s24+s11] =	stream.linear.scatter [tilespmem:s9], [sflag:$0x1], $0x8000, $0x38;
	[tilespmem:$0x14000] =	vst v63  }
0x28c: {  	_ =	swait.ge [sflag:s5], $0x8000  }
0x28d: {  	s15 =	simm.s32 $0x0;
	[sflag:s5] =	ssyncset.done $0x0  }
0x28e: {  	s13 =	sand.u32 $0x1C00, s11;
	s14 =	rddreg [dreg:$0xd];
	[sflag:s5] =	ssyncadd.s32 $0xFFFF8000  }
0x28f: {  	[tilespmem:s8], [sflag:$0x1] =	stream.strided.gather [hbm4b:s14+s6], $0x4000, s7, s6, $0x38;
	[tilespmem:$0x14000] =	vst v63  }
0x290: {  	s12 =	sand.u32 $0x6000, s15;
	s14 =	simm.s32 $0x0;
	_ =	swait.ge [sflag:s5], $0x4000  }
0x291: {  	s12 =	sor.u32 s13, s12;
	s17 =	sand.u32 $0x380, s14;
	[sflag:s5] =	ssyncset.done $0x0  }
0x292: {  	s12 =	sor.u32 s17, s12;
	[sflag:s5] =	ssyncadd.s32 $0xFFFFC000  }
0x293: {  	v3 =	vld [tilespmem:s12+$0x70]  }
0x294: {  	v5 =	vld [tilespmem:s12+$0x0]  }
0x295: {  	v8 =	vld [tilespmem:s12+$0x10]  }
0x296: {  	v6 =	vld [tilespmem:s12+$0x20]  }
0x297: {  	v4 =	vld [tilespmem:s12+$0x30]  }
0x298: {  	v2 =	vld [tilespmem:s12+$0x40]  }
0x299: {  	v1 =	vld [tilespmem:s12+$0x50]  }
0x29a: {  	v0 =	vld [tilespmem:s12+$0x60]  }
0x29b: {  	v7 =	vld.idx.msk [tilespmem:v3+s8+$0x0], $0xffff  }
0x29c: {  	v5 =	vld.idx.msk [tilespmem:v5+s8+$0x0], $0xffff  }
0x29d: {  	s13 =	simm.s32 $0x0;
	v3 =	vld.idx.msk [tilespmem:v8+s8+$0x0], $0xffff  }
.LBB2_28:
0x29e: {  	s13 =	sadd.s32 $0x8, s13;
	v6 =	vld.idx.msk [tilespmem:v6+s8+$0x0], $0xffff  }
0x29f: {  	s11 =	sadd.s32 $0x400, s11;
	s14 =	sshll.u32 s13, $0x4;
	p0 =	slt.u32 s13, $0x7F8;
	v4 =	vld.idx.msk [tilespmem:v4+s8+$0x0], $0xffff  }
0x2a0: {  	s15 =	sand.u32 $0x1C00, s11;
	s17 =	sshll.u32 s13, $0x1;
	s14 =	sand.u32 $0x6000, s14;
	v2 =	vld.idx.msk [tilespmem:v2+s8+$0x0], $0xffff  }
0x2a1: {  	s14 =	sor.u32 s15, s14;
	s15 =	sand.u32 $0x380, s17;
	v1 =	vld.idx.msk [tilespmem:v1+s8+$0x0], $0xffff;
	[tilespmem:s12+$0xC070] =	vst v7  }
0x2a2: {  	s14 =	sor.u32 s15, s14;
	[tilespmem:s12+$0xC000] =	vst v5;
	v0 =	vld.idx.msk [tilespmem:v0+s8+$0x0], $0xffff  }
0x2a3: {  	v5 =	vld [tilespmem:s14+$0x70];
	[tilespmem:s12+$0xC010] =	vst v3  }
0x2a4: {  	v3 =	vld [tilespmem:s14+$0x0];
	[tilespmem:s12+$0xC020] =	vst v6  }
0x2a5: {  	v8 =	vld [tilespmem:s14+$0x10];
	[tilespmem:s12+$0xC030] =	vst v4  }
0x2a6: {  	v6 =	vld [tilespmem:s14+$0x20];
	[tilespmem:s12+$0xC040] =	vst v2  }
0x2a7: {  	v4 =	vld [tilespmem:s14+$0x30];
	[tilespmem:s12+$0xC050] =	vst v1  }
0x2a8: {  	v2 =	vld [tilespmem:s14+$0x40];
	[tilespmem:s12+$0xC060] =	vst v0;
	s12 =	smov.u32 s14  }
.Ltmp13:
0x2a9: {  	v1 =	vld [tilespmem:s12+$0x50];
	(pc) =	sbr.rel @p0 .LBB2_28-.Ltmp13, $4  }
0x2aa: {  	v0 =	vld [tilespmem:s12+$0x60]  }
0x2ab: {  	v7 =	vld.idx.msk [tilespmem:v5+s8+$0x0], $0xffff  }
0x2ac: {  	v5 =	vld.idx.msk [tilespmem:v3+s8+$0x0], $0xffff  }
0x2ad: {  	v3 =	vld.idx.msk [tilespmem:v8+s8+$0x0], $0xffff  }
0x2ae: {  	_ =	sdelay $0x3  }
0x2af: {  	v6 =	vld.idx.msk [tilespmem:v6+s8+$0x0], $0xffff  }
0x2b0: {  	v4 =	vld.idx.msk [tilespmem:v4+s8+$0x0], $0xffff  }
0x2b1: {  	v2 =	vld.idx.msk [tilespmem:v2+s8+$0x0], $0xffff;
	[tilespmem:s12+$0xC070] =	vst v7  }
0x2b2: {  	v1 =	vld.idx.msk [tilespmem:v1+s8+$0x0], $0xffff;
	[tilespmem:s12+$0xC000] =	vst v5  }
0x2b3: {  	v0 =	vld.idx.msk [tilespmem:v0+s8+$0x0], $0xffff;
	[tilespmem:s12+$0xC010] =	vst v3  }
0x2b4: {  	[tilespmem:s12+$0xC020] =	vst v6  }
0x2b5: {  	[tilespmem:s12+$0xC030] =	vst v4  }
0x2b6: {  	[tilespmem:s12+$0xC040] =	vst v2  }
0x2b7: {  	[tilespmem:s12+$0xC050] =	vst v1  }
0x2b8: {  	s11 =	simm.s32 $0x0;
	[tilespmem:s12+$0xC060] =	vst v0  }
0x2b9: {  	[hbm4b:s26+s11] =	stream.linear.scatter [tilespmem:s9], [sflag:$0x1], $0x8000, $0x38;
	[tilespmem:$0x14000] =	vst v63  }
0x2ba: {  	_ =	swait.ge [sflag:s5], $0x8000  }
0x2bb: {  	s15 =	simm.s32 $0x0;
	[sflag:s5] =	ssyncset.done $0x0  }
0x2bc: {  	s13 =	sand.u32 $0x1C00, s11;
	s14 =	rddreg [dreg:$0xf];
	[sflag:s5] =	ssyncadd.s32 $0xFFFF8000  }
0x2bd: {  	[tilespmem:s8], [sflag:$0x1] =	stream.strided.gather [hbm4b:s14+s6], $0x4000, s7, s6, $0x38;
	[tilespmem:$0x14000] =	vst v63  }
0x2be: {  	s12 =	sand.u32 $0x6000, s15;
	s14 =	simm.s32 $0x0;
	_ =	swait.ge [sflag:s5], $0x4000  }
0x2bf: {  	s12 =	sor.u32 s13, s12;
	s17 =	sand.u32 $0x380, s14;
	[sflag:s5] =	ssyncset.done $0x0  }
0x2c0: {  	s12 =	sor.u32 s17, s12;
	[sflag:s5] =	ssyncadd.s32 $0xFFFFC000  }
0x2c1: {  	v3 =	vld [tilespmem:s12+$0x70]  }
0x2c2: {  	v5 =	vld [tilespmem:s12+$0x0]  }
0x2c3: {  	v8 =	vld [tilespmem:s12+$0x10]  }
0x2c4: {  	v6 =	vld [tilespmem:s12+$0x20]  }
0x2c5: {  	v4 =	vld [tilespmem:s12+$0x30]  }
0x2c6: {  	v2 =	vld [tilespmem:s12+$0x40]  }
0x2c7: {  	v1 =	vld [tilespmem:s12+$0x50]  }
0x2c8: {  	v0 =	vld [tilespmem:s12+$0x60]  }
0x2c9: {  	v7 =	vld.idx.msk [tilespmem:v3+s8+$0x0], $0xffff  }
0x2ca: {  	v5 =	vld.idx.msk [tilespmem:v5+s8+$0x0], $0xffff  }
0x2cb: {  	s13 =	simm.s32 $0x0;
	v3 =	vld.idx.msk [tilespmem:v8+s8+$0x0], $0xffff  }
.LBB2_30:
0x2cc: {  	s13 =	sadd.s32 $0x8, s13;
	v6 =	vld.idx.msk [tilespmem:v6+s8+$0x0], $0xffff  }
0x2cd: {  	s11 =	sadd.s32 $0x400, s11;
	s14 =	sshll.u32 s13, $0x4;
	p0 =	slt.u32 s13, $0x7F8;
	v4 =	vld.idx.msk [tilespmem:v4+s8+$0x0], $0xffff  }
0x2ce: {  	s15 =	sand.u32 $0x1C00, s11;
	s17 =	sshll.u32 s13, $0x1;
	s14 =	sand.u32 $0x6000, s14;
	v2 =	vld.idx.msk [tilespmem:v2+s8+$0x0], $0xffff  }
0x2cf: {  	s14 =	sor.u32 s15, s14;
	s15 =	sand.u32 $0x380, s17;
	v1 =	vld.idx.msk [tilespmem:v1+s8+$0x0], $0xffff;
	[tilespmem:s12+$0xC070] =	vst v7  }
0x2d0: {  	s14 =	sor.u32 s15, s14;
	[tilespmem:s12+$0xC000] =	vst v5;
	v0 =	vld.idx.msk [tilespmem:v0+s8+$0x0], $0xffff  }
0x2d1: {  	v5 =	vld [tilespmem:s14+$0x70];
	[tilespmem:s12+$0xC010] =	vst v3  }
0x2d2: {  	v3 =	vld [tilespmem:s14+$0x0];
	[tilespmem:s12+$0xC020] =	vst v6  }
0x2d3: {  	v8 =	vld [tilespmem:s14+$0x10];
	[tilespmem:s12+$0xC030] =	vst v4  }
0x2d4: {  	v6 =	vld [tilespmem:s14+$0x20];
	[tilespmem:s12+$0xC040] =	vst v2  }
0x2d5: {  	v4 =	vld [tilespmem:s14+$0x30];
	[tilespmem:s12+$0xC050] =	vst v1  }
0x2d6: {  	v2 =	vld [tilespmem:s14+$0x40];
	[tilespmem:s12+$0xC060] =	vst v0;
	s12 =	smov.u32 s14  }
.Ltmp14:
0x2d7: {  	v1 =	vld [tilespmem:s12+$0x50];
	(pc) =	sbr.rel @p0 .LBB2_30-.Ltmp14, $4  }
0x2d8: {  	v0 =	vld [tilespmem:s12+$0x60]  }
0x2d9: {  	v7 =	vld.idx.msk [tilespmem:v5+s8+$0x0], $0xffff  }
0x2da: {  	v5 =	vld.idx.msk [tilespmem:v3+s8+$0x0], $0xffff  }
0x2db: {  	v3 =	vld.idx.msk [tilespmem:v8+s8+$0x0], $0xffff  }
0x2dc: {  	_ =	sdelay $0x3  }
0x2dd: {  	v6 =	vld.idx.msk [tilespmem:v6+s8+$0x0], $0xffff  }
0x2de: {  	v4 =	vld.idx.msk [tilespmem:v4+s8+$0x0], $0xffff  }
0x2df: {  	v2 =	vld.idx.msk [tilespmem:v2+s8+$0x0], $0xffff;
	[tilespmem:s12+$0xC070] =	vst v7  }
0x2e0: {  	v1 =	vld.idx.msk [tilespmem:v1+s8+$0x0], $0xffff;
	[tilespmem:s12+$0xC000] =	vst v5  }
0x2e1: {  	v0 =	vld.idx.msk [tilespmem:v0+s8+$0x0], $0xffff;
	[tilespmem:s12+$0xC010] =	vst v3  }
0x2e2: {  	[tilespmem:s12+$0xC020] =	vst v6  }
0x2e3: {  	[tilespmem:s12+$0xC030] =	vst v4  }
0x2e4: {  	[tilespmem:s12+$0xC040] =	vst v2  }
0x2e5: {  	[tilespmem:s12+$0xC050] =	vst v1  }
0x2e6: {  	s11 =	simm.s32 $0x0;
	[tilespmem:s12+$0xC060] =	vst v0  }
0x2e7: {  	[hbm4b:s28+s11] =	stream.linear.scatter [tilespmem:s9], [sflag:$0x1], $0x8000, $0x38;
	[tilespmem:$0x14000] =	vst v63  }
0x2e8: {  	_ =	swait.ge [sflag:s5], $0x8000  }
0x2e9: {  	[sflag:s5] =	ssyncset.done $0x0  }
0x2ea: {  	s15 =	simm.s32 $0x0;
	s14 =	simm.s32 $0x0;
	[sflag:s5] =	ssyncadd.s32 $0xFFFF8000  }
0x2eb: {  	[tilespmem:s8], [sflag:$0x1] =	stream.strided.gather [hbm4b:s18+s6], $0x4000, s7, s6, $0x38;
	[tilespmem:$0x14000] =	vst v63  }
0x2ec: {  	s13 =	sand.u32 $0x1C00, s11;
	s12 =	sand.u32 $0x6000, s15;
	_ =	swait.ge [sflag:s5], $0x4000  }
0x2ed: {  	s17 =	sand.u32 $0x380, s14;
	s12 =	sor.u32 s13, s12;
	[sflag:s5] =	ssyncset.done $0x0  }
0x2ee: {  	s12 =	sor.u32 s17, s12;
	[sflag:s5] =	ssyncadd.s32 $0xFFFFC000  }
0x2ef: {  	v3 =	vld [tilespmem:s12+$0x70]  }
0x2f0: {  	v5 =	vld [tilespmem:s12+$0x0]  }
0x2f1: {  	v8 =	vld [tilespmem:s12+$0x10]  }
0x2f2: {  	v6 =	vld [tilespmem:s12+$0x20]  }
0x2f3: {  	v4 =	vld [tilespmem:s12+$0x30]  }
0x2f4: {  	v2 =	vld [tilespmem:s12+$0x40]  }
0x2f5: {  	v1 =	vld [tilespmem:s12+$0x50]  }
0x2f6: {  	v0 =	vld [tilespmem:s12+$0x60]  }
0x2f7: {  	v7 =	vld.idx.msk [tilespmem:v3+s8+$0x0], $0xffff  }
0x2f8: {  	v5 =	vld.idx.msk [tilespmem:v5+s8+$0x0], $0xffff  }
0x2f9: {  	s13 =	simm.s32 $0x0;
	v3 =	vld.idx.msk [tilespmem:v8+s8+$0x0], $0xffff  }
.LBB2_32:
0x2fa: {  	s13 =	sadd.s32 $0x8, s13;
	v6 =	vld.idx.msk [tilespmem:v6+s8+$0x0], $0xffff  }
0x2fb: {  	s11 =	sadd.s32 $0x400, s11;
	s14 =	sshll.u32 s13, $0x4;
	p0 =	slt.u32 s13, $0x7F8;
	v4 =	vld.idx.msk [tilespmem:v4+s8+$0x0], $0xffff  }
0x2fc: {  	s15 =	sand.u32 $0x1C00, s11;
	s17 =	sshll.u32 s13, $0x1;
	s14 =	sand.u32 $0x6000, s14;
	v2 =	vld.idx.msk [tilespmem:v2+s8+$0x0], $0xffff  }
0x2fd: {  	s14 =	sor.u32 s15, s14;
	s15 =	sand.u32 $0x380, s17;
	v1 =	vld.idx.msk [tilespmem:v1+s8+$0x0], $0xffff;
	[tilespmem:s12+$0xC070] =	vst v7  }
0x2fe: {  	s14 =	sor.u32 s15, s14;
	[tilespmem:s12+$0xC000] =	vst v5;
	v0 =	vld.idx.msk [tilespmem:v0+s8+$0x0], $0xffff  }
0x2ff: {  	v5 =	vld [tilespmem:s14+$0x70];
	[tilespmem:s12+$0xC010] =	vst v3  }
0x300: {  	v3 =	vld [tilespmem:s14+$0x0];
	[tilespmem:s12+$0xC020] =	vst v6  }
0x301: {  	v8 =	vld [tilespmem:s14+$0x10];
	[tilespmem:s12+$0xC030] =	vst v4  }
0x302: {  	v6 =	vld [tilespmem:s14+$0x20];
	[tilespmem:s12+$0xC040] =	vst v2  }
0x303: {  	v4 =	vld [tilespmem:s14+$0x30];
	[tilespmem:s12+$0xC050] =	vst v1  }
0x304: {  	v2 =	vld [tilespmem:s14+$0x40];
	[tilespmem:s12+$0xC060] =	vst v0;
	s12 =	smov.u32 s14  }
.Ltmp15:
0x305: {  	v1 =	vld [tilespmem:s12+$0x50];
	(pc) =	sbr.rel @p0 .LBB2_32-.Ltmp15, $4  }
0x306: {  	v0 =	vld [tilespmem:s12+$0x60]  }
0x307: {  	v7 =	vld.idx.msk [tilespmem:v5+s8+$0x0], $0xffff  }
0x308: {  	v5 =	vld.idx.msk [tilespmem:v3+s8+$0x0], $0xffff  }
0x309: {  	v3 =	vld.idx.msk [tilespmem:v8+s8+$0x0], $0xffff  }
0x30a: {  	_ =	sdelay $0x3  }
0x30b: {  	v6 =	vld.idx.msk [tilespmem:v6+s8+$0x0], $0xffff  }
0x30c: {  	v4 =	vld.idx.msk [tilespmem:v4+s8+$0x0], $0xffff  }
0x30d: {  	v2 =	vld.idx.msk [tilespmem:v2+s8+$0x0], $0xffff;
	[tilespmem:s12+$0xC070] =	vst v7  }
0x30e: {  	v1 =	vld.idx.msk [tilespmem:v1+s8+$0x0], $0xffff;
	[tilespmem:s12+$0xC000] =	vst v5  }
0x30f: {  	v0 =	vld.idx.msk [tilespmem:v0+s8+$0x0], $0xffff;
	[tilespmem:s12+$0xC010] =	vst v3  }
0x310: {  	[tilespmem:s12+$0xC020] =	vst v6  }
0x311: {  	[tilespmem:s12+$0xC030] =	vst v4  }
0x312: {  	s10 =	sadd.s32 $0x1, s10;
	[tilespmem:s12+$0xC040] =	vst v2  }
0x313: {  	p0 =	sne.s32 s10, s30;
	[tilespmem:s12+$0xC050] =	vst v1  }
.Ltmp16:
0x314: {  	[tilespmem:s12+$0xC060] =	vst v0;
	(pc) =	sbr.rel @p0 .LBB2_1-.Ltmp16, $4  }
0x315: {  	[hbm4b:s29+s16] =	stream.linear.scatter [tilespmem:s9], [sflag:$0x1], $0x8000, $0x38;
	[tilespmem:$0x14000] =	vst v63  }
0x316: {  	_ =	swait.ge [sflag:s5], $0x8000  }
0x317: {  	[sflag:s5] =	ssyncset.done $0x0  }
0x318: {  	[sflag:s5] =	ssyncadd.s32 $0xFFFF8000  }
0x319: {  	_ =	sfence.sel $0x180000  }
0x31a: {  	[bflag:$0x0] =	sbarrier.arrive $0xFFFF  }
0x31b: {  	_ =	strace $0x90000047  }
0x31c: {  	s0 =	stileid.u32;
	[bflag:$0x2] =	sbarrier.arrive $0xFFFF  }
0x31d: {  	p0 =	sne.s32 s0, $0x0;
	s0 =	rddreg [dreg:$0x3]  }
0x31e: {  	s0 =	sadd.s32 @!p0 $0x100000, s0  }
0x31f: {  	[sflag:s0] =	ssyncadd.tile.s32 @!p0 $0x1;
	_ =	shalt  }
.Lfunc_end2:
_tile_overlayer_lowered:
.L_overlay_start_2:
0x320: {  	(tag) =	ssettag $0x2  }
0x321: {  	s0 =	rddreg [dreg:$0x0];
	s2 =	stileid.u32  }
0x322: {  	s1 =	rddreg [dreg:$0x1];
	p0 =	sne.s32 s2, $0x0  }
0x323: {  	s3 =	rddreg [dreg:$0x2];
	[bflag:$0x3] =	sbarrier.arrive $0xFFFF;
	s2 =	simm.s32 @!p0 $0x1C01  }
0x324: {  	[timem:s3], [sflag:s2] =	dma.local @!p0 [hbm:s0], s1  }
0x325: {  	s0 =	simm.s32 @!p0 $0x1  }
0x326: {  	_ =	swait.ge @!p0 [sflag:s0], s1  }
0x327: {  	s1 =	ssub.s32 @!p0 $0x0, s1;
	[sflag:s0] =	ssyncset.done @!p0 $0x0  }
0x328: {  	[sflag:s0] =	ssyncadd.s32 @!p0 s1  }
0x329: {  	[bflag:$0x3] =	sbarrier.arrive $0xFFFF  }
0x32a: {  	_ =	shalt  }

</sc_bundles>
